<compile_context>
chip_gen: v7x
topology: tpu7x:2x2x1
jax: 0.10.2.dev20260603
libtpu: 0.0.44.dev20260713+nightly
codegen_flags: <defaults>
</compile_context>

<pallas_src>
import functools

import jax
import jax.numpy as jnp
from jax import lax
from jax.experimental import pallas as pl
from jax.experimental.pallas import tpu as pltpu
from jax.experimental.pallas import tpu_sc as plsc

N = 10000
E = 320000
D = 128
H = 128
C = 64

NC = 2
NS = 16
NW = NC * NS
WIN = 128
NWIN = 80
NROW = E // WIN
NROWP = NW * NWIN
NPAD = 10240
RPT = NPAD // NS
CH = 16

_mesh = plsc.VectorSubcoreMesh(core_axis_name="c", subcore_axis_name="s")


def _sc_agg_body(with_deg, F, t_hbm, src_hbm, dst_hbm, *refs):
    if with_deg:
        (out_hbm, deg_hbm, src_c, dst_c, rows_v, ones_v, zdeg,
         acc_s, deg_s, sems, ssems) = refs
    else:
        out_hbm, src_c, dst_c, rows_v, acc_s, sems, ssems = refs
    cid = lax.axis_index("c")
    sid = lax.axis_index("s")
    wid = sid * NC + cid
    base = wid * NWIN
    nwin = NWIN

    def _zero_rows(i, _):
        for c in range(F // 16):
            rows_v[0, i, pl.ds(c * 16, 16)] = jnp.zeros((16,), jnp.float32)
        return 0
    lax.fori_loop(0, WIN, _zero_rows, 0)
    for k in range(RPT // WIN):
        pltpu.sync_copy(rows_v.at[0],
                        acc_s.at[pl.ds(sid * RPT + k * WIN, WIN)])
    if with_deg:
        def _zero_zdeg(i, _):
            zdeg[pl.ds(i * 16, 16)] = jnp.zeros((16,), jnp.float32)
            return 0
        lax.fori_loop(0, RPT // 16, _zero_zdeg, 0)
        pltpu.sync_copy(zdeg, deg_s.at[pl.ds(sid * RPT, RPT)])
        def _fill_ones(i, _):
            ones_v[pl.ds(i * 16, 16)] = jnp.ones((16,), jnp.float32)
            return 0
        lax.fori_loop(0, WIN // 16, _fill_ones, 0)
    plsc.subcore_barrier()

    def _refill(c, pb):
        pltpu.sync_copy(src_hbm.at[pl.ds(base + c * CH, CH)], src_c.at[pb])
        pltpu.sync_copy(dst_hbm.at[pl.ds(base + c * CH, CH)], dst_c.at[pb])

    _refill(0, 0)
    pltpu.async_copy(t_hbm.at[src_c.at[0, 0]], rows_v.at[0], sems.at[0])

    def _body(w, _):
        b = lax.rem(w, 2)
        nb = 1 - b
        c = w // CH
        s = lax.rem(w, CH)
        pb = lax.rem(c, 2)

        @pl.when(jnp.logical_and(s == CH - 1, w + 1 < nwin))
        def _():
            _refill(c + 1, 1 - pb)

        @pl.when(w >= 1)
        def _():
            pltpu.make_async_copy(rows_v.at[nb],
                                  acc_s.at[dst_c.at[pb, s]],
                                  ssems.at[nb]).wait()

        @pl.when(w + 1 < nwin)
        def _():
            pb2 = lax.rem((w + 1) // CH, 2)
            s2 = lax.rem(w + 1, CH)
            pltpu.async_copy(t_hbm.at[src_c.at[pb2, s2]],
                             rows_v.at[nb], sems.at[nb])

        pltpu.make_async_copy(t_hbm.at[src_c.at[pb, s]], rows_v.at[b],
                              sems.at[b]).wait()
        pltpu.async_copy(rows_v.at[b], acc_s.at[dst_c.at[pb, s]],
                         ssems.at[b], add=True)
        if with_deg:
            pltpu.sync_copy(ones_v, deg_s.at[dst_c.at[pb, s]], add=True)
        return 0

    lax.fori_loop(0, nwin, _body, 0)
    wl = nwin - 1
    pltpu.make_async_copy(
        rows_v.at[wl % 2],
        acc_s.at[dst_c.at[(wl // CH) % 2, wl % CH]],
        ssems.at[wl % 2]).wait()
    plsc.subcore_barrier()

    oslc = pl.ds(sid * RPT, RPT)
    pltpu.sync_copy(acc_s.at[oslc], out_hbm.at[cid, oslc])
    if with_deg:
        pltpu.sync_copy(deg_s.at[oslc], deg_hbm.at[cid, oslc])


def _make_sc_agg(F, with_deg):
    out_type = [jax.ShapeDtypeStruct((NC, NPAD, F), jnp.float32)]
    scratch = [
        pltpu.VMEM((2, CH, WIN), jnp.int32),
        pltpu.VMEM((2, CH, WIN), jnp.int32),
        pltpu.VMEM((2, WIN, F), jnp.float32),
    ]
    if with_deg:
        out_type.append(jax.ShapeDtypeStruct((NC, NPAD), jnp.float32))
        scratch.append(pltpu.VMEM((WIN,), jnp.float32))
        scratch.append(pltpu.VMEM((RPT,), jnp.float32))
    scratch.append(pltpu.VMEM_SHARED((NPAD, F), jnp.float32))
    if with_deg:
        scratch.append(pltpu.VMEM_SHARED((NPAD,), jnp.float32))
    scratch.append(pltpu.SemaphoreType.DMA((2,)))
    scratch.append(pltpu.SemaphoreType.DMA((2,)))
    if not with_deg:
        out_type = out_type[0]
    return pl.kernel(
        functools.partial(_sc_agg_body, with_deg, F),
        out_type=out_type, mesh=_mesh, scratch_types=scratch)


_sc_agg_deg = _make_sc_agg(H, True)
_sc_agg_h = _make_sc_agg(H, False)


BLK = 1024


def _mm0_body(x_ref, w_ref, o_ref):
    o_ref[...] = jnp.dot(x_ref[...], w_ref[...],
                         preferred_element_type=jnp.float32)


def _mid_body(a0_ref, a1_ref, d0_ref, d1_ref, b_ref, w_ref, o_ref):
    inv = 1.0 / jnp.maximum(d0_ref[0] + d1_ref[0], 1.0)
    h = jnp.maximum((a0_ref[0] + a1_ref[0]) * inv + b_ref[...], 0.0)
    o_ref[...] = jnp.dot(h, w_ref[...], preferred_element_type=jnp.float32)


def _act_body(a0_ref, a1_ref, d0_ref, d1_ref, b_ref, o_ref):
    inv = 1.0 / jnp.maximum(d0_ref[0] + d1_ref[0], 1.0)
    o_ref[...] = jnp.maximum(
        (a0_ref[0] + a1_ref[0]) * inv + b_ref[...], 0.0)


def _fin_body(a0_ref, a1_ref, d0_ref, d1_ref, b_ref, w_ref, o_ref):
    inv = 1.0 / jnp.maximum(d0_ref[0] + d1_ref[0], 1.0)
    agg = (a0_ref[0] + a1_ref[0]) * inv
    o_ref[...] = jnp.dot(agg, w_ref[...],
                         preferred_element_type=jnp.float32) + b_ref[...]


def _row_spec(F):
    return pl.BlockSpec((BLK, F), lambda i: (i, 0))


def _part_spec(F, p):
    return pl.BlockSpec((1, BLK, F), lambda i, _p=p: (_p, i, 0))


def _full_spec(shape):
    return pl.BlockSpec(shape, lambda i: tuple(0 for _ in shape))


def _tc_mm0(x, W):
    return pl.pallas_call(
        _mm0_body,
        grid=(NPAD // BLK,),
        in_specs=[_row_spec(D), _full_spec((D, H))],
        out_specs=_row_spec(H),
        out_shape=jax.ShapeDtypeStruct((NPAD, H), jnp.float32),
    )(x, W)


def _tc_mid(agg, deg3, b, W):
    return pl.pallas_call(
        _mid_body,
        grid=(NPAD // BLK,),
        in_specs=[_part_spec(H, 0), _part_spec(H, 1),
                  _part_spec(1, 0), _part_spec(1, 1),
                  _full_spec((1, H)), _full_spec((H, H))],
        out_specs=_row_spec(H),
        out_shape=jax.ShapeDtypeStruct((NPAD, H), jnp.float32),
    )(agg, agg, deg3, deg3, b, W)


def _tc_act(agg, deg3, b):
    return pl.pallas_call(
        _act_body,
        grid=(NPAD // BLK,),
        in_specs=[_part_spec(H, 0), _part_spec(H, 1),
                  _part_spec(1, 0), _part_spec(1, 1),
                  _full_spec((1, H))],
        out_specs=_row_spec(H),
        out_shape=jax.ShapeDtypeStruct((NPAD, H), jnp.float32),
    )(agg, agg, deg3, deg3, b)


def _tc_fin(agg, deg3, b, W):
    return pl.pallas_call(
        _fin_body,
        grid=(NPAD // BLK,),
        in_specs=[_part_spec(H, 0), _part_spec(H, 1),
                  _part_spec(1, 0), _part_spec(1, 1),
                  _full_spec((1, C)), _full_spec((H, C))],
        out_specs=_row_spec(C),
        out_shape=jax.ShapeDtypeStruct((NPAD, C), jnp.float32),
    )(agg, agg, deg3, deg3, b, W)


def kernel(x, edge_index, W1, b1, W2, b2, W3, b3):
    npadrows = (NROWP - NROW) * WIN
    pad = (N + (jnp.arange(npadrows, dtype=jnp.int32) % (NPAD - N))
           ).reshape(NROWP - NROW, WIN)
    srcp = jnp.concatenate([edge_index[0].reshape(NROW, WIN), pad])
    dstp = jnp.concatenate([edge_index[1].reshape(NROW, WIN), pad])

    t1 = _tc_mm0(x, W1)
    agg1, deg = _sc_agg_deg(t1, srcp, dstp)
    deg3 = deg.reshape(NC, NPAD, 1)
    t2 = _tc_mid(agg1, deg3, b1.reshape(1, H), W2)
    agg2 = _sc_agg_h(t2, srcp, dstp)
    h2 = _tc_act(agg2, deg3, b2.reshape(1, H))
    agg3 = _sc_agg_h(h2, srcp, dstp)
    out = _tc_fin(agg3, deg3, b3.reshape(1, C), W3)
    return out[:N]

# --- scband reference (transcript-rebuilt; emitter-appended) ---
"""Pipeline reference for scband-custom-6545530159136 (READ-ONLY COPY).

The authoritative reference and input builder live on the scoring server;
editing this copy changes nothing except your own understanding.
"""

import jax, jax.numpy as jnp
import numpy as np

N = 10000
E = 320000
D = 128
H = 128
C = 64


def setup_inputs(seed: int = 0) -> dict:
    key = jax.random.key(seed)
    ks = jax.random.split(key, 8)
    x = jax.random.normal(ks[0], (N, D), dtype=jnp.float32)
    edge_index = jax.random.randint(ks[1], (2, E), 0, N, dtype=jnp.int32)
    W1 = jax.random.normal(ks[2], (D, H), dtype=jnp.float32) * (1.0 / np.sqrt(D))
    b1 = jnp.zeros((H,), dtype=jnp.float32)
    W2 = jax.random.normal(ks[3], (H, H), dtype=jnp.float32) * (1.0 / np.sqrt(H))
    b2 = jnp.zeros((H,), dtype=jnp.float32)
    W3 = jax.random.normal(ks[4], (H, C), dtype=jnp.float32) * (1.0 / np.sqrt(H))
    b3 = jnp.zeros((C,), dtype=jnp.float32)
    return {"x": x, "edge_index": edge_index, "W1": W1, "b1": b1, "W2": W2, "b2": b2, "W3": W3, "b3": b3}


def reference(x, edge_index, W1, b1, W2, b2, W3, b3):
    # arch='ggg': GConv -> ReLU -> Dropout(p=0, identity) -> GConv -> ReLU -> Dropout -> GConv
    src = edge_index[0]
    dst = edge_index[1]

    def gconv(h, W, b):
        # gather neighbor features along edges, mean-aggregate into dst nodes, then linear
        msg = jnp.take(h, src, axis=0)
        agg = jax.ops.segment_sum(msg, dst, num_segments=N)
        deg = jax.ops.segment_sum(jnp.ones((E,), dtype=h.dtype), dst, num_segments=N)
        agg = agg / jnp.maximum(deg, 1.0)[:, None]
        return agg @ W + b

    h = gconv(x, W1, b1)
    h = jax.nn.relu(h)
    h = gconv(h, W2, b2)
    h = jax.nn.relu(h)
    h = gconv(h, W3, b3)
    return h

if __name__ == "__main__":
    import jax
    _d = setup_inputs()
    print(jax.jit(kernel)(*tuple(_d.values())))

</pallas_src>

<mosaic_0001>
#map = affine_map<(d0, d1) -> (0, 0)>
#map1 = affine_map<(d0, d1) -> (0, 0, 0)>
module attributes {stable_mosaic.version = 14 : i64} {
  func.func @_sc_agg_body(%arg0: i32, %arg1: i32, %arg2: memref<10240x128xf32, #tpu.memory_space<hbm>>, %arg3: memref<2560x128xi32, #tpu.memory_space<hbm>>, %arg4: memref<2560x128xi32, #tpu.memory_space<hbm>>, %arg5: memref<2x10240x128xf32, #tpu.memory_space<hbm>>, %arg6: memref<2x16x128xi32, #tpu.memory_space<vmem>>, %arg7: memref<2x16x128xi32, #tpu.memory_space<vmem>>, %arg8: memref<2x128x128xf32, #tpu.memory_space<vmem>>, %arg9: memref<10240x128xf32, #tpu.memory_space<vmem_shared>>, %arg10: memref<2x!tpu.dma_semaphore, #tpu.memory_space<semaphore_mem>>, %arg11: memref<2x!tpu.dma_semaphore, #tpu.memory_space<semaphore_mem>>) attributes {dimension_semantics = [#tpu.dimension_semantics<core_parallel>, #tpu.dimension_semantics<subcore_parallel>], iteration_bounds = array<i64: 2, 16>, scalar_prefetch = 0 : i64, scratch_operands = 6 : i64, tpu.core_type = #tpu.core_type<sc_vector_subcore>, window_params = [{transform_indices = #map}, {transform_indices = #map}, {transform_indices = #map}, {transform_indices = #map1}]} {
    %mul3A = arith.constant 2 : i32
    %mul3A_0 = arith.muli %arg1, %mul3A : i32
    %add3A = arith.addi %mul3A_0, %arg0 : i32
    %mul3A_1 = arith.constant 80 : i32
    %mul3A_2 = arith.muli %add3A, %mul3A_1 : i32
    %scan3A = arith.constant 0 : i32
    %scan3A_3 = arith.constant 0 : i32
    %scan3A_4 = arith.constant 128 : i32
    %scan3A_5 = arith.addi %scan3A_3, %scan3A_4 : i32
    %scan3A_6 = arith.constant 1 : i32
    %scan3A_7 = scf.for %scan3A_79 = %scan3A_3 to %scan3A_5 step %scan3A_6 iter_args(%scan3A_80 = %scan3A) -> (i32)  : i32 {
      %broadcast_in_dim3A = arith.constant 0.000000e+00 : f32
      %broadcast_in_dim3A_81 = vector.broadcast %broadcast_in_dim3A : f32 to vector<16xf32>
      %swap3A = arith.constant 0 : i32
      %swap3A_82 = arith.index_cast %swap3A : i32 to index
      %swap3A_83 = arith.index_cast %scan3A_79 : i32 to index
      %swap3A_84 = arith.constant 0 : index
      %swap3A_85 = tpu.vector_load %arg8[%swap3A_82, %swap3A_83, %swap3A_84] {strides = array<i32>} : memref<2x128x128xf32, #tpu.memory_space<vmem>>, vector<1x1x16xf32>,
      %swap3A_86 = vector.shape_cast %swap3A_85 : vector<1x1x16xf32> to vector<16xf32>
      %swap3A_87 = vector.shape_cast %broadcast_in_dim3A_81 : vector<16xf32> to vector<1x1x16xf32>
      tpu.vector_store %arg8[%swap3A_82, %swap3A_83, %swap3A_84], %swap3A_87 {strides = array<i32>} : memref<2x128x128xf32, #tpu.memory_space<vmem>>, vector<1x1x16xf32>,
      %broadcast_in_dim3A_88 = arith.constant 0.000000e+00 : f32
      %broadcast_in_dim3A_89 = vector.broadcast %broadcast_in_dim3A_88 : f32 to vector<16xf32>
      %swap3A_90 = arith.constant 0 : i32
      %swap3A_91 = arith.index_cast %swap3A_90 : i32 to index
      %swap3A_92 = arith.index_cast %scan3A_79 : i32 to index
      %swap3A_93 = arith.constant 16 : index
      %swap3A_94 = tpu.vector_load %arg8[%swap3A_91, %swap3A_92, %swap3A_93] {strides = array<i32>} : memref<2x128x128xf32, #tpu.memory_space<vmem>>, vector<1x1x16xf32>,
      %swap3A_95 = vector.shape_cast %swap3A_94 : vector<1x1x16xf32> to vector<16xf32>
      %swap3A_96 = vector.shape_cast %broadcast_in_dim3A_89 : vector<16xf32> to vector<1x1x16xf32>
      tpu.vector_store %arg8[%swap3A_91, %swap3A_92, %swap3A_93], %swap3A_96 {strides = array<i32>} : memref<2x128x128xf32, #tpu.memory_space<vmem>>, vector<1x1x16xf32>,
      %broadcast_in_dim3A_97 = arith.constant 0.000000e+00 : f32
      %broadcast_in_dim3A_98 = vector.broadcast %broadcast_in_dim3A_97 : f32 to vector<16xf32>
      %swap3A_99 = arith.constant 0 : i32
      %swap3A_100 = arith.index_cast %swap3A_99 : i32 to index
      %swap3A_101 = arith.index_cast %scan3A_79 : i32 to index
      %swap3A_102 = arith.constant 32 : index
      %swap3A_103 = tpu.vector_load %arg8[%swap3A_100, %swap3A_101, %swap3A_102] {strides = array<i32>} : memref<2x128x128xf32, #tpu.memory_space<vmem>>, vector<1x1x16xf32>,
      %swap3A_104 = vector.shape_cast %swap3A_103 : vector<1x1x16xf32> to vector<16xf32>
      %swap3A_105 = vector.shape_cast %broadcast_in_dim3A_98 : vector<16xf32> to vector<1x1x16xf32>
      tpu.vector_store %arg8[%swap3A_100, %swap3A_101, %swap3A_102], %swap3A_105 {strides = array<i32>} : memref<2x128x128xf32, #tpu.memory_space<vmem>>, vector<1x1x16xf32>,
      %broadcast_in_dim3A_106 = arith.constant 0.000000e+00 : f32
      %broadcast_in_dim3A_107 = vector.broadcast %broadcast_in_dim3A_106 : f32 to vector<16xf32>
      %swap3A_108 = arith.constant 0 : i32
      %swap3A_109 = arith.index_cast %swap3A_108 : i32 to index
      %swap3A_110 = arith.index_cast %scan3A_79 : i32 to index
      %swap3A_111 = arith.constant 48 : index
      %swap3A_112 = tpu.vector_load %arg8[%swap3A_109, %swap3A_110, %swap3A_111] {strides = array<i32>} : memref<2x128x128xf32, #tpu.memory_space<vmem>>, vector<1x1x16xf32>,
      %swap3A_113 = vector.shape_cast %swap3A_112 : vector<1x1x16xf32> to vector<16xf32>
      %swap3A_114 = vector.shape_cast %broadcast_in_dim3A_107 : vector<16xf32> to vector<1x1x16xf32>
      tpu.vector_store %arg8[%swap3A_109, %swap3A_110, %swap3A_111], %swap3A_114 {strides = array<i32>} : memref<2x128x128xf32, #tpu.memory_space<vmem>>, vector<1x1x16xf32>,
      %broadcast_in_dim3A_115 = arith.constant 0.000000e+00 : f32
      %broadcast_in_dim3A_116 = vector.broadcast %broadcast_in_dim3A_115 : f32 to vector<16xf32>
      %swap3A_117 = arith.constant 0 : i32
      %swap3A_118 = arith.index_cast %swap3A_117 : i32 to index
      %swap3A_119 = arith.index_cast %scan3A_79 : i32 to index
      %swap3A_120 = arith.constant 64 : index
      %swap3A_121 = tpu.vector_load %arg8[%swap3A_118, %swap3A_119, %swap3A_120] {strides = array<i32>} : memref<2x128x128xf32, #tpu.memory_space<vmem>>, vector<1x1x16xf32>,
      %swap3A_122 = vector.shape_cast %swap3A_121 : vector<1x1x16xf32> to vector<16xf32>
      %swap3A_123 = vector.shape_cast %broadcast_in_dim3A_116 : vector<16xf32> to vector<1x1x16xf32>
      tpu.vector_store %arg8[%swap3A_118, %swap3A_119, %swap3A_120], %swap3A_123 {strides = array<i32>} : memref<2x128x128xf32, #tpu.memory_space<vmem>>, vector<1x1x16xf32>,
      %broadcast_in_dim3A_124 = arith.constant 0.000000e+00 : f32
      %broadcast_in_dim3A_125 = vector.broadcast %broadcast_in_dim3A_124 : f32 to vector<16xf32>
      %swap3A_126 = arith.constant 0 : i32
      %swap3A_127 = arith.index_cast %swap3A_126 : i32 to index
      %swap3A_128 = arith.index_cast %scan3A_79 : i32 to index
      %swap3A_129 = arith.constant 80 : index
      %swap3A_130 = tpu.vector_load %arg8[%swap3A_127, %swap3A_128, %swap3A_129] {strides = array<i32>} : memref<2x128x128xf32, #tpu.memory_space<vmem>>, vector<1x1x16xf32>,
      %swap3A_131 = vector.shape_cast %swap3A_130 : vector<1x1x16xf32> to vector<16xf32>
      %swap3A_132 = vector.shape_cast %broadcast_in_dim3A_125 : vector<16xf32> to vector<1x1x16xf32>
      tpu.vector_store %arg8[%swap3A_127, %swap3A_128, %swap3A_129], %swap3A_132 {strides = array<i32>} : memref<2x128x128xf32, #tpu.memory_space<vmem>>, vector<1x1x16xf32>,
      %broadcast_in_dim3A_133 = arith.constant 0.000000e+00 : f32
      %broadcast_in_dim3A_134 = vector.broadcast %broadcast_in_dim3A_133 : f32 to vector<16xf32>
      %swap3A_135 = arith.constant 0 : i32
      %swap3A_136 = arith.index_cast %swap3A_135 : i32 to index
      %swap3A_137 = arith.index_cast %scan3A_79 : i32 to index
      %swap3A_138 = arith.constant 96 : index
      %swap3A_139 = tpu.vector_load %arg8[%swap3A_136, %swap3A_137, %swap3A_138] {strides = array<i32>} : memref<2x128x128xf32, #tpu.memory_space<vmem>>, vector<1x1x16xf32>,
      %swap3A_140 = vector.shape_cast %swap3A_139 : vector<1x1x16xf32> to vector<16xf32>
      %swap3A_141 = vector.shape_cast %broadcast_in_dim3A_134 : vector<16xf32> to vector<1x1x16xf32>
      tpu.vector_store %arg8[%swap3A_136, %swap3A_137, %swap3A_138], %swap3A_141 {strides = array<i32>} : memref<2x128x128xf32, #tpu.memory_space<vmem>>, vector<1x1x16xf32>,
      %broadcast_in_dim3A_142 = arith.constant 0.000000e+00 : f32
      %broadcast_in_dim3A_143 = vector.broadcast %broadcast_in_dim3A_142 : f32 to vector<16xf32>
      %swap3A_144 = arith.constant 0 : i32
      %swap3A_145 = arith.index_cast %swap3A_144 : i32 to index
      %swap3A_146 = arith.index_cast %scan3A_79 : i32 to index
      %swap3A_147 = arith.constant 112 : index
      %swap3A_148 = tpu.vector_load %arg8[%swap3A_145, %swap3A_146, %swap3A_147] {strides = array<i32>} : memref<2x128x128xf32, #tpu.memory_space<vmem>>, vector<1x1x16xf32>,
      %swap3A_149 = vector.shape_cast %swap3A_148 : vector<1x1x16xf32> to vector<16xf32>
      %swap3A_150 = vector.shape_cast %broadcast_in_dim3A_143 : vector<16xf32> to vector<1x1x16xf32>
      tpu.vector_store %arg8[%swap3A_145, %swap3A_146, %swap3A_147], %swap3A_150 {strides = array<i32>} : memref<2x128x128xf32, #tpu.memory_space<vmem>>, vector<1x1x16xf32>,
      %scan3A_151 = arith.constant 0 : i32
      scf.yield %scan3A_151 : i32
    }
    %scan3A_8 = arith.constant 128 : i32
    %mul3A_9 = arith.constant 640 : i32
    %mul3A_10 = arith.muli %arg1, %mul3A_9 : i32
    %add3A_11 = arith.constant 0 : i32
    %add3A_12 = arith.addi %mul3A_10, %add3A_11 : i32
    %run_scoped3A = arith.constant 0 : i32
    "tpu.region"() ({
      %run_scoped3A_79 = tpu.sem_alloc : memref<!tpu.dma_semaphore, #tpu.memory_space<semaphore_mem>>
      %dma_start3A_80 = arith.constant 0 : i32
      %dma_start3A_81 = arith.constant 0 : i32
      %dma_start3A_82 = tpu.memref_slice %arg8[%run_scoped3A, %dma_start3A_80, %dma_start3A_81] : memref<2x128x128xf32, #tpu.memory_space<vmem>> -> memref<1x128x128xf32, #tpu.memory_space<vmem>>
      %dma_start3A_83 = tpu.memref_squeeze %dma_start3A_82 : memref<1x128x128xf32, #tpu.memory_space<vmem>> -> memref<128x128xf32, #tpu.memory_space<vmem>>
      %dma_start3A_84 = arith.constant 0 : i32
      %dma_start3A_85 = tpu.memref_slice %arg9[%add3A_12, %dma_start3A_84] : memref<10240x128xf32, #tpu.memory_space<vmem_shared>> -> memref<128x128xf32, #tpu.memory_space<vmem_shared>>
      %dma_start3A_86 = arith.constant 0 : i32
      %dma_start3A_87 = tpu.memref_slice %arg9[%add3A_12, %dma_start3A_86] : memref<10240x128xf32, #tpu.memory_space<vmem_shared>> -> memref<128x128xf32, #tpu.memory_space<vmem_shared>>
      %dma_start3A_88 = arith.constant 0 : i32
      %dma_start3A_89 = arith.constant 0 : i32
      %dma_start3A_90 = tpu.memref_slice %arg8[%run_scoped3A, %dma_start3A_88, %dma_start3A_89] : memref<2x128x128xf32, #tpu.memory_space<vmem>> -> memref<1x128x128xf32, #tpu.memory_space<vmem>>
      %dma_start3A_91 = tpu.memref_squeeze %dma_start3A_90 : memref<1x128x128xf32, #tpu.memory_space<vmem>> -> memref<128x128xf32, #tpu.memory_space<vmem>>
      tpu.enqueue_dma source(%dma_start3A_91 : memref<128x128xf32, #tpu.memory_space<vmem>>) target(%dma_start3A_87 : memref<128x128xf32, #tpu.memory_space<vmem_shared>>) target_semaphore(%run_scoped3A_79 : memref<!tpu.dma_semaphore, #tpu.memory_space<semaphore_mem>>)
      %dma_wait3A_92 = arith.constant 0 : i32
      %dma_wait3A_93 = arith.constant 0 : i32
      %dma_wait3A_94 = tpu.memref_slice %arg8[%run_scoped3A, %dma_wait3A_92, %dma_wait3A_93] : memref<2x128x128xf32, #tpu.memory_space<vmem>> -> memref<1x128x128xf32, #tpu.memory_space<vmem>>
      %dma_wait3A_95 = tpu.memref_squeeze %dma_wait3A_94 : memref<1x128x128xf32, #tpu.memory_space<vmem>> -> memref<128x128xf32, #tpu.memory_space<vmem>>
      %dma_wait3A_96 = arith.constant 0 : i32
      %dma_wait3A_97 = tpu.memref_slice %arg9[%add3A_12, %dma_wait3A_96] : memref<10240x128xf32, #tpu.memory_space<vmem_shared>> -> memref<128x128xf32, #tpu.memory_space<vmem_shared>>
      %dma_wait3A_98 = arith.constant 0 : i32
      %dma_wait3A_99 = tpu.memref_slice %arg9[%add3A_12, %dma_wait3A_98] : memref<10240x128xf32, #tpu.memory_space<vmem_shared>> -> memref<128x128xf32, #tpu.memory_space<vmem_shared>>
      %dma_wait3A_100 = arith.constant 0 : i32
      %dma_wait3A_101 = arith.constant 0 : i32
      %dma_wait3A_102 = tpu.memref_slice %arg8[%run_scoped3A, %dma_wait3A_100, %dma_wait3A_101] : memref<2x128x128xf32, #tpu.memory_space<vmem>> -> memref<1x128x128xf32, #tpu.memory_space<vmem>>
      %dma_wait3A_103 = tpu.memref_squeeze %dma_wait3A_102 : memref<1x128x128xf32, #tpu.memory_space<vmem>> -> memref<128x128xf32, #tpu.memory_space<vmem>>
      tpu.wait_dma2 semaphore(%run_scoped3A_79 : memref<!tpu.dma_semaphore, #tpu.memory_space<semaphore_mem>>) src(%dma_wait3A_103 : memref<128x128xf32, #tpu.memory_space<vmem>>) dst(%dma_wait3A_99 : memref<128x128xf32, #tpu.memory_space<vmem_shared>>)
      tpu.yield
    }) : () -> ()
    %mul3A_13 = arith.constant 640 : i32
    %mul3A_14 = arith.muli %arg1, %mul3A_13 : i32
    %add3A_15 = arith.constant 128 : i32
    %add3A_16 = arith.addi %mul3A_14, %add3A_15 : i32
    %run_scoped3A_17 = arith.constant 0 : i32
    "tpu.region"() ({
      %run_scoped3A_79 = tpu.sem_alloc : memref<!tpu.dma_semaphore, #tpu.memory_space<semaphore_mem>>
      %dma_start3A_80 = arith.constant 0 : i32
      %dma_start3A_81 = arith.constant 0 : i32
      %dma_start3A_82 = tpu.memref_slice %arg8[%run_scoped3A_17, %dma_start3A_80, %dma_start3A_81] : memref<2x128x128xf32, #tpu.memory_space<vmem>> -> memref<1x128x128xf32, #tpu.memory_space<vmem>>
      %dma_start3A_83 = tpu.memref_squeeze %dma_start3A_82 : memref<1x128x128xf32, #tpu.memory_space<vmem>> -> memref<128x128xf32, #tpu.memory_space<vmem>>
      %dma_start3A_84 = arith.constant 0 : i32
      %dma_start3A_85 = tpu.memref_slice %arg9[%add3A_16, %dma_start3A_84] : memref<10240x128xf32, #tpu.memory_space<vmem_shared>> -> memref<128x128xf32, #tpu.memory_space<vmem_shared>>
      %dma_start3A_86 = arith.constant 0 : i32
      %dma_start3A_87 = tpu.memref_slice %arg9[%add3A_16, %dma_start3A_86] : memref<10240x128xf32, #tpu.memory_space<vmem_shared>> -> memref<128x128xf32, #tpu.memory_space<vmem_shared>>
      %dma_start3A_88 = arith.constant 0 : i32
      %dma_start3A_89 = arith.constant 0 : i32
      %dma_start3A_90 = tpu.memref_slice %arg8[%run_scoped3A_17, %dma_start3A_88, %dma_start3A_89] : memref<2x128x128xf32, #tpu.memory_space<vmem>> -> memref<1x128x128xf32, #tpu.memory_space<vmem>>
      %dma_start3A_91 = tpu.memref_squeeze %dma_start3A_90 : memref<1x128x128xf32, #tpu.memory_space<vmem>> -> memref<128x128xf32, #tpu.memory_space<vmem>>
      tpu.enqueue_dma source(%dma_start3A_91 : memref<128x128xf32, #tpu.memory_space<vmem>>) target(%dma_start3A_87 : memref<128x128xf32, #tpu.memory_space<vmem_shared>>) target_semaphore(%run_scoped3A_79 : memref<!tpu.dma_semaphore, #tpu.memory_space<semaphore_mem>>)
      %dma_wait3A_92 = arith.constant 0 : i32
      %dma_wait3A_93 = arith.constant 0 : i32
      %dma_wait3A_94 = tpu.memref_slice %arg8[%run_scoped3A_17, %dma_wait3A_92, %dma_wait3A_93] : memref<2x128x128xf32, #tpu.memory_space<vmem>> -> memref<1x128x128xf32, #tpu.memory_space<vmem>>
      %dma_wait3A_95 = tpu.memref_squeeze %dma_wait3A_94 : memref<1x128x128xf32, #tpu.memory_space<vmem>> -> memref<128x128xf32, #tpu.memory_space<vmem>>
      %dma_wait3A_96 = arith.constant 0 : i32
      %dma_wait3A_97 = tpu.memref_slice %arg9[%add3A_16, %dma_wait3A_96] : memref<10240x128xf32, #tpu.memory_space<vmem_shared>> -> memref<128x128xf32, #tpu.memory_space<vmem_shared>>
      %dma_wait3A_98 = arith.constant 0 : i32
      %dma_wait3A_99 = tpu.memref_slice %arg9[%add3A_16, %dma_wait3A_98] : memref<10240x128xf32, #tpu.memory_space<vmem_shared>> -> memref<128x128xf32, #tpu.memory_space<vmem_shared>>
      %dma_wait3A_100 = arith.constant 0 : i32
      %dma_wait3A_101 = arith.constant 0 : i32
      %dma_wait3A_102 = tpu.memref_slice %arg8[%run_scoped3A_17, %dma_wait3A_100, %dma_wait3A_101] : memref<2x128x128xf32, #tpu.memory_space<vmem>> -> memref<1x128x128xf32, #tpu.memory_space<vmem>>
      %dma_wait3A_103 = tpu.memref_squeeze %dma_wait3A_102 : memref<1x128x128xf32, #tpu.memory_space<vmem>> -> memref<128x128xf32, #tpu.memory_space<vmem>>
      tpu.wait_dma2 semaphore(%run_scoped3A_79 : memref<!tpu.dma_semaphore, #tpu.memory_space<semaphore_mem>>) src(%dma_wait3A_103 : memref<128x128xf32, #tpu.memory_space<vmem>>) dst(%dma_wait3A_99 : memref<128x128xf32, #tpu.memory_space<vmem_shared>>)
      tpu.yield
    }) : () -> ()
    %mul3A_18 = arith.constant 640 : i32
    %mul3A_19 = arith.muli %arg1, %mul3A_18 : i32
    %add3A_20 = arith.constant 256 : i32
    %add3A_21 = arith.addi %mul3A_19, %add3A_20 : i32
    %run_scoped3A_22 = arith.constant 0 : i32
    "tpu.region"() ({
      %run_scoped3A_79 = tpu.sem_alloc : memref<!tpu.dma_semaphore, #tpu.memory_space<semaphore_mem>>
      %dma_start3A_80 = arith.constant 0 : i32
      %dma_start3A_81 = arith.constant 0 : i32
      %dma_start3A_82 = tpu.memref_slice %arg8[%run_scoped3A_22, %dma_start3A_80, %dma_start3A_81] : memref<2x128x128xf32, #tpu.memory_space<vmem>> -> memref<1x128x128xf32, #tpu.memory_space<vmem>>
      %dma_start3A_83 = tpu.memref_squeeze %dma_start3A_82 : memref<1x128x128xf32, #tpu.memory_space<vmem>> -> memref<128x128xf32, #tpu.memory_space<vmem>>
      %dma_start3A_84 = arith.constant 0 : i32
      %dma_start3A_85 = tpu.memref_slice %arg9[%add3A_21, %dma_start3A_84] : memref<10240x128xf32, #tpu.memory_space<vmem_shared>> -> memref<128x128xf32, #tpu.memory_space<vmem_shared>>
      %dma_start3A_86 = arith.constant 0 : i32
      %dma_start3A_87 = tpu.memref_slice %arg9[%add3A_21, %dma_start3A_86] : memref<10240x128xf32, #tpu.memory_space<vmem_shared>> -> memref<128x128xf32, #tpu.memory_space<vmem_shared>>
      %dma_start3A_88 = arith.constant 0 : i32
      %dma_start3A_89 = arith.constant 0 : i32
      %dma_start3A_90 = tpu.memref_slice %arg8[%run_scoped3A_22, %dma_start3A_88, %dma_start3A_89] : memref<2x128x128xf32, #tpu.memory_space<vmem>> -> memref<1x128x128xf32, #tpu.memory_space<vmem>>
      %dma_start3A_91 = tpu.memref_squeeze %dma_start3A_90 : memref<1x128x128xf32, #tpu.memory_space<vmem>> -> memref<128x128xf32, #tpu.memory_space<vmem>>
      tpu.enqueue_dma source(%dma_start3A_91 : memref<128x128xf32, #tpu.memory_space<vmem>>) target(%dma_start3A_87 : memref<128x128xf32, #tpu.memory_space<vmem_shared>>) target_semaphore(%run_scoped3A_79 : memref<!tpu.dma_semaphore, #tpu.memory_space<semaphore_mem>>)
      %dma_wait3A_92 = arith.constant 0 : i32
      %dma_wait3A_93 = arith.constant 0 : i32
      %dma_wait3A_94 = tpu.memref_slice %arg8[%run_scoped3A_22, %dma_wait3A_92, %dma_wait3A_93] : memref<2x128x128xf32, #tpu.memory_space<vmem>> -> memref<1x128x128xf32, #tpu.memory_space<vmem>>
      %dma_wait3A_95 = tpu.memref_squeeze %dma_wait3A_94 : memref<1x128x128xf32, #tpu.memory_space<vmem>> -> memref<128x128xf32, #tpu.memory_space<vmem>>
      %dma_wait3A_96 = arith.constant 0 : i32
      %dma_wait3A_97 = tpu.memref_slice %arg9[%add3A_21, %dma_wait3A_96] : memref<10240x128xf32, #tpu.memory_space<vmem_shared>> -> memref<128x128xf32, #tpu.memory_space<vmem_shared>>
      %dma_wait3A_98 = arith.constant 0 : i32
      %dma_wait3A_99 = tpu.memref_slice %arg9[%add3A_21, %dma_wait3A_98] : memref<10240x128xf32, #tpu.memory_space<vmem_shared>> -> memref<128x128xf32, #tpu.memory_space<vmem_shared>>
      %dma_wait3A_100 = arith.constant 0 : i32
      %dma_wait3A_101 = arith.constant 0 : i32
      %dma_wait3A_102 = tpu.memref_slice %arg8[%run_scoped3A_22, %dma_wait3A_100, %dma_wait3A_101] : memref<2x128x128xf32, #tpu.memory_space<vmem>> -> memref<1x128x128xf32, #tpu.memory_space<vmem>>
      %dma_wait3A_103 = tpu.memref_squeeze %dma_wait3A_102 : memref<1x128x128xf32, #tpu.memory_space<vmem>> -> memref<128x128xf32, #tpu.memory_space<vmem>>
      tpu.wait_dma2 semaphore(%run_scoped3A_79 : memref<!tpu.dma_semaphore, #tpu.memory_space<semaphore_mem>>) src(%dma_wait3A_103 : memref<128x128xf32, #tpu.memory_space<vmem>>) dst(%dma_wait3A_99 : memref<128x128xf32, #tpu.memory_space<vmem_shared>>)
      tpu.yield
    }) : () -> ()
    %mul3A_23 = arith.constant 640 : i32
    %mul3A_24 = arith.muli %arg1, %mul3A_23 : i32
    %add3A_25 = arith.constant 384 : i32
    %add3A_26 = arith.addi %mul3A_24, %add3A_25 : i32
    %run_scoped3A_27 = arith.constant 0 : i32
    "tpu.region"() ({
      %run_scoped3A_79 = tpu.sem_alloc : memref<!tpu.dma_semaphore, #tpu.memory_space<semaphore_mem>>
      %dma_start3A_80 = arith.constant 0 : i32
      %dma_start3A_81 = arith.constant 0 : i32
      %dma_start3A_82 = tpu.memref_slice %arg8[%run_scoped3A_27, %dma_start3A_80, %dma_start3A_81] : memref<2x128x128xf32, #tpu.memory_space<vmem>> -> memref<1x128x128xf32, #tpu.memory_space<vmem>>
      %dma_start3A_83 = tpu.memref_squeeze %dma_start3A_82 : memref<1x128x128xf32, #tpu.memory_space<vmem>> -> memref<128x128xf32, #tpu.memory_space<vmem>>
      %dma_start3A_84 = arith.constant 0 : i32
      %dma_start3A_85 = tpu.memref_slice %arg9[%add3A_26, %dma_start3A_84] : memref<10240x128xf32, #tpu.memory_space<vmem_shared>> -> memref<128x128xf32, #tpu.memory_space<vmem_shared>>
      %dma_start3A_86 = arith.constant 0 : i32
      %dma_start3A_87 = tpu.memref_slice %arg9[%add3A_26, %dma_start3A_86] : memref<10240x128xf32, #tpu.memory_space<vmem_shared>> -> memref<128x128xf32, #tpu.memory_space<vmem_shared>>
      %dma_start3A_88 = arith.constant 0 : i32
      %dma_start3A_89 = arith.constant 0 : i32
      %dma_start3A_90 = tpu.memref_slice %arg8[%run_scoped3A_27, %dma_start3A_88, %dma_start3A_89] : memref<2x128x128xf32, #tpu.memory_space<vmem>> -> memref<1x128x128xf32, #tpu.memory_space<vmem>>
      %dma_start3A_91 = tpu.memref_squeeze %dma_start3A_90 : memref<1x128x128xf32, #tpu.memory_space<vmem>> -> memref<128x128xf32, #tpu.memory_space<vmem>>
      tpu.enqueue_dma source(%dma_start3A_91 : memref<128x128xf32, #tpu.memory_space<vmem>>) target(%dma_start3A_87 : memref<128x128xf32, #tpu.memory_space<vmem_shared>>) target_semaphore(%run_scoped3A_79 : memref<!tpu.dma_semaphore, #tpu.memory_space<semaphore_mem>>)
      %dma_wait3A_92 = arith.constant 0 : i32
      %dma_wait3A_93 = arith.constant 0 : i32
      %dma_wait3A_94 = tpu.memref_slice %arg8[%run_scoped3A_27, %dma_wait3A_92, %dma_wait3A_93] : memref<2x128x128xf32, #tpu.memory_space<vmem>> -> memref<1x128x128xf32, #tpu.memory_space<vmem>>
      %dma_wait3A_95 = tpu.memref_squeeze %dma_wait3A_94 : memref<1x128x128xf32, #tpu.memory_space<vmem>> -> memref<128x128xf32, #tpu.memory_space<vmem>>
      %dma_wait3A_96 = arith.constant 0 : i32
      %dma_wait3A_97 = tpu.memref_slice %arg9[%add3A_26, %dma_wait3A_96] : memref<10240x128xf32, #tpu.memory_space<vmem_shared>> -> memref<128x128xf32, #tpu.memory_space<vmem_shared>>
      %dma_wait3A_98 = arith.constant 0 : i32
      %dma_wait3A_99 = tpu.memref_slice %arg9[%add3A_26, %dma_wait3A_98] : memref<10240x128xf32, #tpu.memory_space<vmem_shared>> -> memref<128x128xf32, #tpu.memory_space<vmem_shared>>
      %dma_wait3A_100 = arith.constant 0 : i32
      %dma_wait3A_101 = arith.constant 0 : i32
      %dma_wait3A_102 = tpu.memref_slice %arg8[%run_scoped3A_27, %dma_wait3A_100, %dma_wait3A_101] : memref<2x128x128xf32, #tpu.memory_space<vmem>> -> memref<1x128x128xf32, #tpu.memory_space<vmem>>
      %dma_wait3A_103 = tpu.memref_squeeze %dma_wait3A_102 : memref<1x128x128xf32, #tpu.memory_space<vmem>> -> memref<128x128xf32, #tpu.memory_space<vmem>>
      tpu.wait_dma2 semaphore(%run_scoped3A_79 : memref<!tpu.dma_semaphore, #tpu.memory_space<semaphore_mem>>) src(%dma_wait3A_103 : memref<128x128xf32, #tpu.memory_space<vmem>>) dst(%dma_wait3A_99 : memref<128x128xf32, #tpu.memory_space<vmem_shared>>)
      tpu.yield
    }) : () -> ()
    %mul3A_28 = arith.constant 640 : i32
    %mul3A_29 = arith.muli %arg1, %mul3A_28 : i32
    %add3A_30 = arith.constant 512 : i32
    %add3A_31 = arith.addi %mul3A_29, %add3A_30 : i32
    %run_scoped3A_32 = arith.constant 0 : i32
    "tpu.region"() ({
      %run_scoped3A_79 = tpu.sem_alloc : memref<!tpu.dma_semaphore, #tpu.memory_space<semaphore_mem>>
      %dma_start3A_80 = arith.constant 0 : i32
      %dma_start3A_81 = arith.constant 0 : i32
      %dma_start3A_82 = tpu.memref_slice %arg8[%run_scoped3A_32, %dma_start3A_80, %dma_start3A_81] : memref<2x128x128xf32, #tpu.memory_space<vmem>> -> memref<1x128x128xf32, #tpu.memory_space<vmem>>
      %dma_start3A_83 = tpu.memref_squeeze %dma_start3A_82 : memref<1x128x128xf32, #tpu.memory_space<vmem>> -> memref<128x128xf32, #tpu.memory_space<vmem>>
      %dma_start3A_84 = arith.constant 0 : i32
      %dma_start3A_85 = tpu.memref_slice %arg9[%add3A_31, %dma_start3A_84] : memref<10240x128xf32, #tpu.memory_space<vmem_shared>> -> memref<128x128xf32, #tpu.memory_space<vmem_shared>>
      %dma_start3A_86 = arith.constant 0 : i32
      %dma_start3A_87 = tpu.memref_slice %arg9[%add3A_31, %dma_start3A_86] : memref<10240x128xf32, #tpu.memory_space<vmem_shared>> -> memref<128x128xf32, #tpu.memory_space<vmem_shared>>
      %dma_start3A_88 = arith.constant 0 : i32
      %dma_start3A_89 = arith.constant 0 : i32
      %dma_start3A_90 = tpu.memref_slice %arg8[%run_scoped3A_32, %dma_start3A_88, %dma_start3A_89] : memref<2x128x128xf32, #tpu.memory_space<vmem>> -> memref<1x128x128xf32, #tpu.memory_space<vmem>>
      %dma_start3A_91 = tpu.memref_squeeze %dma_start3A_90 : memref<1x128x128xf32, #tpu.memory_space<vmem>> -> memref<128x128xf32, #tpu.memory_space<vmem>>
      tpu.enqueue_dma source(%dma_start3A_91 : memref<128x128xf32, #tpu.memory_space<vmem>>) target(%dma_start3A_87 : memref<128x128xf32, #tpu.memory_space<vmem_shared>>) target_semaphore(%run_scoped3A_79 : memref<!tpu.dma_semaphore, #tpu.memory_space<semaphore_mem>>)
      %dma_wait3A_92 = arith.constant 0 : i32
      %dma_wait3A_93 = arith.constant 0 : i32
      %dma_wait3A_94 = tpu.memref_slice %arg8[%run_scoped3A_32, %dma_wait3A_92, %dma_wait3A_93] : memref<2x128x128xf32, #tpu.memory_space<vmem>> -> memref<1x128x128xf32, #tpu.memory_space<vmem>>
      %dma_wait3A_95 = tpu.memref_squeeze %dma_wait3A_94 : memref<1x128x128xf32, #tpu.memory_space<vmem>> -> memref<128x128xf32, #tpu.memory_space<vmem>>
      %dma_wait3A_96 = arith.constant 0 : i32
      %dma_wait3A_97 = tpu.memref_slice %arg9[%add3A_31, %dma_wait3A_96] : memref<10240x128xf32, #tpu.memory_space<vmem_shared>> -> memref<128x128xf32, #tpu.memory_space<vmem_shared>>
      %dma_wait3A_98 = arith.constant 0 : i32
      %dma_wait3A_99 = tpu.memref_slice %arg9[%add3A_31, %dma_wait3A_98] : memref<10240x128xf32, #tpu.memory_space<vmem_shared>> -> memref<128x128xf32, #tpu.memory_space<vmem_shared>>
      %dma_wait3A_100 = arith.constant 0 : i32
      %dma_wait3A_101 = arith.constant 0 : i32
      %dma_wait3A_102 = tpu.memref_slice %arg8[%run_scoped3A_32, %dma_wait3A_100, %dma_wait3A_101] : memref<2x128x128xf32, #tpu.memory_space<vmem>> -> memref<1x128x128xf32, #tpu.memory_space<vmem>>
      %dma_wait3A_103 = tpu.memref_squeeze %dma_wait3A_102 : memref<1x128x128xf32, #tpu.memory_space<vmem>> -> memref<128x128xf32, #tpu.memory_space<vmem>>
      tpu.wait_dma2 semaphore(%run_scoped3A_79 : memref<!tpu.dma_semaphore, #tpu.memory_space<semaphore_mem>>) src(%dma_wait3A_103 : memref<128x128xf32, #tpu.memory_space<vmem>>) dst(%dma_wait3A_99 : memref<128x128xf32, #tpu.memory_space<vmem_shared>>)
      tpu.yield
    }) : () -> ()
    %barrier3A = arith.constant 0 : index
    tpu.barrier barrier_id(%barrier3A)
    %add3A_33 = arith.constant 0 : i32
    %add3A_34 = arith.addi %mul3A_2, %add3A_33 : i32
    %run_scoped3A_35 = arith.constant 0 : i32
    "tpu.region"() ({
      %run_scoped3A_79 = tpu.sem_alloc : memref<!tpu.dma_semaphore, #tpu.memory_space<semaphore_mem>>
      %dma_start3A_80 = arith.constant 0 : i32
      %dma_start3A_81 = arith.constant 0 : i32
      %dma_start3A_82 = tpu.memref_slice %arg6[%run_scoped3A_35, %dma_start3A_80, %dma_start3A_81] : memref<2x16x128xi32, #tpu.memory_space<vmem>> -> memref<1x16x128xi32, #tpu.memory_space<vmem>>
      %dma_start3A_83 = tpu.memref_squeeze %dma_start3A_82 : memref<1x16x128xi32, #tpu.memory_space<vmem>> -> memref<16x128xi32, #tpu.memory_space<vmem>>
      %dma_start3A_84 = arith.constant 0 : i32
      %dma_start3A_85 = tpu.memref_slice %arg3[%add3A_34, %dma_start3A_84] : memref<2560x128xi32, #tpu.memory_space<hbm>> -> memref<16x128xi32, #tpu.memory_space<hbm>>
      %dma_start3A_86 = arith.constant 0 : i32
      %dma_start3A_87 = arith.constant 0 : i32
      %dma_start3A_88 = tpu.memref_slice %arg6[%run_scoped3A_35, %dma_start3A_86, %dma_start3A_87] : memref<2x16x128xi32, #tpu.memory_space<vmem>> -> memref<1x16x128xi32, #tpu.memory_space<vmem>>
      %dma_start3A_89 = tpu.memref_squeeze %dma_start3A_88 : memref<1x16x128xi32, #tpu.memory_space<vmem>> -> memref<16x128xi32, #tpu.memory_space<vmem>>
      %dma_start3A_90 = arith.constant 0 : i32
      %dma_start3A_91 = tpu.memref_slice %arg3[%add3A_34, %dma_start3A_90] : memref<2560x128xi32, #tpu.memory_space<hbm>> -> memref<16x128xi32, #tpu.memory_space<hbm>>
      tpu.enqueue_dma source(%dma_start3A_91 : memref<16x128xi32, #tpu.memory_space<hbm>>) target(%dma_start3A_89 : memref<16x128xi32, #tpu.memory_space<vmem>>) target_semaphore(%run_scoped3A_79 : memref<!tpu.dma_semaphore, #tpu.memory_space<semaphore_mem>>)
      %dma_wait3A_92 = arith.constant 0 : i32
      %dma_wait3A_93 = arith.constant 0 : i32
      %dma_wait3A_94 = tpu.memref_slice %arg6[%run_scoped3A_35, %dma_wait3A_92, %dma_wait3A_93] : memref<2x16x128xi32, #tpu.memory_space<vmem>> -> memref<1x16x128xi32, #tpu.memory_space<vmem>>
      %dma_wait3A_95 = tpu.memref_squeeze %dma_wait3A_94 : memref<1x16x128xi32, #tpu.memory_space<vmem>> -> memref<16x128xi32, #tpu.memory_space<vmem>>
      %dma_wait3A_96 = arith.constant 0 : i32
      %dma_wait3A_97 = tpu.memref_slice %arg3[%add3A_34, %dma_wait3A_96] : memref<2560x128xi32, #tpu.memory_space<hbm>> -> memref<16x128xi32, #tpu.memory_space<hbm>>
      %dma_wait3A_98 = arith.constant 0 : i32
      %dma_wait3A_99 = arith.constant 0 : i32
      %dma_wait3A_100 = tpu.memref_slice %arg6[%run_scoped3A_35, %dma_wait3A_98, %dma_wait3A_99] : memref<2x16x128xi32, #tpu.memory_space<vmem>> -> memref<1x16x128xi32, #tpu.memory_space<vmem>>
      %dma_wait3A_101 = tpu.memref_squeeze %dma_wait3A_100 : memref<1x16x128xi32, #tpu.memory_space<vmem>> -> memref<16x128xi32, #tpu.memory_space<vmem>>
      %dma_wait3A_102 = arith.constant 0 : i32
      %dma_wait3A_103 = tpu.memref_slice %arg3[%add3A_34, %dma_wait3A_102] : memref<2560x128xi32, #tpu.memory_space<hbm>> -> memref<16x128xi32, #tpu.memory_space<hbm>>
      tpu.wait_dma2 semaphore(%run_scoped3A_79 : memref<!tpu.dma_semaphore, #tpu.memory_space<semaphore_mem>>) src(%dma_wait3A_103 : memref<16x128xi32, #tpu.memory_space<hbm>>) dst(%dma_wait3A_101 : memref<16x128xi32, #tpu.memory_space<vmem>>)
      tpu.yield
    }) : () -> ()
    %add3A_36 = arith.constant 0 : i32
    %add3A_37 = arith.addi %mul3A_2, %add3A_36 : i32
    %run_scoped3A_38 = arith.constant 0 : i32
    "tpu.region"() ({
      %run_scoped3A_79 = tpu.sem_alloc : memref<!tpu.dma_semaphore, #tpu.memory_space<semaphore_mem>>
      %dma_start3A_80 = arith.constant 0 : i32
      %dma_start3A_81 = arith.constant 0 : i32
      %dma_start3A_82 = tpu.memref_slice %arg7[%run_scoped3A_38, %dma_start3A_80, %dma_start3A_81] : memref<2x16x128xi32, #tpu.memory_space<vmem>> -> memref<1x16x128xi32, #tpu.memory_space<vmem>>
      %dma_start3A_83 = tpu.memref_squeeze %dma_start3A_82 : memref<1x16x128xi32, #tpu.memory_space<vmem>> -> memref<16x128xi32, #tpu.memory_space<vmem>>
      %dma_start3A_84 = arith.constant 0 : i32
      %dma_start3A_85 = tpu.memref_slice %arg4[%add3A_37, %dma_start3A_84] : memref<2560x128xi32, #tpu.memory_space<hbm>> -> memref<16x128xi32, #tpu.memory_space<hbm>>
      %dma_start3A_86 = arith.constant 0 : i32
      %dma_start3A_87 = arith.constant 0 : i32
      %dma_start3A_88 = tpu.memref_slice %arg7[%run_scoped3A_38, %dma_start3A_86, %dma_start3A_87] : memref<2x16x128xi32, #tpu.memory_space<vmem>> -> memref<1x16x128xi32, #tpu.memory_space<vmem>>
      %dma_start3A_89 = tpu.memref_squeeze %dma_start3A_88 : memref<1x16x128xi32, #tpu.memory_space<vmem>> -> memref<16x128xi32, #tpu.memory_space<vmem>>
      %dma_start3A_90 = arith.constant 0 : i32
      %dma_start3A_91 = tpu.memref_slice %arg4[%add3A_37, %dma_start3A_90] : memref<2560x128xi32, #tpu.memory_space<hbm>> -> memref<16x128xi32, #tpu.memory_space<hbm>>
      tpu.enqueue_dma source(%dma_start3A_91 : memref<16x128xi32, #tpu.memory_space<hbm>>) target(%dma_start3A_89 : memref<16x128xi32, #tpu.memory_space<vmem>>) target_semaphore(%run_scoped3A_79 : memref<!tpu.dma_semaphore, #tpu.memory_space<semaphore_mem>>)
      %dma_wait3A_92 = arith.constant 0 : i32
      %dma_wait3A_93 = arith.constant 0 : i32
      %dma_wait3A_94 = tpu.memref_slice %arg7[%run_scoped3A_38, %dma_wait3A_92, %dma_wait3A_93] : memref<2x16x128xi32, #tpu.memory_space<vmem>> -> memref<1x16x128xi32, #tpu.memory_space<vmem>>
      %dma_wait3A_95 = tpu.memref_squeeze %dma_wait3A_94 : memref<1x16x128xi32, #tpu.memory_space<vmem>> -> memref<16x128xi32, #tpu.memory_space<vmem>>
      %dma_wait3A_96 = arith.constant 0 : i32
      %dma_wait3A_97 = tpu.memref_slice %arg4[%add3A_37, %dma_wait3A_96] : memref<2560x128xi32, #tpu.memory_space<hbm>> -> memref<16x128xi32, #tpu.memory_space<hbm>>
      %dma_wait3A_98 = arith.constant 0 : i32
      %dma_wait3A_99 = arith.constant 0 : i32
      %dma_wait3A_100 = tpu.memref_slice %arg7[%run_scoped3A_38, %dma_wait3A_98, %dma_wait3A_99] : memref<2x16x128xi32, #tpu.memory_space<vmem>> -> memref<1x16x128xi32, #tpu.memory_space<vmem>>
      %dma_wait3A_101 = tpu.memref_squeeze %dma_wait3A_100 : memref<1x16x128xi32, #tpu.memory_space<vmem>> -> memref<16x128xi32, #tpu.memory_space<vmem>>
      %dma_wait3A_102 = arith.constant 0 : i32
      %dma_wait3A_103 = tpu.memref_slice %arg4[%add3A_37, %dma_wait3A_102] : memref<2560x128xi32, #tpu.memory_space<hbm>> -> memref<16x128xi32, #tpu.memory_space<hbm>>
      tpu.wait_dma2 semaphore(%run_scoped3A_79 : memref<!tpu.dma_semaphore, #tpu.memory_space<semaphore_mem>>) src(%dma_wait3A_103 : memref<16x128xi32, #tpu.memory_space<hbm>>) dst(%dma_wait3A_101 : memref<16x128xi32, #tpu.memory_space<vmem>>)
      tpu.yield
    }) : () -> ()
    %dma_start3A = arith.constant 0 : i32
    %dma_start3A_39 = arith.constant 0 : i32
    %dma_start3A_40 = arith.constant 0 : i32
    %dma_start3A_41 = arith.constant 0 : i32
    %dma_start3A_42 = arith.constant 0 : i32
    %dma_start3A_43 = arith.constant 0 : i32
    %dma_start3A_44 = tpu.memref_slice %arg8[%dma_start3A_40, %dma_start3A_42, %dma_start3A_43] : memref<2x128x128xf32, #tpu.memory_space<vmem>> -> memref<1x128x128xf32, #tpu.memory_space<vmem>>
    %dma_start3A_45 = tpu.memref_squeeze %dma_start3A_44 : memref<1x128x128xf32, #tpu.memory_space<vmem>> -> memref<128x128xf32, #tpu.memory_space<vmem>>
    %dma_start3A_46 = arith.constant 0 : i32
    %dma_start3A_47 = tpu.memref_slice %arg6[%dma_start3A, %dma_start3A_39, %dma_start3A_46] : memref<2x16x128xi32, #tpu.memory_space<vmem>> -> memref<1x1x128xi32, #tpu.memory_space<vmem>>
    %dma_start3A_48 = tpu.memref_squeeze %dma_start3A_47 : memref<1x1x128xi32, #tpu.memory_space<vmem>> -> memref<128xi32, #tpu.memory_space<vmem>>
    %dma_start3A_49 = arith.constant 0 : i32
    %dma_start3A_50 = arith.constant 0 : i32
    %dma_start3A_51 = tpu.memref_slice %arg2[%dma_start3A_49, %dma_start3A_50] : memref<10240x128xf32, #tpu.memory_space<hbm>> -> memref<10240x128xf32, #tpu.memory_space<hbm>>
    %dma_start3A_52 = tpu.memref_slice %arg10[%dma_start3A_41] : memref<2x!tpu.dma_semaphore, #tpu.memory_space<semaphore_mem>> -> memref<1x!tpu.dma_semaphore, #tpu.memory_space<semaphore_mem>>
    %dma_start3A_53 = tpu.memref_squeeze %dma_start3A_52 : memref<1x!tpu.dma_semaphore, #tpu.memory_space<semaphore_mem>> -> memref<!tpu.dma_semaphore, #tpu.memory_space<semaphore_mem>>
    tpu.enqueue_indirect_dma source(%dma_start3A_51 : memref<10240x128xf32, #tpu.memory_space<hbm>>) target(%dma_start3A_45 : memref<128x128xf32, #tpu.memory_space<vmem>>) offsets(%dma_start3A_48 : memref<128xi32, #tpu.memory_space<vmem>>) semaphore(%dma_start3A_53 : memref<!tpu.dma_semaphore, #tpu.memory_space<semaphore_mem>>)
    %scan3A_54 = arith.constant 0 : i32
    %scan3A_55 = arith.constant 0 : i32
    %scan3A_56 = arith.constant 80 : i32
    %scan3A_57 = arith.addi %scan3A_55, %scan3A_56 : i32
    %scan3A_58 = arith.constant 1 : i32
    %scan3A_59 = scf.for %scan3A_79 = %scan3A_55 to %scan3A_57 step %scan3A_58 iter_args(%scan3A_80 = %scan3A_54) -> (i32)  : i32 {
      %rem3A = arith.constant 2 : i32
      %rem3A_81 = arith.remsi %scan3A_79, %rem3A : i32
      %sub3A = arith.constant 1 : i32
      %sub3A_82 = arith.subi %sub3A, %rem3A_81 : i32
      %jit3A = arith.constant 16 : i32
      %div3A = arith.divsi %scan3A_79, %jit3A : i32
      %sign3A = arith.constant 0 : i32
      %sign3A_83 = arith.cmpi sgt, %scan3A_79, %sign3A : i32
      %sign3A_84 = arith.extui %sign3A_83 : i1 to i32
      %sign3A_85 = arith.constant 0 : i32
      %sign3A_86 = arith.cmpi slt, %scan3A_79, %sign3A_85 : i32
      %sign3A_87 = arith.extui %sign3A_86 : i1 to i32
      %sign3A_88 = arith.subi %sign3A_84, %sign3A_87 : i32
      %sign3A_89 = arith.constant 0 : i32
      %sign3A_90 = arith.cmpi sgt, %jit3A, %sign3A_89 : i32
      %sign3A_91 = arith.extui %sign3A_90 : i1 to i32
      %sign3A_92 = arith.constant 0 : i32
      %sign3A_93 = arith.cmpi slt, %jit3A, %sign3A_92 : i32
      %sign3A_94 = arith.extui %sign3A_93 : i1 to i32
      %sign3A_95 = arith.subi %sign3A_91, %sign3A_94 : i32
      %ne3A = arith.cmpi ne, %sign3A_88, %sign3A_95 : i32
      %rem3A_96 = arith.remsi %scan3A_79, %jit3A : i32
      %ne3A_97 = arith.constant 0 : i32
      %ne3A_98 = arith.cmpi ne, %rem3A_96, %ne3A_97 : i32
      %and3A = arith.andi %ne3A, %ne3A_98 : i1
      %sub3A_99 = arith.constant 1 : i32
      %sub3A_100 = arith.subi %div3A, %sub3A_99 : i32
      %select_n3A = arith.select %and3A, %sub3A_100, %div3A : i32
      %rem3A_101 = arith.constant 16 : i32
      %rem3A_102 = arith.remsi %scan3A_79, %rem3A_101 : i32
      %rem3A_103 = arith.constant 2 : i32
      %rem3A_104 = arith.remsi %select_n3A, %rem3A_103 : i32
      %eq3A = arith.constant 15 : i32
      %eq3A_105 = arith.cmpi eq, %rem3A_102, %eq3A : i32
      %add3A_106 = arith.constant 1 : i32
      %add3A_107 = arith.addi %scan3A_79, %add3A_106 : i32
      %lt3A = arith.constant 80 : i32
      %lt3A_108 = arith.cmpi slt, %add3A_107, %lt3A : i32
      %and3A_109 = arith.andi %eq3A_105, %lt3A_108 : i1
      %convert_element_type3A = arith.extui %and3A_109 : i1 to i32
      %cond3A = arith.constant 0 : i32
      %cond3A_110 = arith.cmpi ne, %convert_element_type3A, %cond3A : i32
      scf.if %cond3A_110 {
        %add3A_147 = arith.constant 1 : i32
        %add3A_148 = arith.addi %select_n3A, %add3A_147 : i32
        %sub3A_149 = arith.constant 1 : i32
        %sub3A_150 = arith.subi %sub3A_149, %rem3A_104 : i32
        %mul3A_151 = arith.constant 16 : i32
        %mul3A_152 = arith.muli %add3A_148, %mul3A_151 : i32
        %add3A_153 = arith.addi %mul3A_2, %mul3A_152 : i32
        "tpu.region"() ({
          %run_scoped3A_157 = tpu.sem_alloc : memref<!tpu.dma_semaphore, #tpu.memory_space<semaphore_mem>>
          %dma_start3A_158 = arith.constant 0 : i32
          %dma_start3A_159 = arith.constant 0 : i32
          %dma_start3A_160 = tpu.memref_slice %arg6[%sub3A_150, %dma_start3A_158, %dma_start3A_159] : memref<2x16x128xi32, #tpu.memory_space<vmem>> -> memref<1x16x128xi32, #tpu.memory_space<vmem>>
          %dma_start3A_161 = tpu.memref_squeeze %dma_start3A_160 : memref<1x16x128xi32, #tpu.memory_space<vmem>> -> memref<16x128xi32, #tpu.memory_space<vmem>>
          %dma_start3A_162 = arith.constant 0 : i32
          %dma_start3A_163 = tpu.memref_slice %arg3[%add3A_153, %dma_start3A_162] : memref<2560x128xi32, #tpu.memory_space<hbm>> -> memref<16x128xi32, #tpu.memory_space<hbm>>
          %dma_start3A_164 = arith.constant 0 : i32
          %dma_start3A_165 = arith.constant 0 : i32
          %dma_start3A_166 = tpu.memref_slice %arg6[%sub3A_150, %dma_start3A_164, %dma_start3A_165] : memref<2x16x128xi32, #tpu.memory_space<vmem>> -> memref<1x16x128xi32, #tpu.memory_space<vmem>>
          %dma_start3A_167 = tpu.memref_squeeze %dma_start3A_166 : memref<1x16x128xi32, #tpu.memory_space<vmem>> -> memref<16x128xi32, #tpu.memory_space<vmem>>
          %dma_start3A_168 = arith.constant 0 : i32
          %dma_start3A_169 = tpu.memref_slice %arg3[%add3A_153, %dma_start3A_168] : memref<2560x128xi32, #tpu.memory_space<hbm>> -> memref<16x128xi32, #tpu.memory_space<hbm>>
          tpu.enqueue_dma source(%dma_start3A_169 : memref<16x128xi32, #tpu.memory_space<hbm>>) target(%dma_start3A_167 : memref<16x128xi32, #tpu.memory_space<vmem>>) target_semaphore(%run_scoped3A_157 : memref<!tpu.dma_semaphore, #tpu.memory_space<semaphore_mem>>)
          %dma_wait3A_170 = arith.constant 0 : i32
          %dma_wait3A_171 = arith.constant 0 : i32
          %dma_wait3A_172 = tpu.memref_slice %arg6[%sub3A_150, %dma_wait3A_170, %dma_wait3A_171] : memref<2x16x128xi32, #tpu.memory_space<vmem>> -> memref<1x16x128xi32, #tpu.memory_space<vmem>>
          %dma_wait3A_173 = tpu.memref_squeeze %dma_wait3A_172 : memref<1x16x128xi32, #tpu.memory_space<vmem>> -> memref<16x128xi32, #tpu.memory_space<vmem>>
          %dma_wait3A_174 = arith.constant 0 : i32
          %dma_wait3A_175 = tpu.memref_slice %arg3[%add3A_153, %dma_wait3A_174] : memref<2560x128xi32, #tpu.memory_space<hbm>> -> memref<16x128xi32, #tpu.memory_space<hbm>>
          %dma_wait3A_176 = arith.constant 0 : i32
          %dma_wait3A_177 = arith.constant 0 : i32
          %dma_wait3A_178 = tpu.memref_slice %arg6[%sub3A_150, %dma_wait3A_176, %dma_wait3A_177] : memref<2x16x128xi32, #tpu.memory_space<vmem>> -> memref<1x16x128xi32, #tpu.memory_space<vmem>>
          %dma_wait3A_179 = tpu.memref_squeeze %dma_wait3A_178 : memref<1x16x128xi32, #tpu.memory_space<vmem>> -> memref<16x128xi32, #tpu.memory_space<vmem>>
          %dma_wait3A_180 = arith.constant 0 : i32
          %dma_wait3A_181 = tpu.memref_slice %arg3[%add3A_153, %dma_wait3A_180] : memref<2560x128xi32, #tpu.memory_space<hbm>> -> memref<16x128xi32, #tpu.memory_space<hbm>>
          tpu.wait_dma2 semaphore(%run_scoped3A_157 : memref<!tpu.dma_semaphore, #tpu.memory_space<semaphore_mem>>) src(%dma_wait3A_181 : memref<16x128xi32, #tpu.memory_space<hbm>>) dst(%dma_wait3A_179 : memref<16x128xi32, #tpu.memory_space<vmem>>)
          tpu.yield
        }) : () -> ()
        %mul3A_154 = arith.constant 16 : i32
        %mul3A_155 = arith.muli %add3A_148, %mul3A_154 : i32
        %add3A_156 = arith.addi %mul3A_2, %mul3A_155 : i32
        "tpu.region"() ({
          %run_scoped3A_157 = tpu.sem_alloc : memref<!tpu.dma_semaphore, #tpu.memory_space<semaphore_mem>>
          %dma_start3A_158 = arith.constant 0 : i32
          %dma_start3A_159 = arith.constant 0 : i32
          %dma_start3A_160 = tpu.memref_slice %arg7[%sub3A_150, %dma_start3A_158, %dma_start3A_159] : memref<2x16x128xi32, #tpu.memory_space<vmem>> -> memref<1x16x128xi32, #tpu.memory_space<vmem>>
          %dma_start3A_161 = tpu.memref_squeeze %dma_start3A_160 : memref<1x16x128xi32, #tpu.memory_space<vmem>> -> memref<16x128xi32, #tpu.memory_space<vmem>>
          %dma_start3A_162 = arith.constant 0 : i32
          %dma_start3A_163 = tpu.memref_slice %arg4[%add3A_156, %dma_start3A_162] : memref<2560x128xi32, #tpu.memory_space<hbm>> -> memref<16x128xi32, #tpu.memory_space<hbm>>
          %dma_start3A_164 = arith.constant 0 : i32
          %dma_start3A_165 = arith.constant 0 : i32
          %dma_start3A_166 = tpu.memref_slice %arg7[%sub3A_150, %dma_start3A_164, %dma_start3A_165] : memref<2x16x128xi32, #tpu.memory_space<vmem>> -> memref<1x16x128xi32, #tpu.memory_space<vmem>>
          %dma_start3A_167 = tpu.memref_squeeze %dma_start3A_166 : memref<1x16x128xi32, #tpu.memory_space<vmem>> -> memref<16x128xi32, #tpu.memory_space<vmem>>
          %dma_start3A_168 = arith.constant 0 : i32
          %dma_start3A_169 = tpu.memref_slice %arg4[%add3A_156, %dma_start3A_168] : memref<2560x128xi32, #tpu.memory_space<hbm>> -> memref<16x128xi32, #tpu.memory_space<hbm>>
          tpu.enqueue_dma source(%dma_start3A_169 : memref<16x128xi32, #tpu.memory_space<hbm>>) target(%dma_start3A_167 : memref<16x128xi32, #tpu.memory_space<vmem>>) target_semaphore(%run_scoped3A_157 : memref<!tpu.dma_semaphore, #tpu.memory_space<semaphore_mem>>)
          %dma_wait3A_170 = arith.constant 0 : i32
          %dma_wait3A_171 = arith.constant 0 : i32
          %dma_wait3A_172 = tpu.memref_slice %arg7[%sub3A_150, %dma_wait3A_170, %dma_wait3A_171] : memref<2x16x128xi32, #tpu.memory_space<vmem>> -> memref<1x16x128xi32, #tpu.memory_space<vmem>>
          %dma_wait3A_173 = tpu.memref_squeeze %dma_wait3A_172 : memref<1x16x128xi32, #tpu.memory_space<vmem>> -> memref<16x128xi32, #tpu.memory_space<vmem>>
          %dma_wait3A_174 = arith.constant 0 : i32
          %dma_wait3A_175 = tpu.memref_slice %arg4[%add3A_156, %dma_wait3A_174] : memref<2560x128xi32, #tpu.memory_space<hbm>> -> memref<16x128xi32, #tpu.memory_space<hbm>>
          %dma_wait3A_176 = arith.constant 0 : i32
          %dma_wait3A_177 = arith.constant 0 : i32
          %dma_wait3A_178 = tpu.memref_slice %arg7[%sub3A_150, %dma_wait3A_176, %dma_wait3A_177] : memref<2x16x128xi32, #tpu.memory_space<vmem>> -> memref<1x16x128xi32, #tpu.memory_space<vmem>>
          %dma_wait3A_179 = tpu.memref_squeeze %dma_wait3A_178 : memref<1x16x128xi32, #tpu.memory_space<vmem>> -> memref<16x128xi32, #tpu.memory_space<vmem>>
          %dma_wait3A_180 = arith.constant 0 : i32
          %dma_wait3A_181 = tpu.memref_slice %arg4[%add3A_156, %dma_wait3A_180] : memref<2560x128xi32, #tpu.memory_space<hbm>> -> memref<16x128xi32, #tpu.memory_space<hbm>>
          tpu.wait_dma2 semaphore(%run_scoped3A_157 : memref<!tpu.dma_semaphore, #tpu.memory_space<semaphore_mem>>) src(%dma_wait3A_181 : memref<16x128xi32, #tpu.memory_space<hbm>>) dst(%dma_wait3A_179 : memref<16x128xi32, #tpu.memory_space<vmem>>)
          tpu.yield
        }) : () -> ()
      } else {
      }
      %ge3A = arith.constant 1 : i32
      %ge3A_111 = arith.cmpi sge, %scan3A_79, %ge3A : i32
      %convert_element_type3A_112 = arith.extui %ge3A_111 : i1 to i32
      %cond3A_113 = arith.constant 0 : i32
      %cond3A_114 = arith.cmpi ne, %convert_element_type3A_112, %cond3A_113 : i32
      scf.if %cond3A_114 {
        %dma_wait3A_147 = arith.constant 0 : i32
        %dma_wait3A_148 = arith.constant 0 : i32
        %dma_wait3A_149 = tpu.memref_slice %arg8[%sub3A_82, %dma_wait3A_147, %dma_wait3A_148] : memref<2x128x128xf32, #tpu.memory_space<vmem>> -> memref<1x128x128xf32, #tpu.memory_space<vmem>>
        %dma_wait3A_150 = tpu.memref_squeeze %dma_wait3A_149 : memref<1x128x128xf32, #tpu.memory_space<vmem>> -> memref<128x128xf32, #tpu.memory_space<vmem>>
        %dma_wait3A_151 = arith.constant 0 : i32
        %dma_wait3A_152 = tpu.memref_slice %arg7[%rem3A_104, %rem3A_102, %dma_wait3A_151] : memref<2x16x128xi32, #tpu.memory_space<vmem>> -> memref<1x1x128xi32, #tpu.memory_space<vmem>>
        %dma_wait3A_153 = tpu.memref_squeeze %dma_wait3A_152 : memref<1x1x128xi32, #tpu.memory_space<vmem>> -> memref<128xi32, #tpu.memory_space<vmem>>
        %dma_wait3A_154 = arith.constant 0 : i32
        %dma_wait3A_155 = arith.constant 0 : i32
        %dma_wait3A_156 = tpu.memref_slice %arg9[%dma_wait3A_154, %dma_wait3A_155] : memref<10240x128xf32, #tpu.memory_space<vmem_shared>> -> memref<10240x128xf32, #tpu.memory_space<vmem_shared>>
        %dma_wait3A_157 = tpu.memref_slice %arg11[%sub3A_82] : memref<2x!tpu.dma_semaphore, #tpu.memory_space<semaphore_mem>> -> memref<1x!tpu.dma_semaphore, #tpu.memory_space<semaphore_mem>>
        %dma_wait3A_158 = tpu.memref_squeeze %dma_wait3A_157 : memref<1x!tpu.dma_semaphore, #tpu.memory_space<semaphore_mem>> -> memref<!tpu.dma_semaphore, #tpu.memory_space<semaphore_mem>>
        tpu.wait_indirect_dma semaphore(%dma_wait3A_158 : memref<!tpu.dma_semaphore, #tpu.memory_space<semaphore_mem>>) src(%dma_wait3A_150 : memref<128x128xf32, #tpu.memory_space<vmem>>) dst(%dma_wait3A_156 : memref<10240x128xf32, #tpu.memory_space<vmem_shared>>)
      } else {
      }
      %add3A_115 = arith.constant 1 : i32
      %add3A_116 = arith.addi %scan3A_79, %add3A_115 : i32
      %lt3A_117 = arith.constant 80 : i32
      %lt3A_118 = arith.cmpi slt, %add3A_116, %lt3A_117 : i32
      %convert_element_type3A_119 = arith.extui %lt3A_118 : i1 to i32
      %cond3A_120 = arith.constant 0 : i32
      %cond3A_121 = arith.cmpi ne, %convert_element_type3A_119, %cond3A_120 : i32
      scf.if %cond3A_121 {
        %add3A_147 = arith.constant 1 : i32
        %add3A_148 = arith.addi %scan3A_79, %add3A_147 : i32
        %jit3A_149 = arith.constant 16 : i32
        %div3A_150 = arith.divsi %add3A_148, %jit3A_149 : i32
        %sign3A_151 = arith.constant 0 : i32
        %sign3A_152 = arith.cmpi sgt, %add3A_148, %sign3A_151 : i32
        %sign3A_153 = arith.extui %sign3A_152 : i1 to i32
        %sign3A_154 = arith.constant 0 : i32
        %sign3A_155 = arith.cmpi slt, %add3A_148, %sign3A_154 : i32
        %sign3A_156 = arith.extui %sign3A_155 : i1 to i32
        %sign3A_157 = arith.subi %sign3A_153, %sign3A_156 : i32
        %sign3A_158 = arith.constant 0 : i32
        %sign3A_159 = arith.cmpi sgt, %jit3A_149, %sign3A_158 : i32
        %sign3A_160 = arith.extui %sign3A_159 : i1 to i32
        %sign3A_161 = arith.constant 0 : i32
        %sign3A_162 = arith.cmpi slt, %jit3A_149, %sign3A_161 : i32
        %sign3A_163 = arith.extui %sign3A_162 : i1 to i32
        %sign3A_164 = arith.subi %sign3A_160, %sign3A_163 : i32
        %ne3A_165 = arith.cmpi ne, %sign3A_157, %sign3A_164 : i32
        %rem3A_166 = arith.remsi %add3A_148, %jit3A_149 : i32
        %ne3A_167 = arith.constant 0 : i32
        %ne3A_168 = arith.cmpi ne, %rem3A_166, %ne3A_167 : i32
        %and3A_169 = arith.andi %ne3A_165, %ne3A_168 : i1
        %sub3A_170 = arith.constant 1 : i32
        %sub3A_171 = arith.subi %div3A_150, %sub3A_170 : i32
        %select_n3A_172 = arith.select %and3A_169, %sub3A_171, %div3A_150 : i32
        %rem3A_173 = arith.constant 2 : i32
        %rem3A_174 = arith.remsi %select_n3A_172, %rem3A_173 : i32
        %add3A_175 = arith.constant 1 : i32
        %add3A_176 = arith.addi %scan3A_79, %add3A_175 : i32
        %rem3A_177 = arith.constant 16 : i32
        %rem3A_178 = arith.remsi %add3A_176, %rem3A_177 : i32
        %dma_start3A_179 = arith.constant 0 : i32
        %dma_start3A_180 = arith.constant 0 : i32
        %dma_start3A_181 = tpu.memref_slice %arg8[%sub3A_82, %dma_start3A_179, %dma_start3A_180] : memref<2x128x128xf32, #tpu.memory_space<vmem>> -> memref<1x128x128xf32, #tpu.memory_space<vmem>>
        %dma_start3A_182 = tpu.memref_squeeze %dma_start3A_181 : memref<1x128x128xf32, #tpu.memory_space<vmem>> -> memref<128x128xf32, #tpu.memory_space<vmem>>
        %dma_start3A_183 = arith.constant 0 : i32
        %dma_start3A_184 = tpu.memref_slice %arg6[%rem3A_174, %rem3A_178, %dma_start3A_183] : memref<2x16x128xi32, #tpu.memory_space<vmem>> -> memref<1x1x128xi32, #tpu.memory_space<vmem>>
        %dma_start3A_185 = tpu.memref_squeeze %dma_start3A_184 : memref<1x1x128xi32, #tpu.memory_space<vmem>> -> memref<128xi32, #tpu.memory_space<vmem>>
        %dma_start3A_186 = arith.constant 0 : i32
        %dma_start3A_187 = arith.constant 0 : i32
        %dma_start3A_188 = tpu.memref_slice %arg2[%dma_start3A_186, %dma_start3A_187] : memref<10240x128xf32, #tpu.memory_space<hbm>> -> memref<10240x128xf32, #tpu.memory_space<hbm>>
        %dma_start3A_189 = tpu.memref_slice %arg10[%sub3A_82] : memref<2x!tpu.dma_semaphore, #tpu.memory_space<semaphore_mem>> -> memref<1x!tpu.dma_semaphore, #tpu.memory_space<semaphore_mem>>
        %dma_start3A_190 = tpu.memref_squeeze %dma_start3A_189 : memref<1x!tpu.dma_semaphore, #tpu.memory_space<semaphore_mem>> -> memref<!tpu.dma_semaphore, #tpu.memory_space<semaphore_mem>>
        tpu.enqueue_indirect_dma source(%dma_start3A_188 : memref<10240x128xf32, #tpu.memory_space<hbm>>) target(%dma_start3A_182 : memref<128x128xf32, #tpu.memory_space<vmem>>) offsets(%dma_start3A_185 : memref<128xi32, #tpu.memory_space<vmem>>) semaphore(%dma_start3A_190 : memref<!tpu.dma_semaphore, #tpu.memory_space<semaphore_mem>>)
      } else {
      }
      %dma_wait3A_122 = arith.constant 0 : i32
      %dma_wait3A_123 = arith.constant 0 : i32
      %dma_wait3A_124 = tpu.memref_slice %arg8[%rem3A_81, %dma_wait3A_122, %dma_wait3A_123] : memref<2x128x128xf32, #tpu.memory_space<vmem>> -> memref<1x128x128xf32, #tpu.memory_space<vmem>>
      %dma_wait3A_125 = tpu.memref_squeeze %dma_wait3A_124 : memref<1x128x128xf32, #tpu.memory_space<vmem>> -> memref<128x128xf32, #tpu.memory_space<vmem>>
      %dma_wait3A_126 = arith.constant 0 : i32
      %dma_wait3A_127 = tpu.memref_slice %arg6[%rem3A_104, %rem3A_102, %dma_wait3A_126] : memref<2x16x128xi32, #tpu.memory_space<vmem>> -> memref<1x1x128xi32, #tpu.memory_space<vmem>>
      %dma_wait3A_128 = tpu.memref_squeeze %dma_wait3A_127 : memref<1x1x128xi32, #tpu.memory_space<vmem>> -> memref<128xi32, #tpu.memory_space<vmem>>
      %dma_wait3A_129 = arith.constant 0 : i32
      %dma_wait3A_130 = arith.constant 0 : i32
      %dma_wait3A_131 = tpu.memref_slice %arg2[%dma_wait3A_129, %dma_wait3A_130] : memref<10240x128xf32, #tpu.memory_space<hbm>> -> memref<10240x128xf32, #tpu.memory_space<hbm>>
      %dma_wait3A_132 = tpu.memref_slice %arg10[%rem3A_81] : memref<2x!tpu.dma_semaphore, #tpu.memory_space<semaphore_mem>> -> memref<1x!tpu.dma_semaphore, #tpu.memory_space<semaphore_mem>>
      %dma_wait3A_133 = tpu.memref_squeeze %dma_wait3A_132 : memref<1x!tpu.dma_semaphore, #tpu.memory_space<semaphore_mem>> -> memref<!tpu.dma_semaphore, #tpu.memory_space<semaphore_mem>>
      tpu.wait_indirect_dma semaphore(%dma_wait3A_133 : memref<!tpu.dma_semaphore, #tpu.memory_space<semaphore_mem>>) src(%dma_wait3A_131 : memref<10240x128xf32, #tpu.memory_space<hbm>>) dst(%dma_wait3A_125 : memref<128x128xf32, #tpu.memory_space<vmem>>)
      %dma_start3A_134 = arith.constant 0 : i32
      %dma_start3A_135 = arith.constant 0 : i32
      %dma_start3A_136 = tpu.memref_slice %arg8[%rem3A_81, %dma_start3A_134, %dma_start3A_135] : memref<2x128x128xf32, #tpu.memory_space<vmem>> -> memref<1x128x128xf32, #tpu.memory_space<vmem>>
      %dma_start3A_137 = tpu.memref_squeeze %dma_start3A_136 : memref<1x128x128xf32, #tpu.memory_space<vmem>> -> memref<128x128xf32, #tpu.memory_space<vmem>>
      %dma_start3A_138 = arith.constant 0 : i32
      %dma_start3A_139 = tpu.memref_slice %arg7[%rem3A_104, %rem3A_102, %dma_start3A_138] : memref<2x16x128xi32, #tpu.memory_space<vmem>> -> memref<1x1x128xi32, #tpu.memory_space<vmem>>
      %dma_start3A_140 = tpu.memref_squeeze %dma_start3A_139 : memref<1x1x128xi32, #tpu.memory_space<vmem>> -> memref<128xi32, #tpu.memory_space<vmem>>
      %dma_start3A_141 = arith.constant 0 : i32
      %dma_start3A_142 = arith.constant 0 : i32
      %dma_start3A_143 = tpu.memref_slice %arg9[%dma_start3A_141, %dma_start3A_142] : memref<10240x128xf32, #tpu.memory_space<vmem_shared>> -> memref<10240x128xf32, #tpu.memory_space<vmem_shared>>
      %dma_start3A_144 = tpu.memref_slice %arg11[%rem3A_81] : memref<2x!tpu.dma_semaphore, #tpu.memory_space<semaphore_mem>> -> memref<1x!tpu.dma_semaphore, #tpu.memory_space<semaphore_mem>>
      %dma_start3A_145 = tpu.memref_squeeze %dma_start3A_144 : memref<1x!tpu.dma_semaphore, #tpu.memory_space<semaphore_mem>> -> memref<!tpu.dma_semaphore, #tpu.memory_space<semaphore_mem>>
      tpu.enqueue_indirect_dma source(%dma_start3A_137 : memref<128x128xf32, #tpu.memory_space<vmem>>) target(%dma_start3A_143 : memref<10240x128xf32, #tpu.memory_space<vmem_shared>>) offsets(%dma_start3A_140 : memref<128xi32, #tpu.memory_space<vmem>>) semaphore(%dma_start3A_145 : memref<!tpu.dma_semaphore, #tpu.memory_space<semaphore_mem>>) {add = true}
      %scan3A_146 = arith.constant 0 : i32
      scf.yield %scan3A_146 : i32
    }
    %scan3A_60 = arith.constant 80 : i32
    %dma_wait3A = arith.constant 1 : i32
    %dma_wait3A_61 = arith.constant 0 : i32
    %dma_wait3A_62 = arith.constant 15 : i32
    %dma_wait3A_63 = arith.constant 1 : i32
    %dma_wait3A_64 = arith.constant 0 : i32
    %dma_wait3A_65 = arith.constant 0 : i32
    %dma_wait3A_66 = tpu.memref_slice %arg8[%dma_wait3A, %dma_wait3A_64, %dma_wait3A_65] : memref<2x128x128xf32, #tpu.memory_space<vmem>> -> memref<1x128x128xf32, #tpu.memory_space<vmem>>
    %dma_wait3A_67 = tpu.memref_squeeze %dma_wait3A_66 : memref<1x128x128xf32, #tpu.memory_space<vmem>> -> memref<128x128xf32, #tpu.memory_space<vmem>>
    %dma_wait3A_68 = arith.constant 0 : i32
    %dma_wait3A_69 = tpu.memref_slice %arg7[%dma_wait3A_61, %dma_wait3A_62, %dma_wait3A_68] : memref<2x16x128xi32, #tpu.memory_space<vmem>> -> memref<1x1x128xi32, #tpu.memory_space<vmem>>
    %dma_wait3A_70 = tpu.memref_squeeze %dma_wait3A_69 : memref<1x1x128xi32, #tpu.memory_space<vmem>> -> memref<128xi32, #tpu.memory_space<vmem>>
    %dma_wait3A_71 = arith.constant 0 : i32
    %dma_wait3A_72 = arith.constant 0 : i32
    %dma_wait3A_73 = tpu.memref_slice %arg9[%dma_wait3A_71, %dma_wait3A_72] : memref<10240x128xf32, #tpu.memory_space<vmem_shared>> -> memref<10240x128xf32, #tpu.memory_space<vmem_shared>>
    %dma_wait3A_74 = tpu.memref_slice %arg11[%dma_wait3A_63] : memref<2x!tpu.dma_semaphore, #tpu.memory_space<semaphore_mem>> -> memref<1x!tpu.dma_semaphore, #tpu.memory_space<semaphore_mem>>
    %dma_wait3A_75 = tpu.memref_squeeze %dma_wait3A_74 : memref<1x!tpu.dma_semaphore, #tpu.memory_space<semaphore_mem>> -> memref<!tpu.dma_semaphore, #tpu.memory_space<semaphore_mem>>
    tpu.wait_indirect_dma semaphore(%dma_wait3A_75 : memref<!tpu.dma_semaphore, #tpu.memory_space<semaphore_mem>>) src(%dma_wait3A_67 : memref<128x128xf32, #tpu.memory_space<vmem>>) dst(%dma_wait3A_73 : memref<10240x128xf32, #tpu.memory_space<vmem_shared>>)
    %barrier3A_76 = arith.constant 0 : index
    tpu.barrier barrier_id(%barrier3A_76)
    %mul3A_77 = arith.constant 640 : i32
    %mul3A_78 = arith.muli %arg1, %mul3A_77 : i32
    "tpu.region"() ({
      %run_scoped3A_79 = tpu.sem_alloc : memref<!tpu.dma_semaphore, #tpu.memory_space<semaphore_mem>>
      %dma_start3A_80 = arith.constant 0 : i32
      %dma_start3A_81 = tpu.memref_slice %arg5[%arg0, %mul3A_78, %dma_start3A_80] : memref<2x10240x128xf32, #tpu.memory_space<hbm>> -> memref<1x640x128xf32, #tpu.memory_space<hbm>>
      %dma_start3A_82 = tpu.memref_squeeze %dma_start3A_81 : memref<1x640x128xf32, #tpu.memory_space<hbm>> -> memref<640x128xf32, #tpu.memory_space<hbm>>
      %dma_start3A_83 = arith.constant 0 : i32
      %dma_start3A_84 = tpu.memref_slice %arg9[%mul3A_78, %dma_start3A_83] : memref<10240x128xf32, #tpu.memory_space<vmem_shared>> -> memref<640x128xf32, #tpu.memory_space<vmem_shared>>
      tpu.enqueue_dma source(%dma_start3A_84 : memref<640x128xf32, #tpu.memory_space<vmem_shared>>) target(%dma_start3A_82 : memref<640x128xf32, #tpu.memory_space<hbm>>) target_semaphore(%run_scoped3A_79 : memref<!tpu.dma_semaphore, #tpu.memory_space<semaphore_mem>>)
      %dma_wait3A_85 = arith.constant 0 : i32
      %dma_wait3A_86 = tpu.memref_slice %arg5[%arg0, %mul3A_78, %dma_wait3A_85] : memref<2x10240x128xf32, #tpu.memory_space<hbm>> -> memref<1x640x128xf32, #tpu.memory_space<hbm>>
      %dma_wait3A_87 = tpu.memref_squeeze %dma_wait3A_86 : memref<1x640x128xf32, #tpu.memory_space<hbm>> -> memref<640x128xf32, #tpu.memory_space<hbm>>
      %dma_wait3A_88 = arith.constant 0 : i32
      %dma_wait3A_89 = tpu.memref_slice %arg9[%mul3A_78, %dma_wait3A_88] : memref<10240x128xf32, #tpu.memory_space<vmem_shared>> -> memref<640x128xf32, #tpu.memory_space<vmem_shared>>
      tpu.wait_dma2 semaphore(%run_scoped3A_79 : memref<!tpu.dma_semaphore, #tpu.memory_space<semaphore_mem>>) src(%dma_wait3A_89 : memref<640x128xf32, #tpu.memory_space<vmem_shared>>) dst(%dma_wait3A_87 : memref<640x128xf32, #tpu.memory_space<hbm>>)
      tpu.yield
    }) : () -> ()
    return
  }
}

#map = affine_map<(d0, d1) -> (0, 0)>
#map1 = affine_map<(d0, d1) -> (0, 0, 0)>
module attributes {stable_mosaic.version = 14 : i64} {
  func.func @_sc_agg_body(%arg0: i32, %arg1: i32, %arg2: memref<10240x128xf32, #tpu.memory_space<hbm>>, %arg3: memref<2560x128xi32, #tpu.memory_space<hbm>>, %arg4: memref<2560x128xi32, #tpu.memory_space<hbm>>, %arg5: memref<2x10240x128xf32, #tpu.memory_space<hbm>>, %arg6: memref<2x16x128xi32, #tpu.memory_space<vmem>>, %arg7: memref<2x16x128xi32, #tpu.memory_space<vmem>>, %arg8: memref<2x128x128xf32, #tpu.memory_space<vmem>>, %arg9: memref<10240x128xf32, #tpu.memory_space<vmem_shared>>, %arg10: memref<2x!tpu.dma_semaphore, #tpu.memory_space<semaphore_mem>>, %arg11: memref<2x!tpu.dma_semaphore, #tpu.memory_space<semaphore_mem>>) attributes {dimension_semantics = [#tpu.dimension_semantics<core_parallel>, #tpu.dimension_semantics<subcore_parallel>], iteration_bounds = array<i64: 2, 16>, scalar_prefetch = 0 : i64, scratch_operands = 6 : i64, tpu.core_type = #tpu.core_type<sc_vector_subcore>, window_params = [{transform_indices = #map}, {transform_indices = #map}, {transform_indices = #map}, {transform_indices = #map1}]} {
    %mul3A = arith.constant 2 : i32
    %mul3A_0 = arith.muli %arg1, %mul3A : i32
    %add3A = arith.addi %mul3A_0, %arg0 : i32
    %mul3A_1 = arith.constant 80 : i32
    %mul3A_2 = arith.muli %add3A, %mul3A_1 : i32
    %scan3A = arith.constant 0 : i32
    %scan3A_3 = arith.constant 0 : i32
    %scan3A_4 = arith.constant 128 : i32
    %scan3A_5 = arith.addi %scan3A_3, %scan3A_4 : i32
    %scan3A_6 = arith.constant 1 : i32
    %scan3A_7 = scf.for %scan3A_79 = %scan3A_3 to %scan3A_5 step %scan3A_6 iter_args(%scan3A_80 = %scan3A) -> (i32)  : i32 {
      %broadcast_in_dim3A = arith.constant 0.000000e+00 : f32
      %broadcast_in_dim3A_81 = vector.broadcast %broadcast_in_dim3A : f32 to vector<16xf32>
      %swap3A = arith.constant 0 : i32
      %swap3A_82 = arith.index_cast %swap3A : i32 to index
      %swap3A_83 = arith.index_cast %scan3A_79 : i32 to index
      %swap3A_84 = arith.constant 0 : index
      %swap3A_85 = tpu.vector_load %arg8[%swap3A_82, %swap3A_83, %swap3A_84] {strides = array<i32>} : memref<2x128x128xf32, #tpu.memory_space<vmem>>, vector<1x1x16xf32>,
      %swap3A_86 = vector.shape_cast %swap3A_85 : vector<1x1x16xf32> to vector<16xf32>
      %swap3A_87 = vector.shape_cast %broadcast_in_dim3A_81 : vector<16xf32> to vector<1x1x16xf32>
      tpu.vector_store %arg8[%swap3A_82, %swap3A_83, %swap3A_84], %swap3A_87 {strides = array<i32>} : memref<2x128x128xf32, #tpu.memory_space<vmem>>, vector<1x1x16xf32>,
      %broadcast_in_dim3A_88 = arith.constant 0.000000e+00 : f32
      %broadcast_in_dim3A_89 = vector.broadcast %broadcast_in_dim3A_88 : f32 to vector<16xf32>
      %swap3A_90 = arith.constant 0 : i32
      %swap3A_91 = arith.index_cast %swap3A_90 : i32 to index
      %swap3A_92 = arith.index_cast %scan3A_79 : i32 to index
      %swap3A_93 = arith.constant 16 : index
      %swap3A_94 = tpu.vector_load %arg8[%swap3A_91, %swap3A_92, %swap3A_93] {strides = array<i32>} : memref<2x128x128xf32, #tpu.memory_space<vmem>>, vector<1x1x16xf32>,
      %swap3A_95 = vector.shape_cast %swap3A_94 : vector<1x1x16xf32> to vector<16xf32>
      %swap3A_96 = vector.shape_cast %broadcast_in_dim3A_89 : vector<16xf32> to vector<1x1x16xf32>
      tpu.vector_store %arg8[%swap3A_91, %swap3A_92, %swap3A_93], %swap3A_96 {strides = array<i32>} : memref<2x128x128xf32, #tpu.memory_space<vmem>>, vector<1x1x16xf32>,
      %broadcast_in_dim3A_97 = arith.constant 0.000000e+00 : f32
      %broadcast_in_dim3A_98 = vector.broadcast %broadcast_in_dim3A_97 : f32 to vector<16xf32>
      %swap3A_99 = arith.constant 0 : i32
      %swap3A_100 = arith.index_cast %swap3A_99 : i32 to index
      %swap3A_101 = arith.index_cast %scan3A_79 : i32 to index
      %swap3A_102 = arith.constant 32 : index
      %swap3A_103 = tpu.vector_load %arg8[%swap3A_100, %swap3A_101, %swap3A_102] {strides = array<i32>} : memref<2x128x128xf32, #tpu.memory_space<vmem>>, vector<1x1x16xf32>,
      %swap3A_104 = vector.shape_cast %swap3A_103 : vector<1x1x16xf32> to vector<16xf32>
      %swap3A_105 = vector.shape_cast %broadcast_in_dim3A_98 : vector<16xf32> to vector<1x1x16xf32>
      tpu.vector_store %arg8[%swap3A_100, %swap3A_101, %swap3A_102], %swap3A_105 {strides = array<i32>} : memref<2x128x128xf32, #tpu.memory_space<vmem>>, vector<1x1x16xf32>,
      %broadcast_in_dim3A_106 = arith.constant 0.000000e+00 : f32
      %broadcast_in_dim3A_107 = vector.broadcast %broadcast_in_dim3A_106 : f32 to vector<16xf32>
      %swap3A_108 = arith.constant 0 : i32
      %swap3A_109 = arith.index_cast %swap3A_108 : i32 to index
      %swap3A_110 = arith.index_cast %scan3A_79 : i32 to index
      %swap3A_111 = arith.constant 48 : index
      %swap3A_112 = tpu.vector_load %arg8[%swap3A_109, %swap3A_110, %swap3A_111] {strides = array<i32>} : memref<2x128x128xf32, #tpu.memory_space<vmem>>, vector<1x1x16xf32>,
      %swap3A_113 = vector.shape_cast %swap3A_112 : vector<1x1x16xf32> to vector<16xf32>
      %swap3A_114 = vector.shape_cast %broadcast_in_dim3A_107 : vector<16xf32> to vector<1x1x16xf32>
      tpu.vector_store %arg8[%swap3A_109, %swap3A_110, %swap3A_111], %swap3A_114 {strides = array<i32>} : memref<2x128x128xf32, #tpu.memory_space<vmem>>, vector<1x1x16xf32>,
      %broadcast_in_dim3A_115 = arith.constant 0.000000e+00 : f32
      %broadcast_in_dim3A_116 = vector.broadcast %broadcast_in_dim3A_115 : f32 to vector<16xf32>
      %swap3A_117 = arith.constant 0 : i32
      %swap3A_118 = arith.index_cast %swap3A_117 : i32 to index
      %swap3A_119 = arith.index_cast %scan3A_79 : i32 to index
      %swap3A_120 = arith.constant 64 : index
      %swap3A_121 = tpu.vector_load %arg8[%swap3A_118, %swap3A_119, %swap3A_120] {strides = array<i32>} : memref<2x128x128xf32, #tpu.memory_space<vmem>>, vector<1x1x16xf32>,
      %swap3A_122 = vector.shape_cast %swap3A_121 : vector<1x1x16xf32> to vector<16xf32>
      %swap3A_123 = vector.shape_cast %broadcast_in_dim3A_116 : vector<16xf32> to vector<1x1x16xf32>
      tpu.vector_store %arg8[%swap3A_118, %swap3A_119, %swap3A_120], %swap3A_123 {strides = array<i32>} : memref<2x128x128xf32, #tpu.memory_space<vmem>>, vector<1x1x16xf32>,
      %broadcast_in_dim3A_124 = arith.constant 0.000000e+00 : f32
      %broadcast_in_dim3A_125 = vector.broadcast %broadcast_in_dim3A_124 : f32 to vector<16xf32>
      %swap3A_126 = arith.constant 0 : i32
      %swap3A_127 = arith.index_cast %swap3A_126 : i32 to index
      %swap3A_128 = arith.index_cast %scan3A_79 : i32 to index
      %swap3A_129 = arith.constant 80 : index
      %swap3A_130 = tpu.vector_load %arg8[%swap3A_127, %swap3A_128, %swap3A_129] {strides = array<i32>} : memref<2x128x128xf32, #tpu.memory_space<vmem>>, vector<1x1x16xf32>,
      %swap3A_131 = vector.shape_cast %swap3A_130 : vector<1x1x16xf32> to vector<16xf32>
      %swap3A_132 = vector.shape_cast %broadcast_in_dim3A_125 : vector<16xf32> to vector<1x1x16xf32>
      tpu.vector_store %arg8[%swap3A_127, %swap3A_128, %swap3A_129], %swap3A_132 {strides = array<i32>} : memref<2x128x128xf32, #tpu.memory_space<vmem>>, vector<1x1x16xf32>,
      %broadcast_in_dim3A_133 = arith.constant 0.000000e+00 : f32
      %broadcast_in_dim3A_134 = vector.broadcast %broadcast_in_dim3A_133 : f32 to vector<16xf32>
      %swap3A_135 = arith.constant 0 : i32
      %swap3A_136 = arith.index_cast %swap3A_135 : i32 to index
      %swap3A_137 = arith.index_cast %scan3A_79 : i32 to index
      %swap3A_138 = arith.constant 96 : index
      %swap3A_139 = tpu.vector_load %arg8[%swap3A_136, %swap3A_137, %swap3A_138] {strides = array<i32>} : memref<2x128x128xf32, #tpu.memory_space<vmem>>, vector<1x1x16xf32>,
      %swap3A_140 = vector.shape_cast %swap3A_139 : vector<1x1x16xf32> to vector<16xf32>
      %swap3A_141 = vector.shape_cast %broadcast_in_dim3A_134 : vector<16xf32> to vector<1x1x16xf32>
      tpu.vector_store %arg8[%swap3A_136, %swap3A_137, %swap3A_138], %swap3A_141 {strides = array<i32>} : memref<2x128x128xf32, #tpu.memory_space<vmem>>, vector<1x1x16xf32>,
      %broadcast_in_dim3A_142 = arith.constant 0.000000e+00 : f32
      %broadcast_in_dim3A_143 = vector.broadcast %broadcast_in_dim3A_142 : f32 to vector<16xf32>
      %swap3A_144 = arith.constant 0 : i32
      %swap3A_145 = arith.index_cast %swap3A_144 : i32 to index
      %swap3A_146 = arith.index_cast %scan3A_79 : i32 to index
      %swap3A_147 = arith.constant 112 : index
      %swap3A_148 = tpu.vector_load %arg8[%swap3A_145, %swap3A_146, %swap3A_147] {strides = array<i32>} : memref<2x128x128xf32, #tpu.memory_space<vmem>>, vector<1x1x16xf32>,
      %swap3A_149 = vector.shape_cast %swap3A_148 : vector<1x1x16xf32> to vector<16xf32>
      %swap3A_150 = vector.shape_cast %broadcast_in_dim3A_143 : vector<16xf32> to vector<1x1x16xf32>
      tpu.vector_store %arg8[%swap3A_145, %swap3A_146, %swap3A_147], %swap3A_150 {strides = array<i32>} : memref<2x128x128xf32, #tpu.memory_space<vmem>>, vector<1x1x16xf32>,
      %scan3A_151 = arith.constant 0 : i32
      scf.yield %scan3A_151 : i32
    }
    %scan3A_8 = arith.constant 128 : i32
    %mul3A_9 = arith.constant 640 : i32
    %mul3A_10 = arith.muli %arg1, %mul3A_9 : i32
    %add3A_11 = arith.constant 0 : i32
    %add3A_12 = arith.addi %mul3A_10, %add3A_11 : i32
    %run_scoped3A = arith.constant 0 : i32
    "tpu.region"() ({
      %run_scoped3A_79 = tpu.sem_alloc : memref<!tpu.dma_semaphore, #tpu.memory_space<semaphore_mem>>
      %dma_start3A_80 = arith.constant 0 : i32
      %dma_start3A_81 = arith.constant 0 : i32
      %dma_start3A_82 = tpu.memref_slice %arg8[%run_scoped3A, %dma_start3A_80, %dma_start3A_81] : memref<2x128x128xf32, #tpu.memory_space<vmem>> -> memref<1x128x128xf32, #tpu.memory_space<vmem>>
      %dma_start3A_83 = tpu.memref_squeeze %dma_start3A_82 : memref<1x128x128xf32, #tpu.memory_space<vmem>> -> memref<128x128xf32, #tpu.memory_space<vmem>>
      %dma_start3A_84 = arith.constant 0 : i32
      %dma_start3A_85 = tpu.memref_slice %arg9[%add3A_12, %dma_start3A_84] : memref<10240x128xf32, #tpu.memory_space<vmem_shared>> -> memref<128x128xf32, #tpu.memory_space<vmem_shared>>
      %dma_start3A_86 = arith.constant 0 : i32
      %dma_start3A_87 = tpu.memref_slice %arg9[%add3A_12, %dma_start3A_86] : memref<10240x128xf32, #tpu.memory_space<vmem_shared>> -> memref<128x128xf32, #tpu.memory_space<vmem_shared>>
      %dma_start3A_88 = arith.constant 0 : i32
      %dma_start3A_89 = arith.constant 0 : i32
      %dma_start3A_90 = tpu.memref_slice %arg8[%run_scoped3A, %dma_start3A_88, %dma_start3A_89] : memref<2x128x128xf32, #tpu.memory_space<vmem>> -> memref<1x128x128xf32, #tpu.memory_space<vmem>>
      %dma_start3A_91 = tpu.memref_squeeze %dma_start3A_90 : memref<1x128x128xf32, #tpu.memory_space<vmem>> -> memref<128x128xf32, #tpu.memory_space<vmem>>
      tpu.enqueue_dma source(%dma_start3A_91 : memref<128x128xf32, #tpu.memory_space<vmem>>) target(%dma_start3A_87 : memref<128x128xf32, #tpu.memory_space<vmem_shared>>) target_semaphore(%run_scoped3A_79 : memref<!tpu.dma_semaphore, #tpu.memory_space<semaphore_mem>>)
      %dma_wait3A_92 = arith.constant 0 : i32
      %dma_wait3A_93 = arith.constant 0 : i32
      %dma_wait3A_94 = tpu.memref_slice %arg8[%run_scoped3A, %dma_wait3A_92, %dma_wait3A_93] : memref<2x128x128xf32, #tpu.memory_space<vmem>> -> memref<1x128x128xf32, #tpu.memory_space<vmem>>
      %dma_wait3A_95 = tpu.memref_squeeze %dma_wait3A_94 : memref<1x128x128xf32, #tpu.memory_space<vmem>> -> memref<128x128xf32, #tpu.memory_space<vmem>>
      %dma_wait3A_96 = arith.constant 0 : i32
      %dma_wait3A_97 = tpu.memref_slice %arg9[%add3A_12, %dma_wait3A_96] : memref<10240x128xf32, #tpu.memory_space<vmem_shared>> -> memref<128x128xf32, #tpu.memory_space<vmem_shared>>
      %dma_wait3A_98 = arith.constant 0 : i32
      %dma_wait3A_99 = tpu.memref_slice %arg9[%add3A_12, %dma_wait3A_98] : memref<10240x128xf32, #tpu.memory_space<vmem_shared>> -> memref<128x128xf32, #tpu.memory_space<vmem_shared>>
      %dma_wait3A_100 = arith.constant 0 : i32
      %dma_wait3A_101 = arith.constant 0 : i32
      %dma_wait3A_102 = tpu.memref_slice %arg8[%run_scoped3A, %dma_wait3A_100, %dma_wait3A_101] : memref<2x128x128xf32, #tpu.memory_space<vmem>> -> memref<1x128x128xf32, #tpu.memory_space<vmem>>
      %dma_wait3A_103 = tpu.memref_squeeze %dma_wait3A_102 : memref<1x128x128xf32, #tpu.memory_space<vmem>> -> memref<128x128xf32, #tpu.memory_space<vmem>>
      tpu.wait_dma2 semaphore(%run_scoped3A_79 : memref<!tpu.dma_semaphore, #tpu.memory_space<semaphore_mem>>) src(%dma_wait3A_103 : memref<128x128xf32, #tpu.memory_space<vmem>>) dst(%dma_wait3A_99 : memref<128x128xf32, #tpu.memory_space<vmem_shared>>)
      tpu.yield
    }) : () -> ()
    %mul3A_13 = arith.constant 640 : i32
    %mul3A_14 = arith.muli %arg1, %mul3A_13 : i32
    %add3A_15 = arith.constant 128 : i32
    %add3A_16 = arith.addi %mul3A_14, %add3A_15 : i32
    %run_scoped3A_17 = arith.constant 0 : i32
    "tpu.region"() ({
      %run_scoped3A_79 = tpu.sem_alloc : memref<!tpu.dma_semaphore, #tpu.memory_space<semaphore_mem>>
      %dma_start3A_80 = arith.constant 0 : i32
      %dma_start3A_81 = arith.constant 0 : i32
      %dma_start3A_82 = tpu.memref_slice %arg8[%run_scoped3A_17, %dma_start3A_80, %dma_start3A_81] : memref<2x128x128xf32, #tpu.memory_space<vmem>> -> memref<1x128x128xf32, #tpu.memory_space<vmem>>
      %dma_start3A_83 = tpu.memref_squeeze %dma_start3A_82 : memref<1x128x128xf32, #tpu.memory_space<vmem>> -> memref<128x128xf32, #tpu.memory_space<vmem>>
      %dma_start3A_84 = arith.constant 0 : i32
      %dma_start3A_85 = tpu.memref_slice %arg9[%add3A_16, %dma_start3A_84] : memref<10240x128xf32, #tpu.memory_space<vmem_shared>> -> memref<128x128xf32, #tpu.memory_space<vmem_shared>>
      %dma_start3A_86 = arith.constant 0 : i32
      %dma_start3A_87 = tpu.memref_slice %arg9[%add3A_16, %dma_start3A_86] : memref<10240x128xf32, #tpu.memory_space<vmem_shared>> -> memref<128x128xf32, #tpu.memory_space<vmem_shared>>
      %dma_start3A_88 = arith.constant 0 : i32
      %dma_start3A_89 = arith.constant 0 : i32
      %dma_start3A_90 = tpu.memref_slice %arg8[%run_scoped3A_17, %dma_start3A_88, %dma_start3A_89] : memref<2x128x128xf32, #tpu.memory_space<vmem>> -> memref<1x128x128xf32, #tpu.memory_space<vmem>>
      %dma_start3A_91 = tpu.memref_squeeze %dma_start3A_90 : memref<1x128x128xf32, #tpu.memory_space<vmem>> -> memref<128x128xf32, #tpu.memory_space<vmem>>
      tpu.enqueue_dma source(%dma_start3A_91 : memref<128x128xf32, #tpu.memory_space<vmem>>) target(%dma_start3A_87 : memref<128x128xf32, #tpu.memory_space<vmem_shared>>) target_semaphore(%run_scoped3A_79 : memref<!tpu.dma_semaphore, #tpu.memory_space<semaphore_mem>>)
      %dma_wait3A_92 = arith.constant 0 : i32
      %dma_wait3A_93 = arith.constant 0 : i32
      %dma_wait3A_94 = tpu.memref_slice %arg8[%run_scoped3A_17, %dma_wait3A_92, %dma_wait3A_93] : memref<2x128x128xf32, #tpu.memory_space<vmem>> -> memref<1x128x128xf32, #tpu.memory_space<vmem>>
      %dma_wait3A_95 = tpu.memref_squeeze %dma_wait3A_94 : memref<1x128x128xf32, #tpu.memory_space<vmem>> -> memref<128x128xf32, #tpu.memory_space<vmem>>
      %dma_wait3A_96 = arith.constant 0 : i32
      %dma_wait3A_97 = tpu.memref_slice %arg9[%add3A_16, %dma_wait3A_96] : memref<10240x128xf32, #tpu.memory_space<vmem_shared>> -> memref<128x128xf32, #tpu.memory_space<vmem_shared>>
      %dma_wait3A_98 = arith.constant 0 : i32
      %dma_wait3A_99 = tpu.memref_slice %arg9[%add3A_16, %dma_wait3A_98] : memref<10240x128xf32, #tpu.memory_space<vmem_shared>> -> memref<128x128xf32, #tpu.memory_space<vmem_shared>>
      %dma_wait3A_100 = arith.constant 0 : i32
      %dma_wait3A_101 = arith.constant 0 : i32
      %dma_wait3A_102 = tpu.memref_slice %arg8[%run_scoped3A_17, %dma_wait3A_100, %dma_wait3A_101] : memref<2x128x128xf32, #tpu.memory_space<vmem>> -> memref<1x128x128xf32, #tpu.memory_space<vmem>>
      %dma_wait3A_103 = tpu.memref_squeeze %dma_wait3A_102 : memref<1x128x128xf32, #tpu.memory_space<vmem>> -> memref<128x128xf32, #tpu.memory_space<vmem>>
      tpu.wait_dma2 semaphore(%run_scoped3A_79 : memref<!tpu.dma_semaphore, #tpu.memory_space<semaphore_mem>>) src(%dma_wait3A_103 : memref<128x128xf32, #tpu.memory_space<vmem>>) dst(%dma_wait3A_99 : memref<128x128xf32, #tpu.memory_space<vmem_shared>>)
      tpu.yield
    }) : () -> ()
    %mul3A_18 = arith.constant 640 : i32
    %mul3A_19 = arith.muli %arg1, %mul3A_18 : i32
    %add3A_20 = arith.constant 256 : i32
    %add3A_21 = arith.addi %mul3A_19, %add3A_20 : i32
    %run_scoped3A_22 = arith.constant 0 : i32
    "tpu.region"() ({
      %run_scoped3A_79 = tpu.sem_alloc : memref<!tpu.dma_semaphore, #tpu.memory_space<semaphore_mem>>
      %dma_start3A_80 = arith.constant 0 : i32
      %dma_start3A_81 = arith.constant 0 : i32
      %dma_start3A_82 = tpu.memref_slice %arg8[%run_scoped3A_22, %dma_start3A_80, %dma_start3A_81] : memref<2x128x128xf32, #tpu.memory_space<vmem>> -> memref<1x128x128xf32, #tpu.memory_space<vmem>>
      %dma_start3A_83 = tpu.memref_squeeze %dma_start3A_82 : memref<1x128x128xf32, #tpu.memory_space<vmem>> -> memref<128x128xf32, #tpu.memory_space<vmem>>
      %dma_start3A_84 = arith.constant 0 : i32
      %dma_start3A_85 = tpu.memref_slice %arg9[%add3A_21, %dma_start3A_84] : memref<10240x128xf32, #tpu.memory_space<vmem_shared>> -> memref<128x128xf32, #tpu.memory_space<vmem_shared>>
      %dma_start3A_86 = arith.constant 0 : i32
      %dma_start3A_87 = tpu.memref_slice %arg9[%add3A_21, %dma_start3A_86] : memref<10240x128xf32, #tpu.memory_space<vmem_shared>> -> memref<128x128xf32, #tpu.memory_space<vmem_shared>>
      %dma_start3A_88 = arith.constant 0 : i32
      %dma_start3A_89 = arith.constant 0 : i32
      %dma_start3A_90 = tpu.memref_slice %arg8[%run_scoped3A_22, %dma_start3A_88, %dma_start3A_89] : memref<2x128x128xf32, #tpu.memory_space<vmem>> -> memref<1x128x128xf32, #tpu.memory_space<vmem>>
      %dma_start3A_91 = tpu.memref_squeeze %dma_start3A_90 : memref<1x128x128xf32, #tpu.memory_space<vmem>> -> memref<128x128xf32, #tpu.memory_space<vmem>>
      tpu.enqueue_dma source(%dma_start3A_91 : memref<128x128xf32, #tpu.memory_space<vmem>>) target(%dma_start3A_87 : memref<128x128xf32, #tpu.memory_space<vmem_shared>>) target_semaphore(%run_scoped3A_79 : memref<!tpu.dma_semaphore, #tpu.memory_space<semaphore_mem>>)
      %dma_wait3A_92 = arith.constant 0 : i32
      %dma_wait3A_93 = arith.constant 0 : i32
      %dma_wait3A_94 = tpu.memref_slice %arg8[%run_scoped3A_22, %dma_wait3A_92, %dma_wait3A_93] : memref<2x128x128xf32, #tpu.memory_space<vmem>> -> memref<1x128x128xf32, #tpu.memory_space<vmem>>
      %dma_wait3A_95 = tpu.memref_squeeze %dma_wait3A_94 : memref<1x128x128xf32, #tpu.memory_space<vmem>> -> memref<128x128xf32, #tpu.memory_space<vmem>>
      %dma_wait3A_96 = arith.constant 0 : i32
      %dma_wait3A_97 = tpu.memref_slice %arg9[%add3A_21, %dma_wait3A_96] : memref<10240x128xf32, #tpu.memory_space<vmem_shared>> -> memref<128x128xf32, #tpu.memory_space<vmem_shared>>
      %dma_wait3A_98 = arith.constant 0 : i32
      %dma_wait3A_99 = tpu.memref_slice %arg9[%add3A_21, %dma_wait3A_98] : memref<10240x128xf32, #tpu.memory_space<vmem_shared>> -> memref<128x128xf32, #tpu.memory_space<vmem_shared>>
      %dma_wait3A_100 = arith.constant 0 : i32
      %dma_wait3A_101 = arith.constant 0 : i32
      %dma_wait3A_102 = tpu.memref_slice %arg8[%run_scoped3A_22, %dma_wait3A_100, %dma_wait3A_101] : memref<2x128x128xf32, #tpu.memory_space<vmem>> -> memref<1x128x128xf32, #tpu.memory_space<vmem>>
      %dma_wait3A_103 = tpu.memref_squeeze %dma_wait3A_102 : memref<1x128x128xf32, #tpu.memory_space<vmem>> -> memref<128x128xf32, #tpu.memory_space<vmem>>
      tpu.wait_dma2 semaphore(%run_scoped3A_79 : memref<!tpu.dma_semaphore, #tpu.memory_space<semaphore_mem>>) src(%dma_wait3A_103 : memref<128x128xf32, #tpu.memory_space<vmem>>) dst(%dma_wait3A_99 : memref<128x128xf32, #tpu.memory_space<vmem_shared>>)
      tpu.yield
    }) : () -> ()
    %mul3A_23 = arith.constant 640 : i32
    %mul3A_24 = arith.muli %arg1, %mul3A_23 : i32
    %add3A_25 = arith.constant 384 : i32
    %add3A_26 = arith.addi %mul3A_24, %add3A_25 : i32
    %run_scoped3A_27 = arith.constant 0 : i32
    "tpu.region"() ({
      %run_scoped3A_79 = tpu.sem_alloc : memref<!tpu.dma_semaphore, #tpu.memory_space<semaphore_mem>>
      %dma_start3A_80 = arith.constant 0 : i32
      %dma_start3A_81 = arith.constant 0 : i32
      %dma_start3A_82 = tpu.memref_slice %arg8[%run_scoped3A_27, %dma_start3A_80, %dma_start3A_81] : memref<2x128x128xf32, #tpu.memory_space<vmem>> -> memref<1x128x128xf32, #tpu.memory_space<vmem>>
      %dma_start3A_83 = tpu.memref_squeeze %dma_start3A_82 : memref<1x128x128xf32, #tpu.memory_space<vmem>> -> memref<128x128xf32, #tpu.memory_space<vmem>>
      %dma_start3A_84 = arith.constant 0 : i32
      %dma_start3A_85 = tpu.memref_slice %arg9[%add3A_26, %dma_start3A_84] : memref<10240x128xf32, #tpu.memory_space<vmem_shared>> -> memref<128x128xf32, #tpu.memory_space<vmem_shared>>
      %dma_start3A_86 = arith.constant 0 : i32
      %dma_start3A_87 = tpu.memref_slice %arg9[%add3A_26, %dma_start3A_86] : memref<10240x128xf32, #tpu.memory_space<vmem_shared>> -> memref<128x128xf32, #tpu.memory_space<vmem_shared>>
      %dma_start3A_88 = arith.constant 0 : i32
      %dma_start3A_89 = arith.constant 0 : i32
      %dma_start3A_90 = tpu.memref_slice %arg8[%run_scoped3A_27, %dma_start3A_88, %dma_start3A_89] : memref<2x128x128xf32, #tpu.memory_space<vmem>> -> memref<1x128x128xf32, #tpu.memory_space<vmem>>
      %dma_start3A_91 = tpu.memref_squeeze %dma_start3A_90 : memref<1x128x128xf32, #tpu.memory_space<vmem>> -> memref<128x128xf32, #tpu.memory_space<vmem>>
      tpu.enqueue_dma source(%dma_start3A_91 : memref<128x128xf32, #tpu.memory_space<vmem>>) target(%dma_start3A_87 : memref<128x128xf32, #tpu.memory_space<vmem_shared>>) target_semaphore(%run_scoped3A_79 : memref<!tpu.dma_semaphore, #tpu.memory_space<semaphore_mem>>)
      %dma_wait3A_92 = arith.constant 0 : i32
      %dma_wait3A_93 = arith.constant 0 : i32
      %dma_wait3A_94 = tpu.memref_slice %arg8[%run_scoped3A_27, %dma_wait3A_92, %dma_wait3A_93] : memref<2x128x128xf32, #tpu.memory_space<vmem>> -> memref<1x128x128xf32, #tpu.memory_space<vmem>>
      %dma_wait3A_95 = tpu.memref_squeeze %dma_wait3A_94 : memref<1x128x128xf32, #tpu.memory_space<vmem>> -> memref<128x128xf32, #tpu.memory_space<vmem>>
      %dma_wait3A_96 = arith.constant 0 : i32
      %dma_wait3A_97 = tpu.memref_slice %arg9[%add3A_26, %dma_wait3A_96] : memref<10240x128xf32, #tpu.memory_space<vmem_shared>> -> memref<128x128xf32, #tpu.memory_space<vmem_shared>>
      %dma_wait3A_98 = arith.constant 0 : i32
      %dma_wait3A_99 = tpu.memref_slice %arg9[%add3A_26, %dma_wait3A_98] : memref<10240x128xf32, #tpu.memory_space<vmem_shared>> -> memref<128x128xf32, #tpu.memory_space<vmem_shared>>
      %dma_wait3A_100 = arith.constant 0 : i32
      %dma_wait3A_101 = arith.constant 0 : i32
      %dma_wait3A_102 = tpu.memref_slice %arg8[%run_scoped3A_27, %dma_wait3A_100, %dma_wait3A_101] : memref<2x128x128xf32, #tpu.memory_space<vmem>> -> memref<1x128x128xf32, #tpu.memory_space<vmem>>
      %dma_wait3A_103 = tpu.memref_squeeze %dma_wait3A_102 : memref<1x128x128xf32, #tpu.memory_space<vmem>> -> memref<128x128xf32, #tpu.memory_space<vmem>>
      tpu.wait_dma2 semaphore(%run_scoped3A_79 : memref<!tpu.dma_semaphore, #tpu.memory_space<semaphore_mem>>) src(%dma_wait3A_103 : memref<128x128xf32, #tpu.memory_space<vmem>>) dst(%dma_wait3A_99 : memref<128x128xf32, #tpu.memory_space<vmem_shared>>)
      tpu.yield
    }) : () -> ()
    %mul3A_28 = arith.constant 640 : i32
    %mul3A_29 = arith.muli %arg1, %mul3A_28 : i32
    %add3A_30 = arith.constant 512 : i32
    %add3A_31 = arith.addi %mul3A_29, %add3A_30 : i32
    %run_scoped3A_32 = arith.constant 0 : i32
    "tpu.region"() ({
      %run_scoped3A_79 = tpu.sem_alloc : memref<!tpu.dma_semaphore, #tpu.memory_space<semaphore_mem>>
      %dma_start3A_80 = arith.constant 0 : i32
      %dma_start3A_81 = arith.constant 0 : i32
      %dma_start3A_82 = tpu.memref_slice %arg8[%run_scoped3A_32, %dma_start3A_80, %dma_start3A_81] : memref<2x128x128xf32, #tpu.memory_space<vmem>> -> memref<1x128x128xf32, #tpu.memory_space<vmem>>
      %dma_start3A_83 = tpu.memref_squeeze %dma_start3A_82 : memref<1x128x128xf32, #tpu.memory_space<vmem>> -> memref<128x128xf32, #tpu.memory_space<vmem>>
      %dma_start3A_84 = arith.constant 0 : i32
      %dma_start3A_85 = tpu.memref_slice %arg9[%add3A_31, %dma_start3A_84] : memref<10240x128xf32, #tpu.memory_space<vmem_shared>> -> memref<128x128xf32, #tpu.memory_space<vmem_shared>>
      %dma_start3A_86 = arith.constant 0 : i32
      %dma_start3A_87 = tpu.memref_slice %arg9[%add3A_31, %dma_start3A_86] : memref<10240x128xf32, #tpu.memory_space<vmem_shared>> -> memref<128x128xf32, #tpu.memory_space<vmem_shared>>
      %dma_start3A_88 = arith.constant 0 : i32
      %dma_start3A_89 = arith.constant 0 : i32
      %dma_start3A_90 = tpu.memref_slice %arg8[%run_scoped3A_32, %dma_start3A_88, %dma_start3A_89] : memref<2x128x128xf32, #tpu.memory_space<vmem>> -> memref<1x128x128xf32, #tpu.memory_space<vmem>>
      %dma_start3A_91 = tpu.memref_squeeze %dma_start3A_90 : memref<1x128x128xf32, #tpu.memory_space<vmem>> -> memref<128x128xf32, #tpu.memory_space<vmem>>
      tpu.enqueue_dma source(%dma_start3A_91 : memref<128x128xf32, #tpu.memory_space<vmem>>) target(%dma_start3A_87 : memref<128x128xf32, #tpu.memory_space<vmem_shared>>) target_semaphore(%run_scoped3A_79 : memref<!tpu.dma_semaphore, #tpu.memory_space<semaphore_mem>>)
      %dma_wait3A_92 = arith.constant 0 : i32
      %dma_wait3A_93 = arith.constant 0 : i32
      %dma_wait3A_94 = tpu.memref_slice %arg8[%run_scoped3A_32, %dma_wait3A_92, %dma_wait3A_93] : memref<2x128x128xf32, #tpu.memory_space<vmem>> -> memref<1x128x128xf32, #tpu.memory_space<vmem>>
      %dma_wait3A_95 = tpu.memref_squeeze %dma_wait3A_94 : memref<1x128x128xf32, #tpu.memory_space<vmem>> -> memref<128x128xf32, #tpu.memory_space<vmem>>
      %dma_wait3A_96 = arith.constant 0 : i32
      %dma_wait3A_97 = tpu.memref_slice %arg9[%add3A_31, %dma_wait3A_96] : memref<10240x128xf32, #tpu.memory_space<vmem_shared>> -> memref<128x128xf32, #tpu.memory_space<vmem_shared>>
      %dma_wait3A_98 = arith.constant 0 : i32
      %dma_wait3A_99 = tpu.memref_slice %arg9[%add3A_31, %dma_wait3A_98] : memref<10240x128xf32, #tpu.memory_space<vmem_shared>> -> memref<128x128xf32, #tpu.memory_space<vmem_shared>>
      %dma_wait3A_100 = arith.constant 0 : i32
      %dma_wait3A_101 = arith.constant 0 : i32
      %dma_wait3A_102 = tpu.memref_slice %arg8[%run_scoped3A_32, %dma_wait3A_100, %dma_wait3A_101] : memref<2x128x128xf32, #tpu.memory_space<vmem>> -> memref<1x128x128xf32, #tpu.memory_space<vmem>>
      %dma_wait3A_103 = tpu.memref_squeeze %dma_wait3A_102 : memref<1x128x128xf32, #tpu.memory_space<vmem>> -> memref<128x128xf32, #tpu.memory_space<vmem>>
      tpu.wait_dma2 semaphore(%run_scoped3A_79 : memref<!tpu.dma_semaphore, #tpu.memory_space<semaphore_mem>>) src(%dma_wait3A_103 : memref<128x128xf32, #tpu.memory_space<vmem>>) dst(%dma_wait3A_99 : memref<128x128xf32, #tpu.memory_space<vmem_shared>>)
      tpu.yield
    }) : () -> ()
    %barrier3A = arith.constant 0 : index
    tpu.barrier barrier_id(%barrier3A)
    %add3A_33 = arith.constant 0 : i32
    %add3A_34 = arith.addi %mul3A_2, %add3A_33 : i32
    %run_scoped3A_35 = arith.constant 0 : i32
    "tpu.region"() ({
      %run_scoped3A_79 = tpu.sem_alloc : memref<!tpu.dma_semaphore, #tpu.memory_space<semaphore_mem>>
      %dma_start3A_80 = arith.constant 0 : i32
      %dma_start3A_81 = arith.constant 0 : i32
      %dma_start3A_82 = tpu.memref_slice %arg6[%run_scoped3A_35, %dma_start3A_80, %dma_start3A_81] : memref<2x16x128xi32, #tpu.memory_space<vmem>> -> memref<1x16x128xi32, #tpu.memory_space<vmem>>
      %dma_start3A_83 = tpu.memref_squeeze %dma_start3A_82 : memref<1x16x128xi32, #tpu.memory_space<vmem>> -> memref<16x128xi32, #tpu.memory_space<vmem>>
      %dma_start3A_84 = arith.constant 0 : i32
      %dma_start3A_85 = tpu.memref_slice %arg3[%add3A_34, %dma_start3A_84] : memref<2560x128xi32, #tpu.memory_space<hbm>> -> memref<16x128xi32, #tpu.memory_space<hbm>>
      %dma_start3A_86 = arith.constant 0 : i32
      %dma_start3A_87 = arith.constant 0 : i32
      %dma_start3A_88 = tpu.memref_slice %arg6[%run_scoped3A_35, %dma_start3A_86, %dma_start3A_87] : memref<2x16x128xi32, #tpu.memory_space<vmem>> -> memref<1x16x128xi32, #tpu.memory_space<vmem>>
      %dma_start3A_89 = tpu.memref_squeeze %dma_start3A_88 : memref<1x16x128xi32, #tpu.memory_space<vmem>> -> memref<16x128xi32, #tpu.memory_space<vmem>>
      %dma_start3A_90 = arith.constant 0 : i32
      %dma_start3A_91 = tpu.memref_slice %arg3[%add3A_34, %dma_start3A_90] : memref<2560x128xi32, #tpu.memory_space<hbm>> -> memref<16x128xi32, #tpu.memory_space<hbm>>
      tpu.enqueue_dma source(%dma_start3A_91 : memref<16x128xi32, #tpu.memory_space<hbm>>) target(%dma_start3A_89 : memref<16x128xi32, #tpu.memory_space<vmem>>) target_semaphore(%run_scoped3A_79 : memref<!tpu.dma_semaphore, #tpu.memory_space<semaphore_mem>>)
      %dma_wait3A_92 = arith.constant 0 : i32
      %dma_wait3A_93 = arith.constant 0 : i32
      %dma_wait3A_94 = tpu.memref_slice %arg6[%run_scoped3A_35, %dma_wait3A_92, %dma_wait3A_93] : memref<2x16x128xi32, #tpu.memory_space<vmem>> -> memref<1x16x128xi32, #tpu.memory_space<vmem>>
      %dma_wait3A_95 = tpu.memref_squeeze %dma_wait3A_94 : memref<1x16x128xi32, #tpu.memory_space<vmem>> -> memref<16x128xi32, #tpu.memory_space<vmem>>
      %dma_wait3A_96 = arith.constant 0 : i32
      %dma_wait3A_97 = tpu.memref_slice %arg3[%add3A_34, %dma_wait3A_96] : memref<2560x128xi32, #tpu.memory_space<hbm>> -> memref<16x128xi32, #tpu.memory_space<hbm>>
      %dma_wait3A_98 = arith.constant 0 : i32
      %dma_wait3A_99 = arith.constant 0 : i32
      %dma_wait3A_100 = tpu.memref_slice %arg6[%run_scoped3A_35, %dma_wait3A_98, %dma_wait3A_99] : memref<2x16x128xi32, #tpu.memory_space<vmem>> -> memref<1x16x128xi32, #tpu.memory_space<vmem>>
      %dma_wait3A_101 = tpu.memref_squeeze %dma_wait3A_100 : memref<1x16x128xi32, #tpu.memory_space<vmem>> -> memref<16x128xi32, #tpu.memory_space<vmem>>
      %dma_wait3A_102 = arith.constant 0 : i32
      %dma_wait3A_103 = tpu.memref_slice %arg3[%add3A_34, %dma_wait3A_102] : memref<2560x128xi32, #tpu.memory_space<hbm>> -> memref<16x128xi32, #tpu.memory_space<hbm>>
      tpu.wait_dma2 semaphore(%run_scoped3A_79 : memref<!tpu.dma_semaphore, #tpu.memory_space<semaphore_mem>>) src(%dma_wait3A_103 : memref<16x128xi32, #tpu.memory_space<hbm>>) dst(%dma_wait3A_101 : memref<16x128xi32, #tpu.memory_space<vmem>>)
      tpu.yield
    }) : () -> ()
    %add3A_36 = arith.constant 0 : i32
    %add3A_37 = arith.addi %mul3A_2, %add3A_36 : i32
    %run_scoped3A_38 = arith.constant 0 : i32
    "tpu.region"() ({
      %run_scoped3A_79 = tpu.sem_alloc : memref<!tpu.dma_semaphore, #tpu.memory_space<semaphore_mem>>
      %dma_start3A_80 = arith.constant 0 : i32
      %dma_start3A_81 = arith.constant 0 : i32
      %dma_start3A_82 = tpu.memref_slice %arg7[%run_scoped3A_38, %dma_start3A_80, %dma_start3A_81] : memref<2x16x128xi32, #tpu.memory_space<vmem>> -> memref<1x16x128xi32, #tpu.memory_space<vmem>>
      %dma_start3A_83 = tpu.memref_squeeze %dma_start3A_82 : memref<1x16x128xi32, #tpu.memory_space<vmem>> -> memref<16x128xi32, #tpu.memory_space<vmem>>
      %dma_start3A_84 = arith.constant 0 : i32
      %dma_start3A_85 = tpu.memref_slice %arg4[%add3A_37, %dma_start3A_84] : memref<2560x128xi32, #tpu.memory_space<hbm>> -> memref<16x128xi32, #tpu.memory_space<hbm>>
      %dma_start3A_86 = arith.constant 0 : i32
      %dma_start3A_87 = arith.constant 0 : i32
      %dma_start3A_88 = tpu.memref_slice %arg7[%run_scoped3A_38, %dma_start3A_86, %dma_start3A_87] : memref<2x16x128xi32, #tpu.memory_space<vmem>> -> memref<1x16x128xi32, #tpu.memory_space<vmem>>
      %dma_start3A_89 = tpu.memref_squeeze %dma_start3A_88 : memref<1x16x128xi32, #tpu.memory_space<vmem>> -> memref<16x128xi32, #tpu.memory_space<vmem>>
      %dma_start3A_90 = arith.constant 0 : i32
      %dma_start3A_91 = tpu.memref_slice %arg4[%add3A_37, %dma_start3A_90] : memref<2560x128xi32, #tpu.memory_space<hbm>> -> memref<16x128xi32, #tpu.memory_space<hbm>>
      tpu.enqueue_dma source(%dma_start3A_91 : memref<16x128xi32, #tpu.memory_space<hbm>>) target(%dma_start3A_89 : memref<16x128xi32, #tpu.memory_space<vmem>>) target_semaphore(%run_scoped3A_79 : memref<!tpu.dma_semaphore, #tpu.memory_space<semaphore_mem>>)
      %dma_wait3A_92 = arith.constant 0 : i32
      %dma_wait3A_93 = arith.constant 0 : i32
      %dma_wait3A_94 = tpu.memref_slice %arg7[%run_scoped3A_38, %dma_wait3A_92, %dma_wait3A_93] : memref<2x16x128xi32, #tpu.memory_space<vmem>> -> memref<1x16x128xi32, #tpu.memory_space<vmem>>
      %dma_wait3A_95 = tpu.memref_squeeze %dma_wait3A_94 : memref<1x16x128xi32, #tpu.memory_space<vmem>> -> memref<16x128xi32, #tpu.memory_space<vmem>>
      %dma_wait3A_96 = arith.constant 0 : i32
      %dma_wait3A_97 = tpu.memref_slice %arg4[%add3A_37, %dma_wait3A_96] : memref<2560x128xi32, #tpu.memory_space<hbm>> -> memref<16x128xi32, #tpu.memory_space<hbm>>
      %dma_wait3A_98 = arith.constant 0 : i32
      %dma_wait3A_99 = arith.constant 0 : i32
      %dma_wait3A_100 = tpu.memref_slice %arg7[%run_scoped3A_38, %dma_wait3A_98, %dma_wait3A_99] : memref<2x16x128xi32, #tpu.memory_space<vmem>> -> memref<1x16x128xi32, #tpu.memory_space<vmem>>
      %dma_wait3A_101 = tpu.memref_squeeze %dma_wait3A_100 : memref<1x16x128xi32, #tpu.memory_space<vmem>> -> memref<16x128xi32, #tpu.memory_space<vmem>>
      %dma_wait3A_102 = arith.constant 0 : i32
      %dma_wait3A_103 = tpu.memref_slice %arg4[%add3A_37, %dma_wait3A_102] : memref<2560x128xi32, #tpu.memory_space<hbm>> -> memref<16x128xi32, #tpu.memory_space<hbm>>
      tpu.wait_dma2 semaphore(%run_scoped3A_79 : memref<!tpu.dma_semaphore, #tpu.memory_space<semaphore_mem>>) src(%dma_wait3A_103 : memref<16x128xi32, #tpu.memory_space<hbm>>) dst(%dma_wait3A_101 : memref<16x128xi32, #tpu.memory_space<vmem>>)
      tpu.yield
    }) : () -> ()
    %dma_start3A = arith.constant 0 : i32
    %dma_start3A_39 = arith.constant 0 : i32
    %dma_start3A_40 = arith.constant 0 : i32
    %dma_start3A_41 = arith.constant 0 : i32
    %dma_start3A_42 = arith.constant 0 : i32
    %dma_start3A_43 = arith.constant 0 : i32
    %dma_start3A_44 = tpu.memref_slice %arg8[%dma_start3A_40, %dma_start3A_42, %dma_start3A_43] : memref<2x128x128xf32, #tpu.memory_space<vmem>> -> memref<1x128x128xf32, #tpu.memory_space<vmem>>
    %dma_start3A_45 = tpu.memref_squeeze %dma_start3A_44 : memref<1x128x128xf32, #tpu.memory_space<vmem>> -> memref<128x128xf32, #tpu.memory_space<vmem>>
    %dma_start3A_46 = arith.constant 0 : i32
    %dma_start3A_47 = tpu.memref_slice %arg6[%dma_start3A, %dma_start3A_39, %dma_start3A_46] : memref<2x16x128xi32, #tpu.memory_space<vmem>> -> memref<1x1x128xi32, #tpu.memory_space<vmem>>
    %dma_start3A_48 = tpu.memref_squeeze %dma_start3A_47 : memref<1x1x128xi32, #tpu.memory_space<vmem>> -> memref<128xi32, #tpu.memory_space<vmem>>
    %dma_start3A_49 = arith.constant 0 : i32
    %dma_start3A_50 = arith.constant 0 : i32
    %dma_start3A_51 = tpu.memref_slice %arg2[%dma_start3A_49, %dma_start3A_50] : memref<10240x128xf32, #tpu.memory_space<hbm>> -> memref<10240x128xf32, #tpu.memory_space<hbm>>
    %dma_start3A_52 = tpu.memref_slice %arg10[%dma_start3A_41] : memref<2x!tpu.dma_semaphore, #tpu.memory_space<semaphore_mem>> -> memref<1x!tpu.dma_semaphore, #tpu.memory_space<semaphore_mem>>
    %dma_start3A_53 = tpu.memref_squeeze %dma_start3A_52 : memref<1x!tpu.dma_semaphore, #tpu.memory_space<semaphore_mem>> -> memref<!tpu.dma_semaphore, #tpu.memory_space<semaphore_mem>>
    tpu.enqueue_indirect_dma source(%dma_start3A_51 : memref<10240x128xf32, #tpu.memory_space<hbm>>) target(%dma_start3A_45 : memref<128x128xf32, #tpu.memory_space<vmem>>) offsets(%dma_start3A_48 : memref<128xi32, #tpu.memory_space<vmem>>) semaphore(%dma_start3A_53 : memref<!tpu.dma_semaphore, #tpu.memory_space<semaphore_mem>>)
    %scan3A_54 = arith.constant 0 : i32
    %scan3A_55 = arith.constant 0 : i32
    %scan3A_56 = arith.constant 80 : i32
    %scan3A_57 = arith.addi %scan3A_55, %scan3A_56 : i32
    %scan3A_58 = arith.constant 1 : i32
    %scan3A_59 = scf.for %scan3A_79 = %scan3A_55 to %scan3A_57 step %scan3A_58 iter_args(%scan3A_80 = %scan3A_54) -> (i32)  : i32 {
      %rem3A = arith.constant 2 : i32
      %rem3A_81 = arith.remsi %scan3A_79, %rem3A : i32
      %sub3A = arith.constant 1 : i32
      %sub3A_82 = arith.subi %sub3A, %rem3A_81 : i32
      %jit3A = arith.constant 16 : i32
      %div3A = arith.divsi %scan3A_79, %jit3A : i32
      %sign3A = arith.constant 0 : i32
      %sign3A_83 = arith.cmpi sgt, %scan3A_79, %sign3A : i32
      %sign3A_84 = arith.extui %sign3A_83 : i1 to i32
      %sign3A_85 = arith.constant 0 : i32
      %sign3A_86 = arith.cmpi slt, %scan3A_79, %sign3A_85 : i32
      %sign3A_87 = arith.extui %sign3A_86 : i1 to i32
      %sign3A_88 = arith.subi %sign3A_84, %sign3A_87 : i32
      %sign3A_89 = arith.constant 0 : i32
      %sign3A_90 = arith.cmpi sgt, %jit3A, %sign3A_89 : i32
      %sign3A_91 = arith.extui %sign3A_90 : i1 to i32
      %sign3A_92 = arith.constant 0 : i32
      %sign3A_93 = arith.cmpi slt, %jit3A, %sign3A_92 : i32
      %sign3A_94 = arith.extui %sign3A_93 : i1 to i32
      %sign3A_95 = arith.subi %sign3A_91, %sign3A_94 : i32
      %ne3A = arith.cmpi ne, %sign3A_88, %sign3A_95 : i32
      %rem3A_96 = arith.remsi %scan3A_79, %jit3A : i32
      %ne3A_97 = arith.constant 0 : i32
      %ne3A_98 = arith.cmpi ne, %rem3A_96, %ne3A_97 : i32
      %and3A = arith.andi %ne3A, %ne3A_98 : i1
      %sub3A_99 = arith.constant 1 : i32
      %sub3A_100 = arith.subi %div3A, %sub3A_99 : i32
      %select_n3A = arith.select %and3A, %sub3A_100, %div3A : i32
      %rem3A_101 = arith.constant 16 : i32
      %rem3A_102 = arith.remsi %scan3A_79, %rem3A_101 : i32
      %rem3A_103 = arith.constant 2 : i32
      %rem3A_104 = arith.remsi %select_n3A, %rem3A_103 : i32
      %eq3A = arith.constant 15 : i32
      %eq3A_105 = arith.cmpi eq, %rem3A_102, %eq3A : i32
      %add3A_106 = arith.constant 1 : i32
      %add3A_107 = arith.addi %scan3A_79, %add3A_106 : i32
      %lt3A = arith.constant 80 : i32
      %lt3A_108 = arith.cmpi slt, %add3A_107, %lt3A : i32
      %and3A_109 = arith.andi %eq3A_105, %lt3A_108 : i1
      %convert_element_type3A = arith.extui %and3A_109 : i1 to i32
      %cond3A = arith.constant 0 : i32
      %cond3A_110 = arith.cmpi ne, %convert_element_type3A, %cond3A : i32
      scf.if %cond3A_110 {
        %add3A_147 = arith.constant 1 : i32
        %add3A_148 = arith.addi %select_n3A, %add3A_147 : i32
        %sub3A_149 = arith.constant 1 : i32
        %sub3A_150 = arith.subi %sub3A_149, %rem3A_104 : i32
        %mul3A_151 = arith.constant 16 : i32
        %mul3A_152 = arith.muli %add3A_148, %mul3A_151 : i32
        %add3A_153 = arith.addi %mul3A_2, %mul3A_152 : i32
        "tpu.region"() ({
          %run_scoped3A_157 = tpu.sem_alloc : memref<!tpu.dma_semaphore, #tpu.memory_space<semaphore_mem>>
          %dma_start3A_158 = arith.constant 0 : i32
          %dma_start3A_159 = arith.constant 0 : i32
          %dma_start3A_160 = tpu.memref_slice %arg6[%sub3A_150, %dma_start3A_158, %dma_start3A_159] : memref<2x16x128xi32, #tpu.memory_space<vmem>> -> memref<1x16x128xi32, #tpu.memory_space<vmem>>
          %dma_start3A_161 = tpu.memref_squeeze %dma_start3A_160 : memref<1x16x128xi32, #tpu.memory_space<vmem>> -> memref<16x128xi32, #tpu.memory_space<vmem>>
          %dma_start3A_162 = arith.constant 0 : i32
          %dma_start3A_163 = tpu.memref_slice %arg3[%add3A_153, %dma_start3A_162] : memref<2560x128xi32, #tpu.memory_space<hbm>> -> memref<16x128xi32, #tpu.memory_space<hbm>>
          %dma_start3A_164 = arith.constant 0 : i32
          %dma_start3A_165 = arith.constant 0 : i32
          %dma_start3A_166 = tpu.memref_slice %arg6[%sub3A_150, %dma_start3A_164, %dma_start3A_165] : memref<2x16x128xi32, #tpu.memory_space<vmem>> -> memref<1x16x128xi32, #tpu.memory_space<vmem>>
          %dma_start3A_167 = tpu.memref_squeeze %dma_start3A_166 : memref<1x16x128xi32, #tpu.memory_space<vmem>> -> memref<16x128xi32, #tpu.memory_space<vmem>>
          %dma_start3A_168 = arith.constant 0 : i32
          %dma_start3A_169 = tpu.memref_slice %arg3[%add3A_153, %dma_start3A_168] : memref<2560x128xi32, #tpu.memory_space<hbm>> -> memref<16x128xi32, #tpu.memory_space<hbm>>
          tpu.enqueue_dma source(%dma_start3A_169 : memref<16x128xi32, #tpu.memory_space<hbm>>) target(%dma_start3A_167 : memref<16x128xi32, #tpu.memory_space<vmem>>) target_semaphore(%run_scoped3A_157 : memref<!tpu.dma_semaphore, #tpu.memory_space<semaphore_mem>>)
          %dma_wait3A_170 = arith.constant 0 : i32
          %dma_wait3A_171 = arith.constant 0 : i32
          %dma_wait3A_172 = tpu.memref_slice %arg6[%sub3A_150, %dma_wait3A_170, %dma_wait3A_171] : memref<2x16x128xi32, #tpu.memory_space<vmem>> -> memref<1x16x128xi32, #tpu.memory_space<vmem>>
          %dma_wait3A_173 = tpu.memref_squeeze %dma_wait3A_172 : memref<1x16x128xi32, #tpu.memory_space<vmem>> -> memref<16x128xi32, #tpu.memory_space<vmem>>
          %dma_wait3A_174 = arith.constant 0 : i32
          %dma_wait3A_175 = tpu.memref_slice %arg3[%add3A_153, %dma_wait3A_174] : memref<2560x128xi32, #tpu.memory_space<hbm>> -> memref<16x128xi32, #tpu.memory_space<hbm>>
          %dma_wait3A_176 = arith.constant 0 : i32
          %dma_wait3A_177 = arith.constant 0 : i32
          %dma_wait3A_178 = tpu.memref_slice %arg6[%sub3A_150, %dma_wait3A_176, %dma_wait3A_177] : memref<2x16x128xi32, #tpu.memory_space<vmem>> -> memref<1x16x128xi32, #tpu.memory_space<vmem>>
          %dma_wait3A_179 = tpu.memref_squeeze %dma_wait3A_178 : memref<1x16x128xi32, #tpu.memory_space<vmem>> -> memref<16x128xi32, #tpu.memory_space<vmem>>
          %dma_wait3A_180 = arith.constant 0 : i32
          %dma_wait3A_181 = tpu.memref_slice %arg3[%add3A_153, %dma_wait3A_180] : memref<2560x128xi32, #tpu.memory_space<hbm>> -> memref<16x128xi32, #tpu.memory_space<hbm>>
          tpu.wait_dma2 semaphore(%run_scoped3A_157 : memref<!tpu.dma_semaphore, #tpu.memory_space<semaphore_mem>>) src(%dma_wait3A_181 : memref<16x128xi32, #tpu.memory_space<hbm>>) dst(%dma_wait3A_179 : memref<16x128xi32, #tpu.memory_space<vmem>>)
          tpu.yield
        }) : () -> ()
        %mul3A_154 = arith.constant 16 : i32
        %mul3A_155 = arith.muli %add3A_148, %mul3A_154 : i32
        %add3A_156 = arith.addi %mul3A_2, %mul3A_155 : i32
        "tpu.region"() ({
          %run_scoped3A_157 = tpu.sem_alloc : memref<!tpu.dma_semaphore, #tpu.memory_space<semaphore_mem>>
          %dma_start3A_158 = arith.constant 0 : i32
          %dma_start3A_159 = arith.constant 0 : i32
          %dma_start3A_160 = tpu.memref_slice %arg7[%sub3A_150, %dma_start3A_158, %dma_start3A_159] : memref<2x16x128xi32, #tpu.memory_space<vmem>> -> memref<1x16x128xi32, #tpu.memory_space<vmem>>
          %dma_start3A_161 = tpu.memref_squeeze %dma_start3A_160 : memref<1x16x128xi32, #tpu.memory_space<vmem>> -> memref<16x128xi32, #tpu.memory_space<vmem>>
          %dma_start3A_162 = arith.constant 0 : i32
          %dma_start3A_163 = tpu.memref_slice %arg4[%add3A_156, %dma_start3A_162] : memref<2560x128xi32, #tpu.memory_space<hbm>> -> memref<16x128xi32, #tpu.memory_space<hbm>>
          %dma_start3A_164 = arith.constant 0 : i32
          %dma_start3A_165 = arith.constant 0 : i32
          %dma_start3A_166 = tpu.memref_slice %arg7[%sub3A_150, %dma_start3A_164, %dma_start3A_165] : memref<2x16x128xi32, #tpu.memory_space<vmem>> -> memref<1x16x128xi32, #tpu.memory_space<vmem>>
          %dma_start3A_167 = tpu.memref_squeeze %dma_start3A_166 : memref<1x16x128xi32, #tpu.memory_space<vmem>> -> memref<16x128xi32, #tpu.memory_space<vmem>>
          %dma_start3A_168 = arith.constant 0 : i32
          %dma_start3A_169 = tpu.memref_slice %arg4[%add3A_156, %dma_start3A_168] : memref<2560x128xi32, #tpu.memory_space<hbm>> -> memref<16x128xi32, #tpu.memory_space<hbm>>
          tpu.enqueue_dma source(%dma_start3A_169 : memref<16x128xi32, #tpu.memory_space<hbm>>) target(%dma_start3A_167 : memref<16x128xi32, #tpu.memory_space<vmem>>) target_semaphore(%run_scoped3A_157 : memref<!tpu.dma_semaphore, #tpu.memory_space<semaphore_mem>>)
          %dma_wait3A_170 = arith.constant 0 : i32
          %dma_wait3A_171 = arith.constant 0 : i32
          %dma_wait3A_172 = tpu.memref_slice %arg7[%sub3A_150, %dma_wait3A_170, %dma_wait3A_171] : memref<2x16x128xi32, #tpu.memory_space<vmem>> -> memref<1x16x128xi32, #tpu.memory_space<vmem>>
          %dma_wait3A_173 = tpu.memref_squeeze %dma_wait3A_172 : memref<1x16x128xi32, #tpu.memory_space<vmem>> -> memref<16x128xi32, #tpu.memory_space<vmem>>
          %dma_wait3A_174 = arith.constant 0 : i32
          %dma_wait3A_175 = tpu.memref_slice %arg4[%add3A_156, %dma_wait3A_174] : memref<2560x128xi32, #tpu.memory_space<hbm>> -> memref<16x128xi32, #tpu.memory_space<hbm>>
          %dma_wait3A_176 = arith.constant 0 : i32
          %dma_wait3A_177 = arith.constant 0 : i32
          %dma_wait3A_178 = tpu.memref_slice %arg7[%sub3A_150, %dma_wait3A_176, %dma_wait3A_177] : memref<2x16x128xi32, #tpu.memory_space<vmem>> -> memref<1x16x128xi32, #tpu.memory_space<vmem>>
          %dma_wait3A_179 = tpu.memref_squeeze %dma_wait3A_178 : memref<1x16x128xi32, #tpu.memory_space<vmem>> -> memref<16x128xi32, #tpu.memory_space<vmem>>
          %dma_wait3A_180 = arith.constant 0 : i32
          %dma_wait3A_181 = tpu.memref_slice %arg4[%add3A_156, %dma_wait3A_180] : memref<2560x128xi32, #tpu.memory_space<hbm>> -> memref<16x128xi32, #tpu.memory_space<hbm>>
          tpu.wait_dma2 semaphore(%run_scoped3A_157 : memref<!tpu.dma_semaphore, #tpu.memory_space<semaphore_mem>>) src(%dma_wait3A_181 : memref<16x128xi32, #tpu.memory_space<hbm>>) dst(%dma_wait3A_179 : memref<16x128xi32, #tpu.memory_space<vmem>>)
          tpu.yield
        }) : () -> ()
      } else {
      }
      %ge3A = arith.constant 1 : i32
      %ge3A_111 = arith.cmpi sge, %scan3A_79, %ge3A : i32
      %convert_element_type3A_112 = arith.extui %ge3A_111 : i1 to i32
      %cond3A_113 = arith.constant 0 : i32
      %cond3A_114 = arith.cmpi ne, %convert_element_type3A_112, %cond3A_113 : i32
      scf.if %cond3A_114 {
        %dma_wait3A_147 = arith.constant 0 : i32
        %dma_wait3A_148 = arith.constant 0 : i32
        %dma_wait3A_149 = tpu.memref_slice %arg8[%sub3A_82, %dma_wait3A_147, %dma_wait3A_148] : memref<2x128x128xf32, #tpu.memory_space<vmem>> -> memref<1x128x128xf32, #tpu.memory_space<vmem>>
        %dma_wait3A_150 = tpu.memref_squeeze %dma_wait3A_149 : memref<1x128x128xf32, #tpu.memory_space<vmem>> -> memref<128x128xf32, #tpu.memory_space<vmem>>
        %dma_wait3A_151 = arith.constant 0 : i32
        %dma_wait3A_152 = tpu.memref_slice %arg7[%rem3A_104, %rem3A_102, %dma_wait3A_151] : memref<2x16x128xi32, #tpu.memory_space<vmem>> -> memref<1x1x128xi32, #tpu.memory_space<vmem>>
        %dma_wait3A_153 = tpu.memref_squeeze %dma_wait3A_152 : memref<1x1x128xi32, #tpu.memory_space<vmem>> -> memref<128xi32, #tpu.memory_space<vmem>>
        %dma_wait3A_154 = arith.constant 0 : i32
        %dma_wait3A_155 = arith.constant 0 : i32
        %dma_wait3A_156 = tpu.memref_slice %arg9[%dma_wait3A_154, %dma_wait3A_155] : memref<10240x128xf32, #tpu.memory_space<vmem_shared>> -> memref<10240x128xf32, #tpu.memory_space<vmem_shared>>
        %dma_wait3A_157 = tpu.memref_slice %arg11[%sub3A_82] : memref<2x!tpu.dma_semaphore, #tpu.memory_space<semaphore_mem>> -> memref<1x!tpu.dma_semaphore, #tpu.memory_space<semaphore_mem>>
        %dma_wait3A_158 = tpu.memref_squeeze %dma_wait3A_157 : memref<1x!tpu.dma_semaphore, #tpu.memory_space<semaphore_mem>> -> memref<!tpu.dma_semaphore, #tpu.memory_space<semaphore_mem>>
        tpu.wait_indirect_dma semaphore(%dma_wait3A_158 : memref<!tpu.dma_semaphore, #tpu.memory_space<semaphore_mem>>) src(%dma_wait3A_150 : memref<128x128xf32, #tpu.memory_space<vmem>>) dst(%dma_wait3A_156 : memref<10240x128xf32, #tpu.memory_space<vmem_shared>>)
      } else {
      }
      %add3A_115 = arith.constant 1 : i32
      %add3A_116 = arith.addi %scan3A_79, %add3A_115 : i32
      %lt3A_117 = arith.constant 80 : i32
      %lt3A_118 = arith.cmpi slt, %add3A_116, %lt3A_117 : i32
      %convert_element_type3A_119 = arith.extui %lt3A_118 : i1 to i32
      %cond3A_120 = arith.constant 0 : i32
      %cond3A_121 = arith.cmpi ne, %convert_element_type3A_119, %cond3A_120 : i32
      scf.if %cond3A_121 {
        %add3A_147 = arith.constant 1 : i32
        %add3A_148 = arith.addi %scan3A_79, %add3A_147 : i32
        %jit3A_149 = arith.constant 16 : i32
        %div3A_150 = arith.divsi %add3A_148, %jit3A_149 : i32
        %sign3A_151 = arith.constant 0 : i32
        %sign3A_152 = arith.cmpi sgt, %add3A_148, %sign3A_151 : i32
        %sign3A_153 = arith.extui %sign3A_152 : i1 to i32
        %sign3A_154 = arith.constant 0 : i32
        %sign3A_155 = arith.cmpi slt, %add3A_148, %sign3A_154 : i32
        %sign3A_156 = arith.extui %sign3A_155 : i1 to i32
        %sign3A_157 = arith.subi %sign3A_153, %sign3A_156 : i32
        %sign3A_158 = arith.constant 0 : i32
        %sign3A_159 = arith.cmpi sgt, %jit3A_149, %sign3A_158 : i32
        %sign3A_160 = arith.extui %sign3A_159 : i1 to i32
        %sign3A_161 = arith.constant 0 : i32
        %sign3A_162 = arith.cmpi slt, %jit3A_149, %sign3A_161 : i32
        %sign3A_163 = arith.extui %sign3A_162 : i1 to i32
        %sign3A_164 = arith.subi %sign3A_160, %sign3A_163 : i32
        %ne3A_165 = arith.cmpi ne, %sign3A_157, %sign3A_164 : i32
        %rem3A_166 = arith.remsi %add3A_148, %jit3A_149 : i32
        %ne3A_167 = arith.constant 0 : i32
        %ne3A_168 = arith.cmpi ne, %rem3A_166, %ne3A_167 : i32
        %and3A_169 = arith.andi %ne3A_165, %ne3A_168 : i1
        %sub3A_170 = arith.constant 1 : i32
        %sub3A_171 = arith.subi %div3A_150, %sub3A_170 : i32
        %select_n3A_172 = arith.select %and3A_169, %sub3A_171, %div3A_150 : i32
        %rem3A_173 = arith.constant 2 : i32
        %rem3A_174 = arith.remsi %select_n3A_172, %rem3A_173 : i32
        %add3A_175 = arith.constant 1 : i32
        %add3A_176 = arith.addi %scan3A_79, %add3A_175 : i32
        %rem3A_177 = arith.constant 16 : i32
        %rem3A_178 = arith.remsi %add3A_176, %rem3A_177 : i32
        %dma_start3A_179 = arith.constant 0 : i32
        %dma_start3A_180 = arith.constant 0 : i32
        %dma_start3A_181 = tpu.memref_slice %arg8[%sub3A_82, %dma_start3A_179, %dma_start3A_180] : memref<2x128x128xf32, #tpu.memory_space<vmem>> -> memref<1x128x128xf32, #tpu.memory_space<vmem>>
        %dma_start3A_182 = tpu.memref_squeeze %dma_start3A_181 : memref<1x128x128xf32, #tpu.memory_space<vmem>> -> memref<128x128xf32, #tpu.memory_space<vmem>>
        %dma_start3A_183 = arith.constant 0 : i32
        %dma_start3A_184 = tpu.memref_slice %arg6[%rem3A_174, %rem3A_178, %dma_start3A_183] : memref<2x16x128xi32, #tpu.memory_space<vmem>> -> memref<1x1x128xi32, #tpu.memory_space<vmem>>
        %dma_start3A_185 = tpu.memref_squeeze %dma_start3A_184 : memref<1x1x128xi32, #tpu.memory_space<vmem>> -> memref<128xi32, #tpu.memory_space<vmem>>
        %dma_start3A_186 = arith.constant 0 : i32
        %dma_start3A_187 = arith.constant 0 : i32
        %dma_start3A_188 = tpu.memref_slice %arg2[%dma_start3A_186, %dma_start3A_187] : memref<10240x128xf32, #tpu.memory_space<hbm>> -> memref<10240x128xf32, #tpu.memory_space<hbm>>
        %dma_start3A_189 = tpu.memref_slice %arg10[%sub3A_82] : memref<2x!tpu.dma_semaphore, #tpu.memory_space<semaphore_mem>> -> memref<1x!tpu.dma_semaphore, #tpu.memory_space<semaphore_mem>>
        %dma_start3A_190 = tpu.memref_squeeze %dma_start3A_189 : memref<1x!tpu.dma_semaphore, #tpu.memory_space<semaphore_mem>> -> memref<!tpu.dma_semaphore, #tpu.memory_space<semaphore_mem>>
        tpu.enqueue_indirect_dma source(%dma_start3A_188 : memref<10240x128xf32, #tpu.memory_space<hbm>>) target(%dma_start3A_182 : memref<128x128xf32, #tpu.memory_space<vmem>>) offsets(%dma_start3A_185 : memref<128xi32, #tpu.memory_space<vmem>>) semaphore(%dma_start3A_190 : memref<!tpu.dma_semaphore, #tpu.memory_space<semaphore_mem>>)
      } else {
      }
      %dma_wait3A_122 = arith.constant 0 : i32
      %dma_wait3A_123 = arith.constant 0 : i32
      %dma_wait3A_124 = tpu.memref_slice %arg8[%rem3A_81, %dma_wait3A_122, %dma_wait3A_123] : memref<2x128x128xf32, #tpu.memory_space<vmem>> -> memref<1x128x128xf32, #tpu.memory_space<vmem>>
      %dma_wait3A_125 = tpu.memref_squeeze %dma_wait3A_124 : memref<1x128x128xf32, #tpu.memory_space<vmem>> -> memref<128x128xf32, #tpu.memory_space<vmem>>
      %dma_wait3A_126 = arith.constant 0 : i32
      %dma_wait3A_127 = tpu.memref_slice %arg6[%rem3A_104, %rem3A_102, %dma_wait3A_126] : memref<2x16x128xi32, #tpu.memory_space<vmem>> -> memref<1x1x128xi32, #tpu.memory_space<vmem>>
      %dma_wait3A_128 = tpu.memref_squeeze %dma_wait3A_127 : memref<1x1x128xi32, #tpu.memory_space<vmem>> -> memref<128xi32, #tpu.memory_space<vmem>>
      %dma_wait3A_129 = arith.constant 0 : i32
      %dma_wait3A_130 = arith.constant 0 : i32
      %dma_wait3A_131 = tpu.memref_slice %arg2[%dma_wait3A_129, %dma_wait3A_130] : memref<10240x128xf32, #tpu.memory_space<hbm>> -> memref<10240x128xf32, #tpu.memory_space<hbm>>
      %dma_wait3A_132 = tpu.memref_slice %arg10[%rem3A_81] : memref<2x!tpu.dma_semaphore, #tpu.memory_space<semaphore_mem>> -> memref<1x!tpu.dma_semaphore, #tpu.memory_space<semaphore_mem>>
      %dma_wait3A_133 = tpu.memref_squeeze %dma_wait3A_132 : memref<1x!tpu.dma_semaphore, #tpu.memory_space<semaphore_mem>> -> memref<!tpu.dma_semaphore, #tpu.memory_space<semaphore_mem>>
      tpu.wait_indirect_dma semaphore(%dma_wait3A_133 : memref<!tpu.dma_semaphore, #tpu.memory_space<semaphore_mem>>) src(%dma_wait3A_131 : memref<10240x128xf32, #tpu.memory_space<hbm>>) dst(%dma_wait3A_125 : memref<128x128xf32, #tpu.memory_space<vmem>>)
      %dma_start3A_134 = arith.constant 0 : i32
      %dma_start3A_135 = arith.constant 0 : i32
      %dma_start3A_136 = tpu.memref_slice %arg8[%rem3A_81, %dma_start3A_134, %dma_start3A_135] : memref<2x128x128xf32, #tpu.memory_space<vmem>> -> memref<1x128x128xf32, #tpu.memory_space<vmem>>
      %dma_start3A_137 = tpu.memref_squeeze %dma_start3A_136 : memref<1x128x128xf32, #tpu.memory_space<vmem>> -> memref<128x128xf32, #tpu.memory_space<vmem>>
      %dma_start3A_138 = arith.constant 0 : i32
      %dma_start3A_139 = tpu.memref_slice %arg7[%rem3A_104, %rem3A_102, %dma_start3A_138] : memref<2x16x128xi32, #tpu.memory_space<vmem>> -> memref<1x1x128xi32, #tpu.memory_space<vmem>>
      %dma_start3A_140 = tpu.memref_squeeze %dma_start3A_139 : memref<1x1x128xi32, #tpu.memory_space<vmem>> -> memref<128xi32, #tpu.memory_space<vmem>>
      %dma_start3A_141 = arith.constant 0 : i32
      %dma_start3A_142 = arith.constant 0 : i32
      %dma_start3A_143 = tpu.memref_slice %arg9[%dma_start3A_141, %dma_start3A_142] : memref<10240x128xf32, #tpu.memory_space<vmem_shared>> -> memref<10240x128xf32, #tpu.memory_space<vmem_shared>>
      %dma_start3A_144 = tpu.memref_slice %arg11[%rem3A_81] : memref<2x!tpu.dma_semaphore, #tpu.memory_space<semaphore_mem>> -> memref<1x!tpu.dma_semaphore, #tpu.memory_space<semaphore_mem>>
      %dma_start3A_145 = tpu.memref_squeeze %dma_start3A_144 : memref<1x!tpu.dma_semaphore, #tpu.memory_space<semaphore_mem>> -> memref<!tpu.dma_semaphore, #tpu.memory_space<semaphore_mem>>
      tpu.enqueue_indirect_dma source(%dma_start3A_137 : memref<128x128xf32, #tpu.memory_space<vmem>>) target(%dma_start3A_143 : memref<10240x128xf32, #tpu.memory_space<vmem_shared>>) offsets(%dma_start3A_140 : memref<128xi32, #tpu.memory_space<vmem>>) semaphore(%dma_start3A_145 : memref<!tpu.dma_semaphore, #tpu.memory_space<semaphore_mem>>) {add = true}
      %scan3A_146 = arith.constant 0 : i32
      scf.yield %scan3A_146 : i32
    }
    %scan3A_60 = arith.constant 80 : i32
    %dma_wait3A = arith.constant 1 : i32
    %dma_wait3A_61 = arith.constant 0 : i32
    %dma_wait3A_62 = arith.constant 15 : i32
    %dma_wait3A_63 = arith.constant 1 : i32
    %dma_wait3A_64 = arith.constant 0 : i32
    %dma_wait3A_65 = arith.constant 0 : i32
    %dma_wait3A_66 = tpu.memref_slice %arg8[%dma_wait3A, %dma_wait3A_64, %dma_wait3A_65] : memref<2x128x128xf32, #tpu.memory_space<vmem>> -> memref<1x128x128xf32, #tpu.memory_space<vmem>>
    %dma_wait3A_67 = tpu.memref_squeeze %dma_wait3A_66 : memref<1x128x128xf32, #tpu.memory_space<vmem>> -> memref<128x128xf32, #tpu.memory_space<vmem>>
    %dma_wait3A_68 = arith.constant 0 : i32
    %dma_wait3A_69 = tpu.memref_slice %arg7[%dma_wait3A_61, %dma_wait3A_62, %dma_wait3A_68] : memref<2x16x128xi32, #tpu.memory_space<vmem>> -> memref<1x1x128xi32, #tpu.memory_space<vmem>>
    %dma_wait3A_70 = tpu.memref_squeeze %dma_wait3A_69 : memref<1x1x128xi32, #tpu.memory_space<vmem>> -> memref<128xi32, #tpu.memory_space<vmem>>
    %dma_wait3A_71 = arith.constant 0 : i32
    %dma_wait3A_72 = arith.constant 0 : i32
    %dma_wait3A_73 = tpu.memref_slice %arg9[%dma_wait3A_71, %dma_wait3A_72] : memref<10240x128xf32, #tpu.memory_space<vmem_shared>> -> memref<10240x128xf32, #tpu.memory_space<vmem_shared>>
    %dma_wait3A_74 = tpu.memref_slice %arg11[%dma_wait3A_63] : memref<2x!tpu.dma_semaphore, #tpu.memory_space<semaphore_mem>> -> memref<1x!tpu.dma_semaphore, #tpu.memory_space<semaphore_mem>>
    %dma_wait3A_75 = tpu.memref_squeeze %dma_wait3A_74 : memref<1x!tpu.dma_semaphore, #tpu.memory_space<semaphore_mem>> -> memref<!tpu.dma_semaphore, #tpu.memory_space<semaphore_mem>>
    tpu.wait_indirect_dma semaphore(%dma_wait3A_75 : memref<!tpu.dma_semaphore, #tpu.memory_space<semaphore_mem>>) src(%dma_wait3A_67 : memref<128x128xf32, #tpu.memory_space<vmem>>) dst(%dma_wait3A_73 : memref<10240x128xf32, #tpu.memory_space<vmem_shared>>)
    %barrier3A_76 = arith.constant 0 : index
    tpu.barrier barrier_id(%barrier3A_76)
    %mul3A_77 = arith.constant 640 : i32
    %mul3A_78 = arith.muli %arg1, %mul3A_77 : i32
    "tpu.region"() ({
      %run_scoped3A_79 = tpu.sem_alloc : memref<!tpu.dma_semaphore, #tpu.memory_space<semaphore_mem>>
      %dma_start3A_80 = arith.constant 0 : i32
      %dma_start3A_81 = tpu.memref_slice %arg5[%arg0, %mul3A_78, %dma_start3A_80] : memref<2x10240x128xf32, #tpu.memory_space<hbm>> -> memref<1x640x128xf32, #tpu.memory_space<hbm>>
      %dma_start3A_82 = tpu.memref_squeeze %dma_start3A_81 : memref<1x640x128xf32, #tpu.memory_space<hbm>> -> memref<640x128xf32, #tpu.memory_space<hbm>>
      %dma_start3A_83 = arith.constant 0 : i32
      %dma_start3A_84 = tpu.memref_slice %arg9[%mul3A_78, %dma_start3A_83] : memref<10240x128xf32, #tpu.memory_space<vmem_shared>> -> memref<640x128xf32, #tpu.memory_space<vmem_shared>>
      tpu.enqueue_dma source(%dma_start3A_84 : memref<640x128xf32, #tpu.memory_space<vmem_shared>>) target(%dma_start3A_82 : memref<640x128xf32, #tpu.memory_space<hbm>>) target_semaphore(%run_scoped3A_79 : memref<!tpu.dma_semaphore, #tpu.memory_space<semaphore_mem>>)
      %dma_wait3A_85 = arith.constant 0 : i32
      %dma_wait3A_86 = tpu.memref_slice %arg5[%arg0, %mul3A_78, %dma_wait3A_85] : memref<2x10240x128xf32, #tpu.memory_space<hbm>> -> memref<1x640x128xf32, #tpu.memory_space<hbm>>
      %dma_wait3A_87 = tpu.memref_squeeze %dma_wait3A_86 : memref<1x640x128xf32, #tpu.memory_space<hbm>> -> memref<640x128xf32, #tpu.memory_space<hbm>>
      %dma_wait3A_88 = arith.constant 0 : i32
      %dma_wait3A_89 = tpu.memref_slice %arg9[%mul3A_78, %dma_wait3A_88] : memref<10240x128xf32, #tpu.memory_space<vmem_shared>> -> memref<640x128xf32, #tpu.memory_space<vmem_shared>>
      tpu.wait_dma2 semaphore(%run_scoped3A_79 : memref<!tpu.dma_semaphore, #tpu.memory_space<semaphore_mem>>) src(%dma_wait3A_89 : memref<640x128xf32, #tpu.memory_space<vmem_shared>>) dst(%dma_wait3A_87 : memref<640x128xf32, #tpu.memory_space<hbm>>)
      tpu.yield
    }) : () -> ()
    return
  }
}

#map = affine_map<(d0, d1) -> (0, 0)>
#map1 = affine_map<(d0, d1) -> (0, 0, 0)>
module attributes {stable_mosaic.version = 14 : i64} {
  func.func @_sc_agg_body(%arg0: i32, %arg1: i32, %arg2: memref<10240x128xf32, #tpu.memory_space<hbm>>, %arg3: memref<2560x128xi32, #tpu.memory_space<hbm>>, %arg4: memref<2560x128xi32, #tpu.memory_space<hbm>>, %arg5: memref<2x10240x128xf32, #tpu.memory_space<hbm>>, %arg6: memref<2x10240xf32, #tpu.memory_space<hbm>>, %arg7: memref<2x16x128xi32, #tpu.memory_space<vmem>>, %arg8: memref<2x16x128xi32, #tpu.memory_space<vmem>>, %arg9: memref<2x128x128xf32, #tpu.memory_space<vmem>>, %arg10: memref<128xf32, #tpu.memory_space<vmem>>, %arg11: memref<640xf32, #tpu.memory_space<vmem>>, %arg12: memref<10240x128xf32, #tpu.memory_space<vmem_shared>>, %arg13: memref<10240xf32, #tpu.memory_space<vmem_shared>>, %arg14: memref<2x!tpu.dma_semaphore, #tpu.memory_space<semaphore_mem>>, %arg15: memref<2x!tpu.dma_semaphore, #tpu.memory_space<semaphore_mem>>) attributes {dimension_semantics = [#tpu.dimension_semantics<core_parallel>, #tpu.dimension_semantics<subcore_parallel>], iteration_bounds = array<i64: 2, 16>, scalar_prefetch = 0 : i64, scratch_operands = 9 : i64, tpu.core_type = #tpu.core_type<sc_vector_subcore>, window_params = [{transform_indices = #map}, {transform_indices = #map}, {transform_indices = #map}, {transform_indices = #map1}, {transform_indices = #map}]} {
    %mul3A = arith.constant 2 : i32
    %mul3A_0 = arith.muli %arg1, %mul3A : i32
    %add3A = arith.addi %mul3A_0, %arg0 : i32
    %mul3A_1 = arith.constant 80 : i32
    %mul3A_2 = arith.muli %add3A, %mul3A_1 : i32
    %scan3A = arith.constant 0 : i32
    %scan3A_3 = arith.constant 0 : i32
    %scan3A_4 = arith.constant 128 : i32
    %scan3A_5 = arith.addi %scan3A_3, %scan3A_4 : i32
    %scan3A_6 = arith.constant 1 : i32
    %scan3A_7 = scf.for %scan3A_95 = %scan3A_3 to %scan3A_5 step %scan3A_6 iter_args(%scan3A_96 = %scan3A) -> (i32)  : i32 {
      %broadcast_in_dim3A = arith.constant 0.000000e+00 : f32
      %broadcast_in_dim3A_97 = vector.broadcast %broadcast_in_dim3A : f32 to vector<16xf32>
      %swap3A = arith.constant 0 : i32
      %swap3A_98 = arith.index_cast %swap3A : i32 to index
      %swap3A_99 = arith.index_cast %scan3A_95 : i32 to index
      %swap3A_100 = arith.constant 0 : index
      %swap3A_101 = tpu.vector_load %arg9[%swap3A_98, %swap3A_99, %swap3A_100] {strides = array<i32>} : memref<2x128x128xf32, #tpu.memory_space<vmem>>, vector<1x1x16xf32>,
      %swap3A_102 = vector.shape_cast %swap3A_101 : vector<1x1x16xf32> to vector<16xf32>
      %swap3A_103 = vector.shape_cast %broadcast_in_dim3A_97 : vector<16xf32> to vector<1x1x16xf32>
      tpu.vector_store %arg9[%swap3A_98, %swap3A_99, %swap3A_100], %swap3A_103 {strides = array<i32>} : memref<2x128x128xf32, #tpu.memory_space<vmem>>, vector<1x1x16xf32>,
      %broadcast_in_dim3A_104 = arith.constant 0.000000e+00 : f32
      %broadcast_in_dim3A_105 = vector.broadcast %broadcast_in_dim3A_104 : f32 to vector<16xf32>
      %swap3A_106 = arith.constant 0 : i32
      %swap3A_107 = arith.index_cast %swap3A_106 : i32 to index
      %swap3A_108 = arith.index_cast %scan3A_95 : i32 to index
      %swap3A_109 = arith.constant 16 : index
      %swap3A_110 = tpu.vector_load %arg9[%swap3A_107, %swap3A_108, %swap3A_109] {strides = array<i32>} : memref<2x128x128xf32, #tpu.memory_space<vmem>>, vector<1x1x16xf32>,
      %swap3A_111 = vector.shape_cast %swap3A_110 : vector<1x1x16xf32> to vector<16xf32>
      %swap3A_112 = vector.shape_cast %broadcast_in_dim3A_105 : vector<16xf32> to vector<1x1x16xf32>
      tpu.vector_store %arg9[%swap3A_107, %swap3A_108, %swap3A_109], %swap3A_112 {strides = array<i32>} : memref<2x128x128xf32, #tpu.memory_space<vmem>>, vector<1x1x16xf32>,
      %broadcast_in_dim3A_113 = arith.constant 0.000000e+00 : f32
      %broadcast_in_dim3A_114 = vector.broadcast %broadcast_in_dim3A_113 : f32 to vector<16xf32>
      %swap3A_115 = arith.constant 0 : i32
      %swap3A_116 = arith.index_cast %swap3A_115 : i32 to index
      %swap3A_117 = arith.index_cast %scan3A_95 : i32 to index
      %swap3A_118 = arith.constant 32 : index
      %swap3A_119 = tpu.vector_load %arg9[%swap3A_116, %swap3A_117, %swap3A_118] {strides = array<i32>} : memref<2x128x128xf32, #tpu.memory_space<vmem>>, vector<1x1x16xf32>,
      %swap3A_120 = vector.shape_cast %swap3A_119 : vector<1x1x16xf32> to vector<16xf32>
      %swap3A_121 = vector.shape_cast %broadcast_in_dim3A_114 : vector<16xf32> to vector<1x1x16xf32>
      tpu.vector_store %arg9[%swap3A_116, %swap3A_117, %swap3A_118], %swap3A_121 {strides = array<i32>} : memref<2x128x128xf32, #tpu.memory_space<vmem>>, vector<1x1x16xf32>,
      %broadcast_in_dim3A_122 = arith.constant 0.000000e+00 : f32
      %broadcast_in_dim3A_123 = vector.broadcast %broadcast_in_dim3A_122 : f32 to vector<16xf32>
      %swap3A_124 = arith.constant 0 : i32
      %swap3A_125 = arith.index_cast %swap3A_124 : i32 to index
      %swap3A_126 = arith.index_cast %scan3A_95 : i32 to index
      %swap3A_127 = arith.constant 48 : index
      %swap3A_128 = tpu.vector_load %arg9[%swap3A_125, %swap3A_126, %swap3A_127] {strides = array<i32>} : memref<2x128x128xf32, #tpu.memory_space<vmem>>, vector<1x1x16xf32>,
      %swap3A_129 = vector.shape_cast %swap3A_128 : vector<1x1x16xf32> to vector<16xf32>
      %swap3A_130 = vector.shape_cast %broadcast_in_dim3A_123 : vector<16xf32> to vector<1x1x16xf32>
      tpu.vector_store %arg9[%swap3A_125, %swap3A_126, %swap3A_127], %swap3A_130 {strides = array<i32>} : memref<2x128x128xf32, #tpu.memory_space<vmem>>, vector<1x1x16xf32>,
      %broadcast_in_dim3A_131 = arith.constant 0.000000e+00 : f32
      %broadcast_in_dim3A_132 = vector.broadcast %broadcast_in_dim3A_131 : f32 to vector<16xf32>
      %swap3A_133 = arith.constant 0 : i32
      %swap3A_134 = arith.index_cast %swap3A_133 : i32 to index
      %swap3A_135 = arith.index_cast %scan3A_95 : i32 to index
      %swap3A_136 = arith.constant 64 : index
      %swap3A_137 = tpu.vector_load %arg9[%swap3A_134, %swap3A_135, %swap3A_136] {strides = array<i32>} : memref<2x128x128xf32, #tpu.memory_space<vmem>>, vector<1x1x16xf32>,
      %swap3A_138 = vector.shape_cast %swap3A_137 : vector<1x1x16xf32> to vector<16xf32>
      %swap3A_139 = vector.shape_cast %broadcast_in_dim3A_132 : vector<16xf32> to vector<1x1x16xf32>
      tpu.vector_store %arg9[%swap3A_134, %swap3A_135, %swap3A_136], %swap3A_139 {strides = array<i32>} : memref<2x128x128xf32, #tpu.memory_space<vmem>>, vector<1x1x16xf32>,
      %broadcast_in_dim3A_140 = arith.constant 0.000000e+00 : f32
      %broadcast_in_dim3A_141 = vector.broadcast %broadcast_in_dim3A_140 : f32 to vector<16xf32>
      %swap3A_142 = arith.constant 0 : i32
      %swap3A_143 = arith.index_cast %swap3A_142 : i32 to index
      %swap3A_144 = arith.index_cast %scan3A_95 : i32 to index
      %swap3A_145 = arith.constant 80 : index
      %swap3A_146 = tpu.vector_load %arg9[%swap3A_143, %swap3A_144, %swap3A_145] {strides = array<i32>} : memref<2x128x128xf32, #tpu.memory_space<vmem>>, vector<1x1x16xf32>,
      %swap3A_147 = vector.shape_cast %swap3A_146 : vector<1x1x16xf32> to vector<16xf32>
      %swap3A_148 = vector.shape_cast %broadcast_in_dim3A_141 : vector<16xf32> to vector<1x1x16xf32>
      tpu.vector_store %arg9[%swap3A_143, %swap3A_144, %swap3A_145], %swap3A_148 {strides = array<i32>} : memref<2x128x128xf32, #tpu.memory_space<vmem>>, vector<1x1x16xf32>,
      %broadcast_in_dim3A_149 = arith.constant 0.000000e+00 : f32
      %broadcast_in_dim3A_150 = vector.broadcast %broadcast_in_dim3A_149 : f32 to vector<16xf32>
      %swap3A_151 = arith.constant 0 : i32
      %swap3A_152 = arith.index_cast %swap3A_151 : i32 to index
      %swap3A_153 = arith.index_cast %scan3A_95 : i32 to index
      %swap3A_154 = arith.constant 96 : index
      %swap3A_155 = tpu.vector_load %arg9[%swap3A_152, %swap3A_153, %swap3A_154] {strides = array<i32>} : memref<2x128x128xf32, #tpu.memory_space<vmem>>, vector<1x1x16xf32>,
      %swap3A_156 = vector.shape_cast %swap3A_155 : vector<1x1x16xf32> to vector<16xf32>
      %swap3A_157 = vector.shape_cast %broadcast_in_dim3A_150 : vector<16xf32> to vector<1x1x16xf32>
      tpu.vector_store %arg9[%swap3A_152, %swap3A_153, %swap3A_154], %swap3A_157 {strides = array<i32>} : memref<2x128x128xf32, #tpu.memory_space<vmem>>, vector<1x1x16xf32>,
      %broadcast_in_dim3A_158 = arith.constant 0.000000e+00 : f32
      %broadcast_in_dim3A_159 = vector.broadcast %broadcast_in_dim3A_158 : f32 to vector<16xf32>
      %swap3A_160 = arith.constant 0 : i32
      %swap3A_161 = arith.index_cast %swap3A_160 : i32 to index
      %swap3A_162 = arith.index_cast %scan3A_95 : i32 to index
      %swap3A_163 = arith.constant 112 : index
      %swap3A_164 = tpu.vector_load %arg9[%swap3A_161, %swap3A_162, %swap3A_163] {strides = array<i32>} : memref<2x128x128xf32, #tpu.memory_space<vmem>>, vector<1x1x16xf32>,
      %swap3A_165 = vector.shape_cast %swap3A_164 : vector<1x1x16xf32> to vector<16xf32>
      %swap3A_166 = vector.shape_cast %broadcast_in_dim3A_159 : vector<16xf32> to vector<1x1x16xf32>
      tpu.vector_store %arg9[%swap3A_161, %swap3A_162, %swap3A_163], %swap3A_166 {strides = array<i32>} : memref<2x128x128xf32, #tpu.memory_space<vmem>>, vector<1x1x16xf32>,
      %scan3A_167 = arith.constant 0 : i32
      scf.yield %scan3A_167 : i32
    }
    %scan3A_8 = arith.constant 128 : i32
    %mul3A_9 = arith.constant 640 : i32
    %mul3A_10 = arith.muli %arg1, %mul3A_9 : i32
    %add3A_11 = arith.constant 0 : i32
    %add3A_12 = arith.addi %mul3A_10, %add3A_11 : i32
    %run_scoped3A = arith.constant 0 : i32
    "tpu.region"() ({
      %run_scoped3A_95 = tpu.sem_alloc : memref<!tpu.dma_semaphore, #tpu.memory_space<semaphore_mem>>
      %dma_start3A_96 = arith.constant 0 : i32
      %dma_start3A_97 = arith.constant 0 : i32
      %dma_start3A_98 = tpu.memref_slice %arg9[%run_scoped3A, %dma_start3A_96, %dma_start3A_97] : memref<2x128x128xf32, #tpu.memory_space<vmem>> -> memref<1x128x128xf32, #tpu.memory_space<vmem>>
      %dma_start3A_99 = tpu.memref_squeeze %dma_start3A_98 : memref<1x128x128xf32, #tpu.memory_space<vmem>> -> memref<128x128xf32, #tpu.memory_space<vmem>>
      %dma_start3A_100 = arith.constant 0 : i32
      %dma_start3A_101 = tpu.memref_slice %arg12[%add3A_12, %dma_start3A_100] : memref<10240x128xf32, #tpu.memory_space<vmem_shared>> -> memref<128x128xf32, #tpu.memory_space<vmem_shared>>
      %dma_start3A_102 = arith.constant 0 : i32
      %dma_start3A_103 = tpu.memref_slice %arg12[%add3A_12, %dma_start3A_102] : memref<10240x128xf32, #tpu.memory_space<vmem_shared>> -> memref<128x128xf32, #tpu.memory_space<vmem_shared>>
      %dma_start3A_104 = arith.constant 0 : i32
      %dma_start3A_105 = arith.constant 0 : i32
      %dma_start3A_106 = tpu.memref_slice %arg9[%run_scoped3A, %dma_start3A_104, %dma_start3A_105] : memref<2x128x128xf32, #tpu.memory_space<vmem>> -> memref<1x128x128xf32, #tpu.memory_space<vmem>>
      %dma_start3A_107 = tpu.memref_squeeze %dma_start3A_106 : memref<1x128x128xf32, #tpu.memory_space<vmem>> -> memref<128x128xf32, #tpu.memory_space<vmem>>
      tpu.enqueue_dma source(%dma_start3A_107 : memref<128x128xf32, #tpu.memory_space<vmem>>) target(%dma_start3A_103 : memref<128x128xf32, #tpu.memory_space<vmem_shared>>) target_semaphore(%run_scoped3A_95 : memref<!tpu.dma_semaphore, #tpu.memory_space<semaphore_mem>>)
      %dma_wait3A_108 = arith.constant 0 : i32
      %dma_wait3A_109 = arith.constant 0 : i32
      %dma_wait3A_110 = tpu.memref_slice %arg9[%run_scoped3A, %dma_wait3A_108, %dma_wait3A_109] : memref<2x128x128xf32, #tpu.memory_space<vmem>> -> memref<1x128x128xf32, #tpu.memory_space<vmem>>
      %dma_wait3A_111 = tpu.memref_squeeze %dma_wait3A_110 : memref<1x128x128xf32, #tpu.memory_space<vmem>> -> memref<128x128xf32, #tpu.memory_space<vmem>>
      %dma_wait3A_112 = arith.constant 0 : i32
      %dma_wait3A_113 = tpu.memref_slice %arg12[%add3A_12, %dma_wait3A_112] : memref<10240x128xf32, #tpu.memory_space<vmem_shared>> -> memref<128x128xf32, #tpu.memory_space<vmem_shared>>
      %dma_wait3A_114 = arith.constant 0 : i32
      %dma_wait3A_115 = tpu.memref_slice %arg12[%add3A_12, %dma_wait3A_114] : memref<10240x128xf32, #tpu.memory_space<vmem_shared>> -> memref<128x128xf32, #tpu.memory_space<vmem_shared>>
      %dma_wait3A_116 = arith.constant 0 : i32
      %dma_wait3A_117 = arith.constant 0 : i32
      %dma_wait3A_118 = tpu.memref_slice %arg9[%run_scoped3A, %dma_wait3A_116, %dma_wait3A_117] : memref<2x128x128xf32, #tpu.memory_space<vmem>> -> memref<1x128x128xf32, #tpu.memory_space<vmem>>
      %dma_wait3A_119 = tpu.memref_squeeze %dma_wait3A_118 : memref<1x128x128xf32, #tpu.memory_space<vmem>> -> memref<128x128xf32, #tpu.memory_space<vmem>>
      tpu.wait_dma2 semaphore(%run_scoped3A_95 : memref<!tpu.dma_semaphore, #tpu.memory_space<semaphore_mem>>) src(%dma_wait3A_119 : memref<128x128xf32, #tpu.memory_space<vmem>>) dst(%dma_wait3A_115 : memref<128x128xf32, #tpu.memory_space<vmem_shared>>)
      tpu.yield
    }) : () -> ()
    %mul3A_13 = arith.constant 640 : i32
    %mul3A_14 = arith.muli %arg1, %mul3A_13 : i32
    %add3A_15 = arith.constant 128 : i32
    %add3A_16 = arith.addi %mul3A_14, %add3A_15 : i32
    %run_scoped3A_17 = arith.constant 0 : i32
    "tpu.region"() ({
      %run_scoped3A_95 = tpu.sem_alloc : memref<!tpu.dma_semaphore, #tpu.memory_space<semaphore_mem>>
      %dma_start3A_96 = arith.constant 0 : i32
      %dma_start3A_97 = arith.constant 0 : i32
      %dma_start3A_98 = tpu.memref_slice %arg9[%run_scoped3A_17, %dma_start3A_96, %dma_start3A_97] : memref<2x128x128xf32, #tpu.memory_space<vmem>> -> memref<1x128x128xf32, #tpu.memory_space<vmem>>
      %dma_start3A_99 = tpu.memref_squeeze %dma_start3A_98 : memref<1x128x128xf32, #tpu.memory_space<vmem>> -> memref<128x128xf32, #tpu.memory_space<vmem>>
      %dma_start3A_100 = arith.constant 0 : i32
      %dma_start3A_101 = tpu.memref_slice %arg12[%add3A_16, %dma_start3A_100] : memref<10240x128xf32, #tpu.memory_space<vmem_shared>> -> memref<128x128xf32, #tpu.memory_space<vmem_shared>>
      %dma_start3A_102 = arith.constant 0 : i32
      %dma_start3A_103 = tpu.memref_slice %arg12[%add3A_16, %dma_start3A_102] : memref<10240x128xf32, #tpu.memory_space<vmem_shared>> -> memref<128x128xf32, #tpu.memory_space<vmem_shared>>
      %dma_start3A_104 = arith.constant 0 : i32
      %dma_start3A_105 = arith.constant 0 : i32
      %dma_start3A_106 = tpu.memref_slice %arg9[%run_scoped3A_17, %dma_start3A_104, %dma_start3A_105] : memref<2x128x128xf32, #tpu.memory_space<vmem>> -> memref<1x128x128xf32, #tpu.memory_space<vmem>>
      %dma_start3A_107 = tpu.memref_squeeze %dma_start3A_106 : memref<1x128x128xf32, #tpu.memory_space<vmem>> -> memref<128x128xf32, #tpu.memory_space<vmem>>
      tpu.enqueue_dma source(%dma_start3A_107 : memref<128x128xf32, #tpu.memory_space<vmem>>) target(%dma_start3A_103 : memref<128x128xf32, #tpu.memory_space<vmem_shared>>) target_semaphore(%run_scoped3A_95 : memref<!tpu.dma_semaphore, #tpu.memory_space<semaphore_mem>>)
      %dma_wait3A_108 = arith.constant 0 : i32
      %dma_wait3A_109 = arith.constant 0 : i32
      %dma_wait3A_110 = tpu.memref_slice %arg9[%run_scoped3A_17, %dma_wait3A_108, %dma_wait3A_109] : memref<2x128x128xf32, #tpu.memory_space<vmem>> -> memref<1x128x128xf32, #tpu.memory_space<vmem>>
      %dma_wait3A_111 = tpu.memref_squeeze %dma_wait3A_110 : memref<1x128x128xf32, #tpu.memory_space<vmem>> -> memref<128x128xf32, #tpu.memory_space<vmem>>
      %dma_wait3A_112 = arith.constant 0 : i32
      %dma_wait3A_113 = tpu.memref_slice %arg12[%add3A_16, %dma_wait3A_112] : memref<10240x128xf32, #tpu.memory_space<vmem_shared>> -> memref<128x128xf32, #tpu.memory_space<vmem_shared>>
      %dma_wait3A_114 = arith.constant 0 : i32
      %dma_wait3A_115 = tpu.memref_slice %arg12[%add3A_16, %dma_wait3A_114] : memref<10240x128xf32, #tpu.memory_space<vmem_shared>> -> memref<128x128xf32, #tpu.memory_space<vmem_shared>>
      %dma_wait3A_116 = arith.constant 0 : i32
      %dma_wait3A_117 = arith.constant 0 : i32
      %dma_wait3A_118 = tpu.memref_slice %arg9[%run_scoped3A_17, %dma_wait3A_116, %dma_wait3A_117] : memref<2x128x128xf32, #tpu.memory_space<vmem>> -> memref<1x128x128xf32, #tpu.memory_space<vmem>>
      %dma_wait3A_119 = tpu.memref_squeeze %dma_wait3A_118 : memref<1x128x128xf32, #tpu.memory_space<vmem>> -> memref<128x128xf32, #tpu.memory_space<vmem>>
      tpu.wait_dma2 semaphore(%run_scoped3A_95 : memref<!tpu.dma_semaphore, #tpu.memory_space<semaphore_mem>>) src(%dma_wait3A_119 : memref<128x128xf32, #tpu.memory_space<vmem>>) dst(%dma_wait3A_115 : memref<128x128xf32, #tpu.memory_space<vmem_shared>>)
      tpu.yield
    }) : () -> ()
    %mul3A_18 = arith.constant 640 : i32
    %mul3A_19 = arith.muli %arg1, %mul3A_18 : i32
    %add3A_20 = arith.constant 256 : i32
    %add3A_21 = arith.addi %mul3A_19, %add3A_20 : i32
    %run_scoped3A_22 = arith.constant 0 : i32
    "tpu.region"() ({
      %run_scoped3A_95 = tpu.sem_alloc : memref<!tpu.dma_semaphore, #tpu.memory_space<semaphore_mem>>
      %dma_start3A_96 = arith.constant 0 : i32
      %dma_start3A_97 = arith.constant 0 : i32
      %dma_start3A_98 = tpu.memref_slice %arg9[%run_scoped3A_22, %dma_start3A_96, %dma_start3A_97] : memref<2x128x128xf32, #tpu.memory_space<vmem>> -> memref<1x128x128xf32, #tpu.memory_space<vmem>>
      %dma_start3A_99 = tpu.memref_squeeze %dma_start3A_98 : memref<1x128x128xf32, #tpu.memory_space<vmem>> -> memref<128x128xf32, #tpu.memory_space<vmem>>
      %dma_start3A_100 = arith.constant 0 : i32
      %dma_start3A_101 = tpu.memref_slice %arg12[%add3A_21, %dma_start3A_100] : memref<10240x128xf32, #tpu.memory_space<vmem_shared>> -> memref<128x128xf32, #tpu.memory_space<vmem_shared>>
      %dma_start3A_102 = arith.constant 0 : i32
      %dma_start3A_103 = tpu.memref_slice %arg12[%add3A_21, %dma_start3A_102] : memref<10240x128xf32, #tpu.memory_space<vmem_shared>> -> memref<128x128xf32, #tpu.memory_space<vmem_shared>>
      %dma_start3A_104 = arith.constant 0 : i32
      %dma_start3A_105 = arith.constant 0 : i32
      %dma_start3A_106 = tpu.memref_slice %arg9[%run_scoped3A_22, %dma_start3A_104, %dma_start3A_105] : memref<2x128x128xf32, #tpu.memory_space<vmem>> -> memref<1x128x128xf32, #tpu.memory_space<vmem>>
      %dma_start3A_107 = tpu.memref_squeeze %dma_start3A_106 : memref<1x128x128xf32, #tpu.memory_space<vmem>> -> memref<128x128xf32, #tpu.memory_space<vmem>>
      tpu.enqueue_dma source(%dma_start3A_107 : memref<128x128xf32, #tpu.memory_space<vmem>>) target(%dma_start3A_103 : memref<128x128xf32, #tpu.memory_space<vmem_shared>>) target_semaphore(%run_scoped3A_95 : memref<!tpu.dma_semaphore, #tpu.memory_space<semaphore_mem>>)
      %dma_wait3A_108 = arith.constant 0 : i32
      %dma_wait3A_109 = arith.constant 0 : i32
      %dma_wait3A_110 = tpu.memref_slice %arg9[%run_scoped3A_22, %dma_wait3A_108, %dma_wait3A_109] : memref<2x128x128xf32, #tpu.memory_space<vmem>> -> memref<1x128x128xf32, #tpu.memory_space<vmem>>
      %dma_wait3A_111 = tpu.memref_squeeze %dma_wait3A_110 : memref<1x128x128xf32, #tpu.memory_space<vmem>> -> memref<128x128xf32, #tpu.memory_space<vmem>>
      %dma_wait3A_112 = arith.constant 0 : i32
      %dma_wait3A_113 = tpu.memref_slice %arg12[%add3A_21, %dma_wait3A_112] : memref<10240x128xf32, #tpu.memory_space<vmem_shared>> -> memref<128x128xf32, #tpu.memory_space<vmem_shared>>
      %dma_wait3A_114 = arith.constant 0 : i32
      %dma_wait3A_115 = tpu.memref_slice %arg12[%add3A_21, %dma_wait3A_114] : memref<10240x128xf32, #tpu.memory_space<vmem_shared>> -> memref<128x128xf32, #tpu.memory_space<vmem_shared>>
      %dma_wait3A_116 = arith.constant 0 : i32
      %dma_wait3A_117 = arith.constant 0 : i32
      %dma_wait3A_118 = tpu.memref_slice %arg9[%run_scoped3A_22, %dma_wait3A_116, %dma_wait3A_117] : memref<2x128x128xf32, #tpu.memory_space<vmem>> -> memref<1x128x128xf32, #tpu.memory_space<vmem>>
      %dma_wait3A_119 = tpu.memref_squeeze %dma_wait3A_118 : memref<1x128x128xf32, #tpu.memory_space<vmem>> -> memref<128x128xf32, #tpu.memory_space<vmem>>
      tpu.wait_dma2 semaphore(%run_scoped3A_95 : memref<!tpu.dma_semaphore, #tpu.memory_space<semaphore_mem>>) src(%dma_wait3A_119 : memref<128x128xf32, #tpu.memory_space<vmem>>) dst(%dma_wait3A_115 : memref<128x128xf32, #tpu.memory_space<vmem_shared>>)
      tpu.yield
    }) : () -> ()
    %mul3A_23 = arith.constant 640 : i32
    %mul3A_24 = arith.muli %arg1, %mul3A_23 : i32
    %add3A_25 = arith.constant 384 : i32
    %add3A_26 = arith.addi %mul3A_24, %add3A_25 : i32
    %run_scoped3A_27 = arith.constant 0 : i32
    "tpu.region"() ({
      %run_scoped3A_95 = tpu.sem_alloc : memref<!tpu.dma_semaphore, #tpu.memory_space<semaphore_mem>>
      %dma_start3A_96 = arith.constant 0 : i32
      %dma_start3A_97 = arith.constant 0 : i32
      %dma_start3A_98 = tpu.memref_slice %arg9[%run_scoped3A_27, %dma_start3A_96, %dma_start3A_97] : memref<2x128x128xf32, #tpu.memory_space<vmem>> -> memref<1x128x128xf32, #tpu.memory_space<vmem>>
      %dma_start3A_99 = tpu.memref_squeeze %dma_start3A_98 : memref<1x128x128xf32, #tpu.memory_space<vmem>> -> memref<128x128xf32, #tpu.memory_space<vmem>>
      %dma_start3A_100 = arith.constant 0 : i32
      %dma_start3A_101 = tpu.memref_slice %arg12[%add3A_26, %dma_start3A_100] : memref<10240x128xf32, #tpu.memory_space<vmem_shared>> -> memref<128x128xf32, #tpu.memory_space<vmem_shared>>
      %dma_start3A_102 = arith.constant 0 : i32
      %dma_start3A_103 = tpu.memref_slice %arg12[%add3A_26, %dma_start3A_102] : memref<10240x128xf32, #tpu.memory_space<vmem_shared>> -> memref<128x128xf32, #tpu.memory_space<vmem_shared>>
      %dma_start3A_104 = arith.constant 0 : i32
      %dma_start3A_105 = arith.constant 0 : i32
      %dma_start3A_106 = tpu.memref_slice %arg9[%run_scoped3A_27, %dma_start3A_104, %dma_start3A_105] : memref<2x128x128xf32, #tpu.memory_space<vmem>> -> memref<1x128x128xf32, #tpu.memory_space<vmem>>
      %dma_start3A_107 = tpu.memref_squeeze %dma_start3A_106 : memref<1x128x128xf32, #tpu.memory_space<vmem>> -> memref<128x128xf32, #tpu.memory_space<vmem>>
      tpu.enqueue_dma source(%dma_start3A_107 : memref<128x128xf32, #tpu.memory_space<vmem>>) target(%dma_start3A_103 : memref<128x128xf32, #tpu.memory_space<vmem_shared>>) target_semaphore(%run_scoped3A_95 : memref<!tpu.dma_semaphore, #tpu.memory_space<semaphore_mem>>)
      %dma_wait3A_108 = arith.constant 0 : i32
      %dma_wait3A_109 = arith.constant 0 : i32
      %dma_wait3A_110 = tpu.memref_slice %arg9[%run_scoped3A_27, %dma_wait3A_108, %dma_wait3A_109] : memref<2x128x128xf32, #tpu.memory_space<vmem>> -> memref<1x128x128xf32, #tpu.memory_space<vmem>>
      %dma_wait3A_111 = tpu.memref_squeeze %dma_wait3A_110 : memref<1x128x128xf32, #tpu.memory_space<vmem>> -> memref<128x128xf32, #tpu.memory_space<vmem>>
      %dma_wait3A_112 = arith.constant 0 : i32
      %dma_wait3A_113 = tpu.memref_slice %arg12[%add3A_26, %dma_wait3A_112] : memref<10240x128xf32, #tpu.memory_space<vmem_shared>> -> memref<128x128xf32, #tpu.memory_space<vmem_shared>>
      %dma_wait3A_114 = arith.constant 0 : i32
      %dma_wait3A_115 = tpu.memref_slice %arg12[%add3A_26, %dma_wait3A_114] : memref<10240x128xf32, #tpu.memory_space<vmem_shared>> -> memref<128x128xf32, #tpu.memory_space<vmem_shared>>
      %dma_wait3A_116 = arith.constant 0 : i32
      %dma_wait3A_117 = arith.constant 0 : i32
      %dma_wait3A_118 = tpu.memref_slice %arg9[%run_scoped3A_27, %dma_wait3A_116, %dma_wait3A_117] : memref<2x128x128xf32, #tpu.memory_space<vmem>> -> memref<1x128x128xf32, #tpu.memory_space<vmem>>
      %dma_wait3A_119 = tpu.memref_squeeze %dma_wait3A_118 : memref<1x128x128xf32, #tpu.memory_space<vmem>> -> memref<128x128xf32, #tpu.memory_space<vmem>>
      tpu.wait_dma2 semaphore(%run_scoped3A_95 : memref<!tpu.dma_semaphore, #tpu.memory_space<semaphore_mem>>) src(%dma_wait3A_119 : memref<128x128xf32, #tpu.memory_space<vmem>>) dst(%dma_wait3A_115 : memref<128x128xf32, #tpu.memory_space<vmem_shared>>)
      tpu.yield
    }) : () -> ()
    %mul3A_28 = arith.constant 640 : i32
    %mul3A_29 = arith.muli %arg1, %mul3A_28 : i32
    %add3A_30 = arith.constant 512 : i32
    %add3A_31 = arith.addi %mul3A_29, %add3A_30 : i32
    %run_scoped3A_32 = arith.constant 0 : i32
    "tpu.region"() ({
      %run_scoped3A_95 = tpu.sem_alloc : memref<!tpu.dma_semaphore, #tpu.memory_space<semaphore_mem>>
      %dma_start3A_96 = arith.constant 0 : i32
      %dma_start3A_97 = arith.constant 0 : i32
      %dma_start3A_98 = tpu.memref_slice %arg9[%run_scoped3A_32, %dma_start3A_96, %dma_start3A_97] : memref<2x128x128xf32, #tpu.memory_space<vmem>> -> memref<1x128x128xf32, #tpu.memory_space<vmem>>
      %dma_start3A_99 = tpu.memref_squeeze %dma_start3A_98 : memref<1x128x128xf32, #tpu.memory_space<vmem>> -> memref<128x128xf32, #tpu.memory_space<vmem>>
      %dma_start3A_100 = arith.constant 0 : i32
      %dma_start3A_101 = tpu.memref_slice %arg12[%add3A_31, %dma_start3A_100] : memref<10240x128xf32, #tpu.memory_space<vmem_shared>> -> memref<128x128xf32, #tpu.memory_space<vmem_shared>>
      %dma_start3A_102 = arith.constant 0 : i32
      %dma_start3A_103 = tpu.memref_slice %arg12[%add3A_31, %dma_start3A_102] : memref<10240x128xf32, #tpu.memory_space<vmem_shared>> -> memref<128x128xf32, #tpu.memory_space<vmem_shared>>
      %dma_start3A_104 = arith.constant 0 : i32
      %dma_start3A_105 = arith.constant 0 : i32
      %dma_start3A_106 = tpu.memref_slice %arg9[%run_scoped3A_32, %dma_start3A_104, %dma_start3A_105] : memref<2x128x128xf32, #tpu.memory_space<vmem>> -> memref<1x128x128xf32, #tpu.memory_space<vmem>>
      %dma_start3A_107 = tpu.memref_squeeze %dma_start3A_106 : memref<1x128x128xf32, #tpu.memory_space<vmem>> -> memref<128x128xf32, #tpu.memory_space<vmem>>
      tpu.enqueue_dma source(%dma_start3A_107 : memref<128x128xf32, #tpu.memory_space<vmem>>) target(%dma_start3A_103 : memref<128x128xf32, #tpu.memory_space<vmem_shared>>) target_semaphore(%run_scoped3A_95 : memref<!tpu.dma_semaphore, #tpu.memory_space<semaphore_mem>>)
      %dma_wait3A_108 = arith.constant 0 : i32
      %dma_wait3A_109 = arith.constant 0 : i32
      %dma_wait3A_110 = tpu.memref_slice %arg9[%run_scoped3A_32, %dma_wait3A_108, %dma_wait3A_109] : memref<2x128x128xf32, #tpu.memory_space<vmem>> -> memref<1x128x128xf32, #tpu.memory_space<vmem>>
      %dma_wait3A_111 = tpu.memref_squeeze %dma_wait3A_110 : memref<1x128x128xf32, #tpu.memory_space<vmem>> -> memref<128x128xf32, #tpu.memory_space<vmem>>
      %dma_wait3A_112 = arith.constant 0 : i32
      %dma_wait3A_113 = tpu.memref_slice %arg12[%add3A_31, %dma_wait3A_112] : memref<10240x128xf32, #tpu.memory_space<vmem_shared>> -> memref<128x128xf32, #tpu.memory_space<vmem_shared>>
      %dma_wait3A_114 = arith.constant 0 : i32
      %dma_wait3A_115 = tpu.memref_slice %arg12[%add3A_31, %dma_wait3A_114] : memref<10240x128xf32, #tpu.memory_space<vmem_shared>> -> memref<128x128xf32, #tpu.memory_space<vmem_shared>>
      %dma_wait3A_116 = arith.constant 0 : i32
      %dma_wait3A_117 = arith.constant 0 : i32
      %dma_wait3A_118 = tpu.memref_slice %arg9[%run_scoped3A_32, %dma_wait3A_116, %dma_wait3A_117] : memref<2x128x128xf32, #tpu.memory_space<vmem>> -> memref<1x128x128xf32, #tpu.memory_space<vmem>>
      %dma_wait3A_119 = tpu.memref_squeeze %dma_wait3A_118 : memref<1x128x128xf32, #tpu.memory_space<vmem>> -> memref<128x128xf32, #tpu.memory_space<vmem>>
      tpu.wait_dma2 semaphore(%run_scoped3A_95 : memref<!tpu.dma_semaphore, #tpu.memory_space<semaphore_mem>>) src(%dma_wait3A_119 : memref<128x128xf32, #tpu.memory_space<vmem>>) dst(%dma_wait3A_115 : memref<128x128xf32, #tpu.memory_space<vmem_shared>>)
      tpu.yield
    }) : () -> ()
    %scan3A_33 = arith.constant 0 : i32
    %scan3A_34 = arith.constant 0 : i32
    %scan3A_35 = arith.constant 40 : i32
    %scan3A_36 = arith.addi %scan3A_34, %scan3A_35 : i32
    %scan3A_37 = arith.constant 1 : i32
    %scan3A_38 = scf.for %scan3A_95 = %scan3A_34 to %scan3A_36 step %scan3A_37 iter_args(%scan3A_96 = %scan3A_33) -> (i32)  : i32 {
      %broadcast_in_dim3A = arith.constant 0.000000e+00 : f32
      %broadcast_in_dim3A_97 = vector.broadcast %broadcast_in_dim3A : f32 to vector<16xf32>
      %mul3A_98 = arith.constant 16 : i32
      %mul3A_99 = arith.muli %scan3A_95, %mul3A_98 : i32
      %swap3A = arith.index_cast %mul3A_99 : i32 to index
      %swap3A_100 = tpu.vector_load %arg11[%swap3A] {strides = array<i32>} : memref<640xf32, #tpu.memory_space<vmem>>, vector<16xf32>,
      %swap3A_101 = vector.shape_cast %swap3A_100 : vector<16xf32> to vector<16xf32>
      %swap3A_102 = vector.shape_cast %broadcast_in_dim3A_97 : vector<16xf32> to vector<16xf32>
      tpu.vector_store %arg11[%swap3A], %swap3A_102 {strides = array<i32>} : memref<640xf32, #tpu.memory_space<vmem>>, vector<16xf32>,
      %scan3A_103 = arith.constant 0 : i32
      scf.yield %scan3A_103 : i32
    }
    %scan3A_39 = arith.constant 40 : i32
    %mul3A_40 = arith.constant 640 : i32
    %mul3A_41 = arith.muli %arg1, %mul3A_40 : i32
    "tpu.region"() ({
      %run_scoped3A_95 = tpu.sem_alloc : memref<!tpu.dma_semaphore, #tpu.memory_space<semaphore_mem>>
      %dma_start3A_96 = tpu.memref_slice %arg13[%mul3A_41] : memref<10240xf32, #tpu.memory_space<vmem_shared>> -> memref<640xf32, #tpu.memory_space<vmem_shared>>
      %dma_start3A_97 = tpu.memref_slice %arg13[%mul3A_41] : memref<10240xf32, #tpu.memory_space<vmem_shared>> -> memref<640xf32, #tpu.memory_space<vmem_shared>>
      tpu.enqueue_dma source(%arg11 : memref<640xf32, #tpu.memory_space<vmem>>) target(%dma_start3A_97 : memref<640xf32, #tpu.memory_space<vmem_shared>>) target_semaphore(%run_scoped3A_95 : memref<!tpu.dma_semaphore, #tpu.memory_space<semaphore_mem>>)
      %dma_wait3A_98 = tpu.memref_slice %arg13[%mul3A_41] : memref<10240xf32, #tpu.memory_space<vmem_shared>> -> memref<640xf32, #tpu.memory_space<vmem_shared>>
      %dma_wait3A_99 = tpu.memref_slice %arg13[%mul3A_41] : memref<10240xf32, #tpu.memory_space<vmem_shared>> -> memref<640xf32, #tpu.memory_space<vmem_shared>>
      tpu.wait_dma2 semaphore(%run_scoped3A_95 : memref<!tpu.dma_semaphore, #tpu.memory_space<semaphore_mem>>) src(%arg11 : memref<640xf32, #tpu.memory_space<vmem>>) dst(%dma_wait3A_99 : memref<640xf32, #tpu.memory_space<vmem_shared>>)
      tpu.yield
    }) : () -> ()
    %scan3A_42 = arith.constant 0 : i32
    %scan3A_43 = arith.constant 0 : i32
    %scan3A_44 = arith.constant 8 : i32
    %scan3A_45 = arith.addi %scan3A_43, %scan3A_44 : i32
    %scan3A_46 = arith.constant 1 : i32
    %scan3A_47 = scf.for %scan3A_95 = %scan3A_43 to %scan3A_45 step %scan3A_46 iter_args(%scan3A_96 = %scan3A_42) -> (i32)  : i32 {
      %broadcast_in_dim3A = arith.constant 1.000000e+00 : f32
      %broadcast_in_dim3A_97 = vector.broadcast %broadcast_in_dim3A : f32 to vector<16xf32>
      %mul3A_98 = arith.constant 16 : i32
      %mul3A_99 = arith.muli %scan3A_95, %mul3A_98 : i32
      %swap3A = arith.index_cast %mul3A_99 : i32 to index
      %swap3A_100 = tpu.vector_load %arg10[%swap3A] {strides = array<i32>} : memref<128xf32, #tpu.memory_space<vmem>>, vector<16xf32>,
      %swap3A_101 = vector.shape_cast %swap3A_100 : vector<16xf32> to vector<16xf32>
      %swap3A_102 = vector.shape_cast %broadcast_in_dim3A_97 : vector<16xf32> to vector<16xf32>
      tpu.vector_store %arg10[%swap3A], %swap3A_102 {strides = array<i32>} : memref<128xf32, #tpu.memory_space<vmem>>, vector<16xf32>,
      %scan3A_103 = arith.constant 0 : i32
      scf.yield %scan3A_103 : i32
    }
    %scan3A_48 = arith.constant 8 : i32
    %barrier3A = arith.constant 0 : index
    tpu.barrier barrier_id(%barrier3A)
    %add3A_49 = arith.constant 0 : i32
    %add3A_50 = arith.addi %mul3A_2, %add3A_49 : i32
    %run_scoped3A_51 = arith.constant 0 : i32
    "tpu.region"() ({
      %run_scoped3A_95 = tpu.sem_alloc : memref<!tpu.dma_semaphore, #tpu.memory_space<semaphore_mem>>
      %dma_start3A_96 = arith.constant 0 : i32
      %dma_start3A_97 = arith.constant 0 : i32
      %dma_start3A_98 = tpu.memref_slice %arg7[%run_scoped3A_51, %dma_start3A_96, %dma_start3A_97] : memref<2x16x128xi32, #tpu.memory_space<vmem>> -> memref<1x16x128xi32, #tpu.memory_space<vmem>>
      %dma_start3A_99 = tpu.memref_squeeze %dma_start3A_98 : memref<1x16x128xi32, #tpu.memory_space<vmem>> -> memref<16x128xi32, #tpu.memory_space<vmem>>
      %dma_start3A_100 = arith.constant 0 : i32
      %dma_start3A_101 = tpu.memref_slice %arg3[%add3A_50, %dma_start3A_100] : memref<2560x128xi32, #tpu.memory_space<hbm>> -> memref<16x128xi32, #tpu.memory_space<hbm>>
      %dma_start3A_102 = arith.constant 0 : i32
      %dma_start3A_103 = arith.constant 0 : i32
      %dma_start3A_104 = tpu.memref_slice %arg7[%run_scoped3A_51, %dma_start3A_102, %dma_start3A_103] : memref<2x16x128xi32, #tpu.memory_space<vmem>> -> memref<1x16x128xi32, #tpu.memory_space<vmem>>
      %dma_start3A_105 = tpu.memref_squeeze %dma_start3A_104 : memref<1x16x128xi32, #tpu.memory_space<vmem>> -> memref<16x128xi32, #tpu.memory_space<vmem>>
      %dma_start3A_106 = arith.constant 0 : i32
      %dma_start3A_107 = tpu.memref_slice %arg3[%add3A_50, %dma_start3A_106] : memref<2560x128xi32, #tpu.memory_space<hbm>> -> memref<16x128xi32, #tpu.memory_space<hbm>>
      tpu.enqueue_dma source(%dma_start3A_107 : memref<16x128xi32, #tpu.memory_space<hbm>>) target(%dma_start3A_105 : memref<16x128xi32, #tpu.memory_space<vmem>>) target_semaphore(%run_scoped3A_95 : memref<!tpu.dma_semaphore, #tpu.memory_space<semaphore_mem>>)
      %dma_wait3A_108 = arith.constant 0 : i32
      %dma_wait3A_109 = arith.constant 0 : i32
      %dma_wait3A_110 = tpu.memref_slice %arg7[%run_scoped3A_51, %dma_wait3A_108, %dma_wait3A_109] : memref<2x16x128xi32, #tpu.memory_space<vmem>> -> memref<1x16x128xi32, #tpu.memory_space<vmem>>
      %dma_wait3A_111 = tpu.memref_squeeze %dma_wait3A_110 : memref<1x16x128xi32, #tpu.memory_space<vmem>> -> memref<16x128xi32, #tpu.memory_space<vmem>>
      %dma_wait3A_112 = arith.constant 0 : i32
      %dma_wait3A_113 = tpu.memref_slice %arg3[%add3A_50, %dma_wait3A_112] : memref<2560x128xi32, #tpu.memory_space<hbm>> -> memref<16x128xi32, #tpu.memory_space<hbm>>
      %dma_wait3A_114 = arith.constant 0 : i32
      %dma_wait3A_115 = arith.constant 0 : i32
      %dma_wait3A_116 = tpu.memref_slice %arg7[%run_scoped3A_51, %dma_wait3A_114, %dma_wait3A_115] : memref<2x16x128xi32, #tpu.memory_space<vmem>> -> memref<1x16x128xi32, #tpu.memory_space<vmem>>
      %dma_wait3A_117 = tpu.memref_squeeze %dma_wait3A_116 : memref<1x16x128xi32, #tpu.memory_space<vmem>> -> memref<16x128xi32, #tpu.memory_space<vmem>>
      %dma_wait3A_118 = arith.constant 0 : i32
      %dma_wait3A_119 = tpu.memref_slice %arg3[%add3A_50, %dma_wait3A_118] : memref<2560x128xi32, #tpu.memory_space<hbm>> -> memref<16x128xi32, #tpu.memory_space<hbm>>
      tpu.wait_dma2 semaphore(%run_scoped3A_95 : memref<!tpu.dma_semaphore, #tpu.memory_space<semaphore_mem>>) src(%dma_wait3A_119 : memref<16x128xi32, #tpu.memory_space<hbm>>) dst(%dma_wait3A_117 : memref<16x128xi32, #tpu.memory_space<vmem>>)
      tpu.yield
    }) : () -> ()
    %add3A_52 = arith.constant 0 : i32
    %add3A_53 = arith.addi %mul3A_2, %add3A_52 : i32
    %run_scoped3A_54 = arith.constant 0 : i32
    "tpu.region"() ({
      %run_scoped3A_95 = tpu.sem_alloc : memref<!tpu.dma_semaphore, #tpu.memory_space<semaphore_mem>>
      %dma_start3A_96 = arith.constant 0 : i32
      %dma_start3A_97 = arith.constant 0 : i32
      %dma_start3A_98 = tpu.memref_slice %arg8[%run_scoped3A_54, %dma_start3A_96, %dma_start3A_97] : memref<2x16x128xi32, #tpu.memory_space<vmem>> -> memref<1x16x128xi32, #tpu.memory_space<vmem>>
      %dma_start3A_99 = tpu.memref_squeeze %dma_start3A_98 : memref<1x16x128xi32, #tpu.memory_space<vmem>> -> memref<16x128xi32, #tpu.memory_space<vmem>>
      %dma_start3A_100 = arith.constant 0 : i32
      %dma_start3A_101 = tpu.memref_slice %arg4[%add3A_53, %dma_start3A_100] : memref<2560x128xi32, #tpu.memory_space<hbm>> -> memref<16x128xi32, #tpu.memory_space<hbm>>
      %dma_start3A_102 = arith.constant 0 : i32
      %dma_start3A_103 = arith.constant 0 : i32
      %dma_start3A_104 = tpu.memref_slice %arg8[%run_scoped3A_54, %dma_start3A_102, %dma_start3A_103] : memref<2x16x128xi32, #tpu.memory_space<vmem>> -> memref<1x16x128xi32, #tpu.memory_space<vmem>>
      %dma_start3A_105 = tpu.memref_squeeze %dma_start3A_104 : memref<1x16x128xi32, #tpu.memory_space<vmem>> -> memref<16x128xi32, #tpu.memory_space<vmem>>
      %dma_start3A_106 = arith.constant 0 : i32
      %dma_start3A_107 = tpu.memref_slice %arg4[%add3A_53, %dma_start3A_106] : memref<2560x128xi32, #tpu.memory_space<hbm>> -> memref<16x128xi32, #tpu.memory_space<hbm>>
      tpu.enqueue_dma source(%dma_start3A_107 : memref<16x128xi32, #tpu.memory_space<hbm>>) target(%dma_start3A_105 : memref<16x128xi32, #tpu.memory_space<vmem>>) target_semaphore(%run_scoped3A_95 : memref<!tpu.dma_semaphore, #tpu.memory_space<semaphore_mem>>)
      %dma_wait3A_108 = arith.constant 0 : i32
      %dma_wait3A_109 = arith.constant 0 : i32
      %dma_wait3A_110 = tpu.memref_slice %arg8[%run_scoped3A_54, %dma_wait3A_108, %dma_wait3A_109] : memref<2x16x128xi32, #tpu.memory_space<vmem>> -> memref<1x16x128xi32, #tpu.memory_space<vmem>>
      %dma_wait3A_111 = tpu.memref_squeeze %dma_wait3A_110 : memref<1x16x128xi32, #tpu.memory_space<vmem>> -> memref<16x128xi32, #tpu.memory_space<vmem>>
      %dma_wait3A_112 = arith.constant 0 : i32
      %dma_wait3A_113 = tpu.memref_slice %arg4[%add3A_53, %dma_wait3A_112] : memref<2560x128xi32, #tpu.memory_space<hbm>> -> memref<16x128xi32, #tpu.memory_space<hbm>>
      %dma_wait3A_114 = arith.constant 0 : i32
      %dma_wait3A_115 = arith.constant 0 : i32
      %dma_wait3A_116 = tpu.memref_slice %arg8[%run_scoped3A_54, %dma_wait3A_114, %dma_wait3A_115] : memref<2x16x128xi32, #tpu.memory_space<vmem>> -> memref<1x16x128xi32, #tpu.memory_space<vmem>>
      %dma_wait3A_117 = tpu.memref_squeeze %dma_wait3A_116 : memref<1x16x128xi32, #tpu.memory_space<vmem>> -> memref<16x128xi32, #tpu.memory_space<vmem>>
      %dma_wait3A_118 = arith.constant 0 : i32
      %dma_wait3A_119 = tpu.memref_slice %arg4[%add3A_53, %dma_wait3A_118] : memref<2560x128xi32, #tpu.memory_space<hbm>> -> memref<16x128xi32, #tpu.memory_space<hbm>>
      tpu.wait_dma2 semaphore(%run_scoped3A_95 : memref<!tpu.dma_semaphore, #tpu.memory_space<semaphore_mem>>) src(%dma_wait3A_119 : memref<16x128xi32, #tpu.memory_space<hbm>>) dst(%dma_wait3A_117 : memref<16x128xi32, #tpu.memory_space<vmem>>)
      tpu.yield
    }) : () -> ()
    %dma_start3A = arith.constant 0 : i32
    %dma_start3A_55 = arith.constant 0 : i32
    %dma_start3A_56 = arith.constant 0 : i32
    %dma_start3A_57 = arith.constant 0 : i32
    %dma_start3A_58 = arith.constant 0 : i32
    %dma_start3A_59 = arith.constant 0 : i32
    %dma_start3A_60 = tpu.memref_slice %arg9[%dma_start3A_56, %dma_start3A_58, %dma_start3A_59] : memref<2x128x128xf32, #tpu.memory_space<vmem>> -> memref<1x128x128xf32, #tpu.memory_space<vmem>>
    %dma_start3A_61 = tpu.memref_squeeze %dma_start3A_60 : memref<1x128x128xf32, #tpu.memory_space<vmem>> -> memref<128x128xf32, #tpu.memory_space<vmem>>
    %dma_start3A_62 = arith.constant 0 : i32
    %dma_start3A_63 = tpu.memref_slice %arg7[%dma_start3A, %dma_start3A_55, %dma_start3A_62] : memref<2x16x128xi32, #tpu.memory_space<vmem>> -> memref<1x1x128xi32, #tpu.memory_space<vmem>>
    %dma_start3A_64 = tpu.memref_squeeze %dma_start3A_63 : memref<1x1x128xi32, #tpu.memory_space<vmem>> -> memref<128xi32, #tpu.memory_space<vmem>>
    %dma_start3A_65 = arith.constant 0 : i32
    %dma_start3A_66 = arith.constant 0 : i32
    %dma_start3A_67 = tpu.memref_slice %arg2[%dma_start3A_65, %dma_start3A_66] : memref<10240x128xf32, #tpu.memory_space<hbm>> -> memref<10240x128xf32, #tpu.memory_space<hbm>>
    %dma_start3A_68 = tpu.memref_slice %arg14[%dma_start3A_57] : memref<2x!tpu.dma_semaphore, #tpu.memory_space<semaphore_mem>> -> memref<1x!tpu.dma_semaphore, #tpu.memory_space<semaphore_mem>>
    %dma_start3A_69 = tpu.memref_squeeze %dma_start3A_68 : memref<1x!tpu.dma_semaphore, #tpu.memory_space<semaphore_mem>> -> memref<!tpu.dma_semaphore, #tpu.memory_space<semaphore_mem>>
    tpu.enqueue_indirect_dma source(%dma_start3A_67 : memref<10240x128xf32, #tpu.memory_space<hbm>>) target(%dma_start3A_61 : memref<128x128xf32, #tpu.memory_space<vmem>>) offsets(%dma_start3A_64 : memref<128xi32, #tpu.memory_space<vmem>>) semaphore(%dma_start3A_69 : memref<!tpu.dma_semaphore, #tpu.memory_space<semaphore_mem>>)
    %scan3A_70 = arith.constant 0 : i32
    %scan3A_71 = arith.constant 0 : i32
    %scan3A_72 = arith.constant 80 : i32
    %scan3A_73 = arith.addi %scan3A_71, %scan3A_72 : i32
    %scan3A_74 = arith.constant 1 : i32
    %scan3A_75 = scf.for %scan3A_95 = %scan3A_71 to %scan3A_73 step %scan3A_74 iter_args(%scan3A_96 = %scan3A_70) -> (i32)  : i32 {
      %rem3A = arith.constant 2 : i32
      %rem3A_97 = arith.remsi %scan3A_95, %rem3A : i32
      %sub3A = arith.constant 1 : i32
      %sub3A_98 = arith.subi %sub3A, %rem3A_97 : i32
      %jit3A = arith.constant 16 : i32
      %div3A = arith.divsi %scan3A_95, %jit3A : i32
      %sign3A = arith.constant 0 : i32
      %sign3A_99 = arith.cmpi sgt, %scan3A_95, %sign3A : i32
      %sign3A_100 = arith.extui %sign3A_99 : i1 to i32
      %sign3A_101 = arith.constant 0 : i32
      %sign3A_102 = arith.cmpi slt, %scan3A_95, %sign3A_101 : i32
      %sign3A_103 = arith.extui %sign3A_102 : i1 to i32
      %sign3A_104 = arith.subi %sign3A_100, %sign3A_103 : i32
      %sign3A_105 = arith.constant 0 : i32
      %sign3A_106 = arith.cmpi sgt, %jit3A, %sign3A_105 : i32
      %sign3A_107 = arith.extui %sign3A_106 : i1 to i32
      %sign3A_108 = arith.constant 0 : i32
      %sign3A_109 = arith.cmpi slt, %jit3A, %sign3A_108 : i32
      %sign3A_110 = arith.extui %sign3A_109 : i1 to i32
      %sign3A_111 = arith.subi %sign3A_107, %sign3A_110 : i32
      %ne3A = arith.cmpi ne, %sign3A_104, %sign3A_111 : i32
      %rem3A_112 = arith.remsi %scan3A_95, %jit3A : i32
      %ne3A_113 = arith.constant 0 : i32
      %ne3A_114 = arith.cmpi ne, %rem3A_112, %ne3A_113 : i32
      %and3A = arith.andi %ne3A, %ne3A_114 : i1
      %sub3A_115 = arith.constant 1 : i32
      %sub3A_116 = arith.subi %div3A, %sub3A_115 : i32
      %select_n3A = arith.select %and3A, %sub3A_116, %div3A : i32
      %rem3A_117 = arith.constant 16 : i32
      %rem3A_118 = arith.remsi %scan3A_95, %rem3A_117 : i32
      %rem3A_119 = arith.constant 2 : i32
      %rem3A_120 = arith.remsi %select_n3A, %rem3A_119 : i32
      %eq3A = arith.constant 15 : i32
      %eq3A_121 = arith.cmpi eq, %rem3A_118, %eq3A : i32
      %add3A_122 = arith.constant 1 : i32
      %add3A_123 = arith.addi %scan3A_95, %add3A_122 : i32
      %lt3A = arith.constant 80 : i32
      %lt3A_124 = arith.cmpi slt, %add3A_123, %lt3A : i32
      %and3A_125 = arith.andi %eq3A_121, %lt3A_124 : i1
      %convert_element_type3A = arith.extui %and3A_125 : i1 to i32
      %cond3A = arith.constant 0 : i32
      %cond3A_126 = arith.cmpi ne, %convert_element_type3A, %cond3A : i32
      scf.if %cond3A_126 {
        %add3A_163 = arith.constant 1 : i32
        %add3A_164 = arith.addi %select_n3A, %add3A_163 : i32
        %sub3A_165 = arith.constant 1 : i32
        %sub3A_166 = arith.subi %sub3A_165, %rem3A_120 : i32
        %mul3A_167 = arith.constant 16 : i32
        %mul3A_168 = arith.muli %add3A_164, %mul3A_167 : i32
        %add3A_169 = arith.addi %mul3A_2, %mul3A_168 : i32
        "tpu.region"() ({
          %run_scoped3A_173 = tpu.sem_alloc : memref<!tpu.dma_semaphore, #tpu.memory_space<semaphore_mem>>
          %dma_start3A_174 = arith.constant 0 : i32
          %dma_start3A_175 = arith.constant 0 : i32
          %dma_start3A_176 = tpu.memref_slice %arg7[%sub3A_166, %dma_start3A_174, %dma_start3A_175] : memref<2x16x128xi32, #tpu.memory_space<vmem>> -> memref<1x16x128xi32, #tpu.memory_space<vmem>>
          %dma_start3A_177 = tpu.memref_squeeze %dma_start3A_176 : memref<1x16x128xi32, #tpu.memory_space<vmem>> -> memref<16x128xi32, #tpu.memory_space<vmem>>
          %dma_start3A_178 = arith.constant 0 : i32
          %dma_start3A_179 = tpu.memref_slice %arg3[%add3A_169, %dma_start3A_178] : memref<2560x128xi32, #tpu.memory_space<hbm>> -> memref<16x128xi32, #tpu.memory_space<hbm>>
          %dma_start3A_180 = arith.constant 0 : i32
          %dma_start3A_181 = arith.constant 0 : i32
          %dma_start3A_182 = tpu.memref_slice %arg7[%sub3A_166, %dma_start3A_180, %dma_start3A_181] : memref<2x16x128xi32, #tpu.memory_space<vmem>> -> memref<1x16x128xi32, #tpu.memory_space<vmem>>
          %dma_start3A_183 = tpu.memref_squeeze %dma_start3A_182 : memref<1x16x128xi32, #tpu.memory_space<vmem>> -> memref<16x128xi32, #tpu.memory_space<vmem>>
          %dma_start3A_184 = arith.constant 0 : i32
          %dma_start3A_185 = tpu.memref_slice %arg3[%add3A_169, %dma_start3A_184] : memref<2560x128xi32, #tpu.memory_space<hbm>> -> memref<16x128xi32, #tpu.memory_space<hbm>>
          tpu.enqueue_dma source(%dma_start3A_185 : memref<16x128xi32, #tpu.memory_space<hbm>>) target(%dma_start3A_183 : memref<16x128xi32, #tpu.memory_space<vmem>>) target_semaphore(%run_scoped3A_173 : memref<!tpu.dma_semaphore, #tpu.memory_space<semaphore_mem>>)
          %dma_wait3A_186 = arith.constant 0 : i32
          %dma_wait3A_187 = arith.constant 0 : i32
          %dma_wait3A_188 = tpu.memref_slice %arg7[%sub3A_166, %dma_wait3A_186, %dma_wait3A_187] : memref<2x16x128xi32, #tpu.memory_space<vmem>> -> memref<1x16x128xi32, #tpu.memory_space<vmem>>
          %dma_wait3A_189 = tpu.memref_squeeze %dma_wait3A_188 : memref<1x16x128xi32, #tpu.memory_space<vmem>> -> memref<16x128xi32, #tpu.memory_space<vmem>>
          %dma_wait3A_190 = arith.constant 0 : i32
          %dma_wait3A_191 = tpu.memref_slice %arg3[%add3A_169, %dma_wait3A_190] : memref<2560x128xi32, #tpu.memory_space<hbm>> -> memref<16x128xi32, #tpu.memory_space<hbm>>
          %dma_wait3A_192 = arith.constant 0 : i32
          %dma_wait3A_193 = arith.constant 0 : i32
          %dma_wait3A_194 = tpu.memref_slice %arg7[%sub3A_166, %dma_wait3A_192, %dma_wait3A_193] : memref<2x16x128xi32, #tpu.memory_space<vmem>> -> memref<1x16x128xi32, #tpu.memory_space<vmem>>
          %dma_wait3A_195 = tpu.memref_squeeze %dma_wait3A_194 : memref<1x16x128xi32, #tpu.memory_space<vmem>> -> memref<16x128xi32, #tpu.memory_space<vmem>>
          %dma_wait3A_196 = arith.constant 0 : i32
          %dma_wait3A_197 = tpu.memref_slice %arg3[%add3A_169, %dma_wait3A_196] : memref<2560x128xi32, #tpu.memory_space<hbm>> -> memref<16x128xi32, #tpu.memory_space<hbm>>
          tpu.wait_dma2 semaphore(%run_scoped3A_173 : memref<!tpu.dma_semaphore, #tpu.memory_space<semaphore_mem>>) src(%dma_wait3A_197 : memref<16x128xi32, #tpu.memory_space<hbm>>) dst(%dma_wait3A_195 : memref<16x128xi32, #tpu.memory_space<vmem>>)
          tpu.yield
        }) : () -> ()
        %mul3A_170 = arith.constant 16 : i32
        %mul3A_171 = arith.muli %add3A_164, %mul3A_170 : i32
        %add3A_172 = arith.addi %mul3A_2, %mul3A_171 : i32
        "tpu.region"() ({
          %run_scoped3A_173 = tpu.sem_alloc : memref<!tpu.dma_semaphore, #tpu.memory_space<semaphore_mem>>
          %dma_start3A_174 = arith.constant 0 : i32
          %dma_start3A_175 = arith.constant 0 : i32
          %dma_start3A_176 = tpu.memref_slice %arg8[%sub3A_166, %dma_start3A_174, %dma_start3A_175] : memref<2x16x128xi32, #tpu.memory_space<vmem>> -> memref<1x16x128xi32, #tpu.memory_space<vmem>>
          %dma_start3A_177 = tpu.memref_squeeze %dma_start3A_176 : memref<1x16x128xi32, #tpu.memory_space<vmem>> -> memref<16x128xi32, #tpu.memory_space<vmem>>
          %dma_start3A_178 = arith.constant 0 : i32
          %dma_start3A_179 = tpu.memref_slice %arg4[%add3A_172, %dma_start3A_178] : memref<2560x128xi32, #tpu.memory_space<hbm>> -> memref<16x128xi32, #tpu.memory_space<hbm>>
          %dma_start3A_180 = arith.constant 0 : i32
          %dma_start3A_181 = arith.constant 0 : i32
          %dma_start3A_182 = tpu.memref_slice %arg8[%sub3A_166, %dma_start3A_180, %dma_start3A_181] : memref<2x16x128xi32, #tpu.memory_space<vmem>> -> memref<1x16x128xi32, #tpu.memory_space<vmem>>
          %dma_start3A_183 = tpu.memref_squeeze %dma_start3A_182 : memref<1x16x128xi32, #tpu.memory_space<vmem>> -> memref<16x128xi32, #tpu.memory_space<vmem>>
          %dma_start3A_184 = arith.constant 0 : i32
          %dma_start3A_185 = tpu.memref_slice %arg4[%add3A_172, %dma_start3A_184] : memref<2560x128xi32, #tpu.memory_space<hbm>> -> memref<16x128xi32, #tpu.memory_space<hbm>>
          tpu.enqueue_dma source(%dma_start3A_185 : memref<16x128xi32, #tpu.memory_space<hbm>>) target(%dma_start3A_183 : memref<16x128xi32, #tpu.memory_space<vmem>>) target_semaphore(%run_scoped3A_173 : memref<!tpu.dma_semaphore, #tpu.memory_space<semaphore_mem>>)
          %dma_wait3A_186 = arith.constant 0 : i32
          %dma_wait3A_187 = arith.constant 0 : i32
          %dma_wait3A_188 = tpu.memref_slice %arg8[%sub3A_166, %dma_wait3A_186, %dma_wait3A_187] : memref<2x16x128xi32, #tpu.memory_space<vmem>> -> memref<1x16x128xi32, #tpu.memory_space<vmem>>
          %dma_wait3A_189 = tpu.memref_squeeze %dma_wait3A_188 : memref<1x16x128xi32, #tpu.memory_space<vmem>> -> memref<16x128xi32, #tpu.memory_space<vmem>>
          %dma_wait3A_190 = arith.constant 0 : i32
          %dma_wait3A_191 = tpu.memref_slice %arg4[%add3A_172, %dma_wait3A_190] : memref<2560x128xi32, #tpu.memory_space<hbm>> -> memref<16x128xi32, #tpu.memory_space<hbm>>
          %dma_wait3A_192 = arith.constant 0 : i32
          %dma_wait3A_193 = arith.constant 0 : i32
          %dma_wait3A_194 = tpu.memref_slice %arg8[%sub3A_166, %dma_wait3A_192, %dma_wait3A_193] : memref<2x16x128xi32, #tpu.memory_space<vmem>> -> memref<1x16x128xi32, #tpu.memory_space<vmem>>
          %dma_wait3A_195 = tpu.memref_squeeze %dma_wait3A_194 : memref<1x16x128xi32, #tpu.memory_space<vmem>> -> memref<16x128xi32, #tpu.memory_space<vmem>>
          %dma_wait3A_196 = arith.constant 0 : i32
          %dma_wait3A_197 = tpu.memref_slice %arg4[%add3A_172, %dma_wait3A_196] : memref<2560x128xi32, #tpu.memory_space<hbm>> -> memref<16x128xi32, #tpu.memory_space<hbm>>
          tpu.wait_dma2 semaphore(%run_scoped3A_173 : memref<!tpu.dma_semaphore, #tpu.memory_space<semaphore_mem>>) src(%dma_wait3A_197 : memref<16x128xi32, #tpu.memory_space<hbm>>) dst(%dma_wait3A_195 : memref<16x128xi32, #tpu.memory_space<vmem>>)
          tpu.yield
        }) : () -> ()
      } else {
      }
      %ge3A = arith.constant 1 : i32
      %ge3A_127 = arith.cmpi sge, %scan3A_95, %ge3A : i32
      %convert_element_type3A_128 = arith.extui %ge3A_127 : i1 to i32
      %cond3A_129 = arith.constant 0 : i32
      %cond3A_130 = arith.cmpi ne, %convert_element_type3A_128, %cond3A_129 : i32
      scf.if %cond3A_130 {
        %dma_wait3A_163 = arith.constant 0 : i32
        %dma_wait3A_164 = arith.constant 0 : i32
        %dma_wait3A_165 = tpu.memref_slice %arg9[%sub3A_98, %dma_wait3A_163, %dma_wait3A_164] : memref<2x128x128xf32, #tpu.memory_space<vmem>> -> memref<1x128x128xf32, #tpu.memory_space<vmem>>
        %dma_wait3A_166 = tpu.memref_squeeze %dma_wait3A_165 : memref<1x128x128xf32, #tpu.memory_space<vmem>> -> memref<128x128xf32, #tpu.memory_space<vmem>>
        %dma_wait3A_167 = arith.constant 0 : i32
        %dma_wait3A_168 = tpu.memref_slice %arg8[%rem3A_120, %rem3A_118, %dma_wait3A_167] : memref<2x16x128xi32, #tpu.memory_space<vmem>> -> memref<1x1x128xi32, #tpu.memory_space<vmem>>
        %dma_wait3A_169 = tpu.memref_squeeze %dma_wait3A_168 : memref<1x1x128xi32, #tpu.memory_space<vmem>> -> memref<128xi32, #tpu.memory_space<vmem>>
        %dma_wait3A_170 = arith.constant 0 : i32
        %dma_wait3A_171 = arith.constant 0 : i32
        %dma_wait3A_172 = tpu.memref_slice %arg12[%dma_wait3A_170, %dma_wait3A_171] : memref<10240x128xf32, #tpu.memory_space<vmem_shared>> -> memref<10240x128xf32, #tpu.memory_space<vmem_shared>>
        %dma_wait3A_173 = tpu.memref_slice %arg15[%sub3A_98] : memref<2x!tpu.dma_semaphore, #tpu.memory_space<semaphore_mem>> -> memref<1x!tpu.dma_semaphore, #tpu.memory_space<semaphore_mem>>
        %dma_wait3A_174 = tpu.memref_squeeze %dma_wait3A_173 : memref<1x!tpu.dma_semaphore, #tpu.memory_space<semaphore_mem>> -> memref<!tpu.dma_semaphore, #tpu.memory_space<semaphore_mem>>
        tpu.wait_indirect_dma semaphore(%dma_wait3A_174 : memref<!tpu.dma_semaphore, #tpu.memory_space<semaphore_mem>>) src(%dma_wait3A_166 : memref<128x128xf32, #tpu.memory_space<vmem>>) dst(%dma_wait3A_172 : memref<10240x128xf32, #tpu.memory_space<vmem_shared>>)
      } else {
      }
      %add3A_131 = arith.constant 1 : i32
      %add3A_132 = arith.addi %scan3A_95, %add3A_131 : i32
      %lt3A_133 = arith.constant 80 : i32
      %lt3A_134 = arith.cmpi slt, %add3A_132, %lt3A_133 : i32
      %convert_element_type3A_135 = arith.extui %lt3A_134 : i1 to i32
      %cond3A_136 = arith.constant 0 : i32
      %cond3A_137 = arith.cmpi ne, %convert_element_type3A_135, %cond3A_136 : i32
      scf.if %cond3A_137 {
        %add3A_163 = arith.constant 1 : i32
        %add3A_164 = arith.addi %scan3A_95, %add3A_163 : i32
        %jit3A_165 = arith.constant 16 : i32
        %div3A_166 = arith.divsi %add3A_164, %jit3A_165 : i32
        %sign3A_167 = arith.constant 0 : i32
        %sign3A_168 = arith.cmpi sgt, %add3A_164, %sign3A_167 : i32
        %sign3A_169 = arith.extui %sign3A_168 : i1 to i32
        %sign3A_170 = arith.constant 0 : i32
        %sign3A_171 = arith.cmpi slt, %add3A_164, %sign3A_170 : i32
        %sign3A_172 = arith.extui %sign3A_171 : i1 to i32
        %sign3A_173 = arith.subi %sign3A_169, %sign3A_172 : i32
        %sign3A_174 = arith.constant 0 : i32
        %sign3A_175 = arith.cmpi sgt, %jit3A_165, %sign3A_174 : i32
        %sign3A_176 = arith.extui %sign3A_175 : i1 to i32
        %sign3A_177 = arith.constant 0 : i32
        %sign3A_178 = arith.cmpi slt, %jit3A_165, %sign3A_177 : i32
        %sign3A_179 = arith.extui %sign3A_178 : i1 to i32
        %sign3A_180 = arith.subi %sign3A_176, %sign3A_179 : i32
        %ne3A_181 = arith.cmpi ne, %sign3A_173, %sign3A_180 : i32
        %rem3A_182 = arith.remsi %add3A_164, %jit3A_165 : i32
        %ne3A_183 = arith.constant 0 : i32
        %ne3A_184 = arith.cmpi ne, %rem3A_182, %ne3A_183 : i32
        %and3A_185 = arith.andi %ne3A_181, %ne3A_184 : i1
        %sub3A_186 = arith.constant 1 : i32
        %sub3A_187 = arith.subi %div3A_166, %sub3A_186 : i32
        %select_n3A_188 = arith.select %and3A_185, %sub3A_187, %div3A_166 : i32
        %rem3A_189 = arith.constant 2 : i32
        %rem3A_190 = arith.remsi %select_n3A_188, %rem3A_189 : i32
        %add3A_191 = arith.constant 1 : i32
        %add3A_192 = arith.addi %scan3A_95, %add3A_191 : i32
        %rem3A_193 = arith.constant 16 : i32
        %rem3A_194 = arith.remsi %add3A_192, %rem3A_193 : i32
        %dma_start3A_195 = arith.constant 0 : i32
        %dma_start3A_196 = arith.constant 0 : i32
        %dma_start3A_197 = tpu.memref_slice %arg9[%sub3A_98, %dma_start3A_195, %dma_start3A_196] : memref<2x128x128xf32, #tpu.memory_space<vmem>> -> memref<1x128x128xf32, #tpu.memory_space<vmem>>
        %dma_start3A_198 = tpu.memref_squeeze %dma_start3A_197 : memref<1x128x128xf32, #tpu.memory_space<vmem>> -> memref<128x128xf32, #tpu.memory_space<vmem>>
        %dma_start3A_199 = arith.constant 0 : i32
        %dma_start3A_200 = tpu.memref_slice %arg7[%rem3A_190, %rem3A_194, %dma_start3A_199] : memref<2x16x128xi32, #tpu.memory_space<vmem>> -> memref<1x1x128xi32, #tpu.memory_space<vmem>>
        %dma_start3A_201 = tpu.memref_squeeze %dma_start3A_200 : memref<1x1x128xi32, #tpu.memory_space<vmem>> -> memref<128xi32, #tpu.memory_space<vmem>>
        %dma_start3A_202 = arith.constant 0 : i32
        %dma_start3A_203 = arith.constant 0 : i32
        %dma_start3A_204 = tpu.memref_slice %arg2[%dma_start3A_202, %dma_start3A_203] : memref<10240x128xf32, #tpu.memory_space<hbm>> -> memref<10240x128xf32, #tpu.memory_space<hbm>>
        %dma_start3A_205 = tpu.memref_slice %arg14[%sub3A_98] : memref<2x!tpu.dma_semaphore, #tpu.memory_space<semaphore_mem>> -> memref<1x!tpu.dma_semaphore, #tpu.memory_space<semaphore_mem>>
        %dma_start3A_206 = tpu.memref_squeeze %dma_start3A_205 : memref<1x!tpu.dma_semaphore, #tpu.memory_space<semaphore_mem>> -> memref<!tpu.dma_semaphore, #tpu.memory_space<semaphore_mem>>
        tpu.enqueue_indirect_dma source(%dma_start3A_204 : memref<10240x128xf32, #tpu.memory_space<hbm>>) target(%dma_start3A_198 : memref<128x128xf32, #tpu.memory_space<vmem>>) offsets(%dma_start3A_201 : memref<128xi32, #tpu.memory_space<vmem>>) semaphore(%dma_start3A_206 : memref<!tpu.dma_semaphore, #tpu.memory_space<semaphore_mem>>)
      } else {
      }
      %dma_wait3A_138 = arith.constant 0 : i32
      %dma_wait3A_139 = arith.constant 0 : i32
      %dma_wait3A_140 = tpu.memref_slice %arg9[%rem3A_97, %dma_wait3A_138, %dma_wait3A_139] : memref<2x128x128xf32, #tpu.memory_space<vmem>> -> memref<1x128x128xf32, #tpu.memory_space<vmem>>
      %dma_wait3A_141 = tpu.memref_squeeze %dma_wait3A_140 : memref<1x128x128xf32, #tpu.memory_space<vmem>> -> memref<128x128xf32, #tpu.memory_space<vmem>>
      %dma_wait3A_142 = arith.constant 0 : i32
      %dma_wait3A_143 = tpu.memref_slice %arg7[%rem3A_120, %rem3A_118, %dma_wait3A_142] : memref<2x16x128xi32, #tpu.memory_space<vmem>> -> memref<1x1x128xi32, #tpu.memory_space<vmem>>
      %dma_wait3A_144 = tpu.memref_squeeze %dma_wait3A_143 : memref<1x1x128xi32, #tpu.memory_space<vmem>> -> memref<128xi32, #tpu.memory_space<vmem>>
      %dma_wait3A_145 = arith.constant 0 : i32
      %dma_wait3A_146 = arith.constant 0 : i32
      %dma_wait3A_147 = tpu.memref_slice %arg2[%dma_wait3A_145, %dma_wait3A_146] : memref<10240x128xf32, #tpu.memory_space<hbm>> -> memref<10240x128xf32, #tpu.memory_space<hbm>>
      %dma_wait3A_148 = tpu.memref_slice %arg14[%rem3A_97] : memref<2x!tpu.dma_semaphore, #tpu.memory_space<semaphore_mem>> -> memref<1x!tpu.dma_semaphore, #tpu.memory_space<semaphore_mem>>
      %dma_wait3A_149 = tpu.memref_squeeze %dma_wait3A_148 : memref<1x!tpu.dma_semaphore, #tpu.memory_space<semaphore_mem>> -> memref<!tpu.dma_semaphore, #tpu.memory_space<semaphore_mem>>
      tpu.wait_indirect_dma semaphore(%dma_wait3A_149 : memref<!tpu.dma_semaphore, #tpu.memory_space<semaphore_mem>>) src(%dma_wait3A_147 : memref<10240x128xf32, #tpu.memory_space<hbm>>) dst(%dma_wait3A_141 : memref<128x128xf32, #tpu.memory_space<vmem>>)
      %dma_start3A_150 = arith.constant 0 : i32
      %dma_start3A_151 = arith.constant 0 : i32
      %dma_start3A_152 = tpu.memref_slice %arg9[%rem3A_97, %dma_start3A_150, %dma_start3A_151] : memref<2x128x128xf32, #tpu.memory_space<vmem>> -> memref<1x128x128xf32, #tpu.memory_space<vmem>>
      %dma_start3A_153 = tpu.memref_squeeze %dma_start3A_152 : memref<1x128x128xf32, #tpu.memory_space<vmem>> -> memref<128x128xf32, #tpu.memory_space<vmem>>
      %dma_start3A_154 = arith.constant 0 : i32
      %dma_start3A_155 = tpu.memref_slice %arg8[%rem3A_120, %rem3A_118, %dma_start3A_154] : memref<2x16x128xi32, #tpu.memory_space<vmem>> -> memref<1x1x128xi32, #tpu.memory_space<vmem>>
      %dma_start3A_156 = tpu.memref_squeeze %dma_start3A_155 : memref<1x1x128xi32, #tpu.memory_space<vmem>> -> memref<128xi32, #tpu.memory_space<vmem>>
      %dma_start3A_157 = arith.constant 0 : i32
      %dma_start3A_158 = arith.constant 0 : i32
      %dma_start3A_159 = tpu.memref_slice %arg12[%dma_start3A_157, %dma_start3A_158] : memref<10240x128xf32, #tpu.memory_space<vmem_shared>> -> memref<10240x128xf32, #tpu.memory_space<vmem_shared>>
      %dma_start3A_160 = tpu.memref_slice %arg15[%rem3A_97] : memref<2x!tpu.dma_semaphore, #tpu.memory_space<semaphore_mem>> -> memref<1x!tpu.dma_semaphore, #tpu.memory_space<semaphore_mem>>
      %dma_start3A_161 = tpu.memref_squeeze %dma_start3A_160 : memref<1x!tpu.dma_semaphore, #tpu.memory_space<semaphore_mem>> -> memref<!tpu.dma_semaphore, #tpu.memory_space<semaphore_mem>>
      tpu.enqueue_indirect_dma source(%dma_start3A_153 : memref<128x128xf32, #tpu.memory_space<vmem>>) target(%dma_start3A_159 : memref<10240x128xf32, #tpu.memory_space<vmem_shared>>) offsets(%dma_start3A_156 : memref<128xi32, #tpu.memory_space<vmem>>) semaphore(%dma_start3A_161 : memref<!tpu.dma_semaphore, #tpu.memory_space<semaphore_mem>>) {add = true}
      "tpu.region"() ({
        %run_scoped3A_163 = tpu.sem_alloc : memref<!tpu.dma_semaphore, #tpu.memory_space<semaphore_mem>>
        %dma_start3A_164 = arith.constant 0 : i32
        %dma_start3A_165 = tpu.memref_slice %arg8[%rem3A_120, %rem3A_118, %dma_start3A_164] : memref<2x16x128xi32, #tpu.memory_space<vmem>> -> memref<1x1x128xi32, #tpu.memory_space<vmem>>
        %dma_start3A_166 = tpu.memref_squeeze %dma_start3A_165 : memref<1x1x128xi32, #tpu.memory_space<vmem>> -> memref<128xi32, #tpu.memory_space<vmem>>
        %dma_start3A_167 = arith.constant 0 : i32
        %dma_start3A_168 = tpu.memref_slice %arg13[%dma_start3A_167] : memref<10240xf32, #tpu.memory_space<vmem_shared>> -> memref<10240xf32, #tpu.memory_space<vmem_shared>>
        tpu.enqueue_indirect_dma source(%arg10 : memref<128xf32, #tpu.memory_space<vmem>>) target(%dma_start3A_168 : memref<10240xf32, #tpu.memory_space<vmem_shared>>) offsets(%dma_start3A_166 : memref<128xi32, #tpu.memory_space<vmem>>) semaphore(%run_scoped3A_163 : memref<!tpu.dma_semaphore, #tpu.memory_space<semaphore_mem>>) {add = true}
        %dma_wait3A_169 = arith.constant 0 : i32
        %dma_wait3A_170 = tpu.memref_slice %arg8[%rem3A_120, %rem3A_118, %dma_wait3A_169] : memref<2x16x128xi32, #tpu.memory_space<vmem>> -> memref<1x1x128xi32, #tpu.memory_space<vmem>>
        %dma_wait3A_171 = tpu.memref_squeeze %dma_wait3A_170 : memref<1x1x128xi32, #tpu.memory_space<vmem>> -> memref<128xi32, #tpu.memory_space<vmem>>
        %dma_wait3A_172 = arith.constant 0 : i32
        %dma_wait3A_173 = tpu.memref_slice %arg13[%dma_wait3A_172] : memref<10240xf32, #tpu.memory_space<vmem_shared>> -> memref<10240xf32, #tpu.memory_space<vmem_shared>>
        tpu.wait_indirect_dma semaphore(%run_scoped3A_163 : memref<!tpu.dma_semaphore, #tpu.memory_space<semaphore_mem>>) src(%arg10 : memref<128xf32, #tpu.memory_space<vmem>>) dst(%dma_wait3A_173 : memref<10240xf32, #tpu.memory_space<vmem_shared>>)
        tpu.yield
      }) : () -> ()
      %scan3A_162 = arith.constant 0 : i32
      scf.yield %scan3A_162 : i32
    }
    %scan3A_76 = arith.constant 80 : i32
    %dma_wait3A = arith.constant 1 : i32
    %dma_wait3A_77 = arith.constant 0 : i32
    %dma_wait3A_78 = arith.constant 15 : i32
    %dma_wait3A_79 = arith.constant 1 : i32
    %dma_wait3A_80 = arith.constant 0 : i32
    %dma_wait3A_81 = arith.constant 0 : i32
    %dma_wait3A_82 = tpu.memref_slice %arg9[%dma_wait3A, %dma_wait3A_80, %dma_wait3A_81] : memref<2x128x128xf32, #tpu.memory_space<vmem>> -> memref<1x128x128xf32, #tpu.memory_space<vmem>>
    %dma_wait3A_83 = tpu.memref_squeeze %dma_wait3A_82 : memref<1x128x128xf32, #tpu.memory_space<vmem>> -> memref<128x128xf32, #tpu.memory_space<vmem>>
    %dma_wait3A_84 = arith.constant 0 : i32
    %dma_wait3A_85 = tpu.memref_slice %arg8[%dma_wait3A_77, %dma_wait3A_78, %dma_wait3A_84] : memref<2x16x128xi32, #tpu.memory_space<vmem>> -> memref<1x1x128xi32, #tpu.memory_space<vmem>>
    %dma_wait3A_86 = tpu.memref_squeeze %dma_wait3A_85 : memref<1x1x128xi32, #tpu.memory_space<vmem>> -> memref<128xi32, #tpu.memory_space<vmem>>
    %dma_wait3A_87 = arith.constant 0 : i32
    %dma_wait3A_88 = arith.constant 0 : i32
    %dma_wait3A_89 = tpu.memref_slice %arg12[%dma_wait3A_87, %dma_wait3A_88] : memref<10240x128xf32, #tpu.memory_space<vmem_shared>> -> memref<10240x128xf32, #tpu.memory_space<vmem_shared>>
    %dma_wait3A_90 = tpu.memref_slice %arg15[%dma_wait3A_79] : memref<2x!tpu.dma_semaphore, #tpu.memory_space<semaphore_mem>> -> memref<1x!tpu.dma_semaphore, #tpu.memory_space<semaphore_mem>>
    %dma_wait3A_91 = tpu.memref_squeeze %dma_wait3A_90 : memref<1x!tpu.dma_semaphore, #tpu.memory_space<semaphore_mem>> -> memref<!tpu.dma_semaphore, #tpu.memory_space<semaphore_mem>>
    tpu.wait_indirect_dma semaphore(%dma_wait3A_91 : memref<!tpu.dma_semaphore, #tpu.memory_space<semaphore_mem>>) src(%dma_wait3A_83 : memref<128x128xf32, #tpu.memory_space<vmem>>) dst(%dma_wait3A_89 : memref<10240x128xf32, #tpu.memory_space<vmem_shared>>)
    %barrier3A_92 = arith.constant 0 : index
    tpu.barrier barrier_id(%barrier3A_92)
    %mul3A_93 = arith.constant 640 : i32
    %mul3A_94 = arith.muli %arg1, %mul3A_93 : i32
    "tpu.region"() ({
      %run_scoped3A_95 = tpu.sem_alloc : memref<!tpu.dma_semaphore, #tpu.memory_space<semaphore_mem>>
      %dma_start3A_96 = arith.constant 0 : i32
      %dma_start3A_97 = tpu.memref_slice %arg5[%arg0, %mul3A_94, %dma_start3A_96] : memref<2x10240x128xf32, #tpu.memory_space<hbm>> -> memref<1x640x128xf32, #tpu.memory_space<hbm>>
      %dma_start3A_98 = tpu.memref_squeeze %dma_start3A_97 : memref<1x640x128xf32, #tpu.memory_space<hbm>> -> memref<640x128xf32, #tpu.memory_space<hbm>>
      %dma_start3A_99 = arith.constant 0 : i32
      %dma_start3A_100 = tpu.memref_slice %arg12[%mul3A_94, %dma_start3A_99] : memref<10240x128xf32, #tpu.memory_space<vmem_shared>> -> memref<640x128xf32, #tpu.memory_space<vmem_shared>>
      tpu.enqueue_dma source(%dma_start3A_100 : memref<640x128xf32, #tpu.memory_space<vmem_shared>>) target(%dma_start3A_98 : memref<640x128xf32, #tpu.memory_space<hbm>>) target_semaphore(%run_scoped3A_95 : memref<!tpu.dma_semaphore, #tpu.memory_space<semaphore_mem>>)
      %dma_wait3A_101 = arith.constant 0 : i32
      %dma_wait3A_102 = tpu.memref_slice %arg5[%arg0, %mul3A_94, %dma_wait3A_101] : memref<2x10240x128xf32, #tpu.memory_space<hbm>> -> memref<1x640x128xf32, #tpu.memory_space<hbm>>
      %dma_wait3A_103 = tpu.memref_squeeze %dma_wait3A_102 : memref<1x640x128xf32, #tpu.memory_space<hbm>> -> memref<640x128xf32, #tpu.memory_space<hbm>>
      %dma_wait3A_104 = arith.constant 0 : i32
      %dma_wait3A_105 = tpu.memref_slice %arg12[%mul3A_94, %dma_wait3A_104] : memref<10240x128xf32, #tpu.memory_space<vmem_shared>> -> memref<640x128xf32, #tpu.memory_space<vmem_shared>>
      tpu.wait_dma2 semaphore(%run_scoped3A_95 : memref<!tpu.dma_semaphore, #tpu.memory_space<semaphore_mem>>) src(%dma_wait3A_105 : memref<640x128xf32, #tpu.memory_space<vmem_shared>>) dst(%dma_wait3A_103 : memref<640x128xf32, #tpu.memory_space<hbm>>)
      tpu.yield
    }) : () -> ()
    "tpu.region"() ({
      %run_scoped3A_95 = tpu.sem_alloc : memref<!tpu.dma_semaphore, #tpu.memory_space<semaphore_mem>>
      %dma_start3A_96 = tpu.memref_slice %arg6[%arg0, %mul3A_94] : memref<2x10240xf32, #tpu.memory_space<hbm>> -> memref<1x640xf32, #tpu.memory_space<hbm>>
      %dma_start3A_97 = tpu.memref_squeeze %dma_start3A_96 : memref<1x640xf32, #tpu.memory_space<hbm>> -> memref<640xf32, #tpu.memory_space<hbm>>
      %dma_start3A_98 = tpu.memref_slice %arg13[%mul3A_94] : memref<10240xf32, #tpu.memory_space<vmem_shared>> -> memref<640xf32, #tpu.memory_space<vmem_shared>>
      tpu.enqueue_dma source(%dma_start3A_98 : memref<640xf32, #tpu.memory_space<vmem_shared>>) target(%dma_start3A_97 : memref<640xf32, #tpu.memory_space<hbm>>) target_semaphore(%run_scoped3A_95 : memref<!tpu.dma_semaphore, #tpu.memory_space<semaphore_mem>>)
      %dma_wait3A_99 = tpu.memref_slice %arg6[%arg0, %mul3A_94] : memref<2x10240xf32, #tpu.memory_space<hbm>> -> memref<1x640xf32, #tpu.memory_space<hbm>>
      %dma_wait3A_100 = tpu.memref_squeeze %dma_wait3A_99 : memref<1x640xf32, #tpu.memory_space<hbm>> -> memref<640xf32, #tpu.memory_space<hbm>>
      %dma_wait3A_101 = tpu.memref_slice %arg13[%mul3A_94] : memref<10240xf32, #tpu.memory_space<vmem_shared>> -> memref<640xf32, #tpu.memory_space<vmem_shared>>
      tpu.wait_dma2 semaphore(%run_scoped3A_95 : memref<!tpu.dma_semaphore, #tpu.memory_space<semaphore_mem>>) src(%dma_wait3A_101 : memref<640xf32, #tpu.memory_space<vmem_shared>>) dst(%dma_wait3A_100 : memref<640xf32, #tpu.memory_space<hbm>>)
      tpu.yield
    }) : () -> ()
    return
  }
}

module attributes {stable_mosaic.version = 14 : i64} {
  func.func @_mm0_body(%arg0: i32, %arg1: memref<1024x128xf32, #tpu.memory_space<vmem>>, %arg2: memref<128x128xf32, #tpu.memory_space<vmem>>, %arg3: memref<1024x128xf32, #tpu.memory_space<vmem>>) attributes {dimension_semantics = [#tpu.dimension_semantics<arbitrary>], iteration_bounds = array<i64: 10>, scalar_prefetch = 0 : i64, scratch_operands = 0 : i64, tpu.core_type = #tpu.core_type<tc>, window_params = [{transform_indices = @transform_0, window_bounds = array<i64: 1024, 128>}, {pipeline_mode = #tpu.pipeline_mode<synchronous>, transform_indices = @transform_1, window_bounds = array<i64: 128, 128>}, {transform_indices = @transform_2, window_bounds = array<i64: 1024, 128>}]} {
    %get3A = arith.constant 0 : index
    %get3A_0 = arith.constant 0 : index
    %get3A_1 = vector.load %arg1[%get3A, %get3A_0] : memref<1024x128xf32, #tpu.memory_space<vmem>>, vector<1024x128xf32>
    %get3A_2 = arith.constant 0 : index
    %get3A_3 = arith.constant 0 : index
    %get3A_4 = vector.load %arg2[%get3A_2, %get3A_3] : memref<128x128xf32, #tpu.memory_space<vmem>>, vector<128x128xf32>
    %dot_general3A = arith.constant dense<0.000000e+00> : vector<1024x128xf32>
    %dot_general3A_5 = tpu.matmul %get3A_1, %get3A_4, %dot_general3A {dimension_numbers = #tpu.dot_dimension_numbers<[1], [0], [0], [1], [0, 0, 1, 1], [], []>, transpose_lhs_hint = false} : vector<1024x128xf32>, vector<128x128xf32>, vector<1024x128xf32> -> vector<1024x128xf32>
    %swap3A = arith.constant 0 : index
    %swap3A_6 = arith.constant 0 : index
    %swap3A_7 = vector.load %arg3[%swap3A, %swap3A_6] : memref<1024x128xf32, #tpu.memory_space<vmem>>, vector<1024x128xf32>
    tpu.vector_store %arg3[%swap3A, %swap3A_6], %dot_general3A_5 {strides = array<i32>} : memref<1024x128xf32, #tpu.memory_space<vmem>>, vector<1024x128xf32>,
    return
  }
  func.func @transform_0(%arg0: i32) -> (i32, i32) {
    %c0_i32 = arith.constant 0 : i32
    %c0_i32_0 = arith.constant 0 : i32
    return %arg0, %c0_i32 : i32, i32
  }
  func.func @transform_1(%arg0: i32) -> (i32, i32) {
    %c0_i32 = arith.constant 0 : i32
    %c0_i32_0 = arith.constant 0 : i32
    %c0_i32_1 = arith.constant 0 : i32
    return %c0_i32, %c0_i32_0 : i32, i32
  }
  func.func @transform_2(%arg0: i32) -> (i32, i32) {
    %c0_i32 = arith.constant 0 : i32
    %c0_i32_0 = arith.constant 0 : i32
    return %arg0, %c0_i32 : i32, i32
  }
}

module attributes {stable_mosaic.version = 14 : i64} {
  func.func @_mid_body(%arg0: i32, %arg1: memref<1x1024x128xf32, #tpu.memory_space<vmem>>, %arg2: memref<1x1024x128xf32, #tpu.memory_space<vmem>>, %arg3: memref<1x1024x1xf32, #tpu.memory_space<vmem>>, %arg4: memref<1x1024x1xf32, #tpu.memory_space<vmem>>, %arg5: memref<1x128xf32, #tpu.memory_space<vmem>>, %arg6: memref<128x128xf32, #tpu.memory_space<vmem>>, %arg7: memref<1024x128xf32, #tpu.memory_space<vmem>>) attributes {dimension_semantics = [#tpu.dimension_semantics<arbitrary>], iteration_bounds = array<i64: 10>, scalar_prefetch = 0 : i64, scratch_operands = 0 : i64, tpu.core_type = #tpu.core_type<tc>, window_params = [{transform_indices = @transform_0, window_bounds = array<i64: 1, 1024, 128>}, {transform_indices = @transform_1, window_bounds = array<i64: 1, 1024, 128>}, {transform_indices = @transform_2, window_bounds = array<i64: 1, 1024, 1>}, {transform_indices = @transform_3, window_bounds = array<i64: 1, 1024, 1>}, {pipeline_mode = #tpu.pipeline_mode<synchronous>, transform_indices = @transform_4, window_bounds = array<i64: 1, 128>}, {pipeline_mode = #tpu.pipeline_mode<synchronous>, transform_indices = @transform_5, window_bounds = array<i64: 128, 128>}, {transform_indices = @transform_6, window_bounds = array<i64: 1024, 128>}]} {
    %get3A = arith.constant 0 : index
    %get3A_0 = arith.constant 0 : index
    %get3A_1 = arith.constant 0 : index
    %get3A_2 = vector.load %arg3[%get3A, %get3A_0, %get3A_1] : memref<1x1024x1xf32, #tpu.memory_space<vmem>>, vector<1x1024x1xf32>
    %get3A_3 = vector.shape_cast %get3A_2 : vector<1x1024x1xf32> to vector<1024x1xf32>
    %get3A_4 = arith.constant 0 : index
    %get3A_5 = arith.constant 0 : index
    %get3A_6 = arith.constant 0 : index
    %get3A_7 = vector.load %arg4[%get3A_4, %get3A_5, %get3A_6] : memref<1x1024x1xf32, #tpu.memory_space<vmem>>, vector<1x1024x1xf32>
    %get3A_8 = vector.shape_cast %get3A_7 : vector<1x1024x1xf32> to vector<1024x1xf32>
    %add3A = arith.addf %get3A_3, %get3A_8 : vector<1024x1xf32>
    %max3A = arith.constant 1.000000e+00 : f32
    %max3A_9 = vector.broadcast %max3A : f32 to vector<1024x1xf32>
    %max3A_10 = arith.maximumf %add3A, %max3A_9 : vector<1024x1xf32>
    %div3A = arith.constant 1.000000e+00 : f32
    %div3A_11 = vector.broadcast %div3A : f32 to vector<1024x1xf32>
    %div3A_12 = arith.divf %div3A_11, %max3A_10 : vector<1024x1xf32>
    %get3A_13 = arith.constant 0 : index
    %get3A_14 = arith.constant 0 : index
    %get3A_15 = arith.constant 0 : index
    %get3A_16 = vector.load %arg1[%get3A_13, %get3A_14, %get3A_15] : memref<1x1024x128xf32, #tpu.memory_space<vmem>>, vector<1x1024x128xf32>
    %get3A_17 = vector.shape_cast %get3A_16 : vector<1x1024x128xf32> to vector<1024x128xf32>
    %get3A_18 = arith.constant 0 : index
    %get3A_19 = arith.constant 0 : index
    %get3A_20 = arith.constant 0 : index
    %get3A_21 = vector.load %arg2[%get3A_18, %get3A_19, %get3A_20] : memref<1x1024x128xf32, #tpu.memory_space<vmem>>, vector<1x1024x128xf32>
    %get3A_22 = vector.shape_cast %get3A_21 : vector<1x1024x128xf32> to vector<1024x128xf32>
    %add3A_23 = arith.addf %get3A_17, %get3A_22 : vector<1024x128xf32>
    %mul3A = vector.broadcast %div3A_12 : vector<1024x1xf32> to vector<1024x128xf32>
    %mul3A_24 = arith.mulf %add3A_23, %mul3A : vector<1024x128xf32>
    %get3A_25 = arith.constant 0 : index
    %get3A_26 = arith.constant 0 : index
    %get3A_27 = vector.load %arg5[%get3A_25, %get3A_26] : memref<1x128xf32, #tpu.memory_space<vmem>>, vector<1x128xf32>
    %add3A_28 = vector.broadcast %get3A_27 : vector<1x128xf32> to vector<1024x128xf32>
    %add3A_29 = arith.addf %mul3A_24, %add3A_28 : vector<1024x128xf32>
    %max3A_30 = arith.constant 0.000000e+00 : f32
    %max3A_31 = vector.broadcast %max3A_30 : f32 to vector<1024x128xf32>
    %max3A_32 = arith.maximumf %add3A_29, %max3A_31 : vector<1024x128xf32>
    %get3A_33 = arith.constant 0 : index
    %get3A_34 = arith.constant 0 : index
    %get3A_35 = vector.load %arg6[%get3A_33, %get3A_34] : memref<128x128xf32, #tpu.memory_space<vmem>>, vector<128x128xf32>
    %dot_general3A = arith.constant dense<0.000000e+00> : vector<1024x128xf32>
    %dot_general3A_36 = tpu.matmul %max3A_32, %get3A_35, %dot_general3A {dimension_numbers = #tpu.dot_dimension_numbers<[1], [0], [0], [1], [0, 0, 1, 1], [], []>, transpose_lhs_hint = false} : vector<1024x128xf32>, vector<128x128xf32>, vector<1024x128xf32> -> vector<1024x128xf32>
    %swap3A = arith.constant 0 : index
    %swap3A_37 = arith.constant 0 : index
    %swap3A_38 = vector.load %arg7[%swap3A, %swap3A_37] : memref<1024x128xf32, #tpu.memory_space<vmem>>, vector<1024x128xf32>
    tpu.vector_store %arg7[%swap3A, %swap3A_37], %dot_general3A_36 {strides = array<i32>} : memref<1024x128xf32, #tpu.memory_space<vmem>>, vector<1024x128xf32>,
    return
  }
  func.func @transform_0(%arg0: i32) -> (i32, i32, i32) {
    %c0_i32 = arith.constant 0 : i32
    %c0_i32_0 = arith.constant 0 : i32
    %c0_i32_1 = arith.constant 0 : i32
    return %c0_i32, %arg0, %c0_i32_0 : i32, i32, i32
  }
  func.func @transform_1(%arg0: i32) -> (i32, i32, i32) {
    %c1_i32 = arith.constant 1 : i32
    %c0_i32 = arith.constant 0 : i32
    %c0_i32_0 = arith.constant 0 : i32
    return %c1_i32, %arg0, %c0_i32 : i32, i32, i32
  }
  func.func @transform_2(%arg0: i32) -> (i32, i32, i32) {
    %c0_i32 = arith.constant 0 : i32
    %c0_i32_0 = arith.constant 0 : i32
    %c0_i32_1 = arith.constant 0 : i32
    return %c0_i32, %arg0, %c0_i32_0 : i32, i32, i32
  }
  func.func @transform_3(%arg0: i32) -> (i32, i32, i32) {
    %c1_i32 = arith.constant 1 : i32
    %c0_i32 = arith.constant 0 : i32
    %c0_i32_0 = arith.constant 0 : i32
    return %c1_i32, %arg0, %c0_i32 : i32, i32, i32
  }
  func.func @transform_4(%arg0: i32) -> (i32, i32) {
    %c0_i32 = arith.constant 0 : i32
    %c0_i32_0 = arith.constant 0 : i32
    %c0_i32_1 = arith.constant 0 : i32
    return %c0_i32, %c0_i32_0 : i32, i32
  }
  func.func @transform_5(%arg0: i32) -> (i32, i32) {
    %c0_i32 = arith.constant 0 : i32
    %c0_i32_0 = arith.constant 0 : i32
    %c0_i32_1 = arith.constant 0 : i32
    return %c0_i32, %c0_i32_0 : i32, i32
  }
  func.func @transform_6(%arg0: i32) -> (i32, i32) {
    %c0_i32 = arith.constant 0 : i32
    %c0_i32_0 = arith.constant 0 : i32
    return %arg0, %c0_i32 : i32, i32
  }
}

module attributes {stable_mosaic.version = 14 : i64} {
  func.func @_act_body(%arg0: i32, %arg1: memref<1x1024x128xf32, #tpu.memory_space<vmem>>, %arg2: memref<1x1024x128xf32, #tpu.memory_space<vmem>>, %arg3: memref<1x1024x1xf32, #tpu.memory_space<vmem>>, %arg4: memref<1x1024x1xf32, #tpu.memory_space<vmem>>, %arg5: memref<1x128xf32, #tpu.memory_space<vmem>>, %arg6: memref<1024x128xf32, #tpu.memory_space<vmem>>) attributes {dimension_semantics = [#tpu.dimension_semantics<arbitrary>], iteration_bounds = array<i64: 10>, scalar_prefetch = 0 : i64, scratch_operands = 0 : i64, tpu.core_type = #tpu.core_type<tc>, window_params = [{transform_indices = @transform_0, window_bounds = array<i64: 1, 1024, 128>}, {transform_indices = @transform_1, window_bounds = array<i64: 1, 1024, 128>}, {transform_indices = @transform_2, window_bounds = array<i64: 1, 1024, 1>}, {transform_indices = @transform_3, window_bounds = array<i64: 1, 1024, 1>}, {pipeline_mode = #tpu.pipeline_mode<synchronous>, transform_indices = @transform_4, window_bounds = array<i64: 1, 128>}, {transform_indices = @transform_5, window_bounds = array<i64: 1024, 128>}]} {
    %get3A = arith.constant 0 : index
    %get3A_0 = arith.constant 0 : index
    %get3A_1 = arith.constant 0 : index
    %get3A_2 = vector.load %arg3[%get3A, %get3A_0, %get3A_1] : memref<1x1024x1xf32, #tpu.memory_space<vmem>>, vector<1x1024x1xf32>
    %get3A_3 = vector.shape_cast %get3A_2 : vector<1x1024x1xf32> to vector<1024x1xf32>
    %get3A_4 = arith.constant 0 : index
    %get3A_5 = arith.constant 0 : index
    %get3A_6 = arith.constant 0 : index
    %get3A_7 = vector.load %arg4[%get3A_4, %get3A_5, %get3A_6] : memref<1x1024x1xf32, #tpu.memory_space<vmem>>, vector<1x1024x1xf32>
    %get3A_8 = vector.shape_cast %get3A_7 : vector<1x1024x1xf32> to vector<1024x1xf32>
    %add3A = arith.addf %get3A_3, %get3A_8 : vector<1024x1xf32>
    %max3A = arith.constant 1.000000e+00 : f32
    %max3A_9 = vector.broadcast %max3A : f32 to vector<1024x1xf32>
    %max3A_10 = arith.maximumf %add3A, %max3A_9 : vector<1024x1xf32>
    %div3A = arith.constant 1.000000e+00 : f32
    %div3A_11 = vector.broadcast %div3A : f32 to vector<1024x1xf32>
    %div3A_12 = arith.divf %div3A_11, %max3A_10 : vector<1024x1xf32>
    %get3A_13 = arith.constant 0 : index
    %get3A_14 = arith.constant 0 : index
    %get3A_15 = arith.constant 0 : index
    %get3A_16 = vector.load %arg1[%get3A_13, %get3A_14, %get3A_15] : memref<1x1024x128xf32, #tpu.memory_space<vmem>>, vector<1x1024x128xf32>
    %get3A_17 = vector.shape_cast %get3A_16 : vector<1x1024x128xf32> to vector<1024x128xf32>
    %get3A_18 = arith.constant 0 : index
    %get3A_19 = arith.constant 0 : index
    %get3A_20 = arith.constant 0 : index
    %get3A_21 = vector.load %arg2[%get3A_18, %get3A_19, %get3A_20] : memref<1x1024x128xf32, #tpu.memory_space<vmem>>, vector<1x1024x128xf32>
    %get3A_22 = vector.shape_cast %get3A_21 : vector<1x1024x128xf32> to vector<1024x128xf32>
    %add3A_23 = arith.addf %get3A_17, %get3A_22 : vector<1024x128xf32>
    %mul3A = vector.broadcast %div3A_12 : vector<1024x1xf32> to vector<1024x128xf32>
    %mul3A_24 = arith.mulf %add3A_23, %mul3A : vector<1024x128xf32>
    %get3A_25 = arith.constant 0 : index
    %get3A_26 = arith.constant 0 : index
    %get3A_27 = vector.load %arg5[%get3A_25, %get3A_26] : memref<1x128xf32, #tpu.memory_space<vmem>>, vector<1x128xf32>
    %add3A_28 = vector.broadcast %get3A_27 : vector<1x128xf32> to vector<1024x128xf32>
    %add3A_29 = arith.addf %mul3A_24, %add3A_28 : vector<1024x128xf32>
    %max3A_30 = arith.constant 0.000000e+00 : f32
    %max3A_31 = vector.broadcast %max3A_30 : f32 to vector<1024x128xf32>
    %max3A_32 = arith.maximumf %add3A_29, %max3A_31 : vector<1024x128xf32>
    %swap3A = arith.constant 0 : index
    %swap3A_33 = arith.constant 0 : index
    %swap3A_34 = vector.load %arg6[%swap3A, %swap3A_33] : memref<1024x128xf32, #tpu.memory_space<vmem>>, vector<1024x128xf32>
    tpu.vector_store %arg6[%swap3A, %swap3A_33], %max3A_32 {strides = array<i32>} : memref<1024x128xf32, #tpu.memory_space<vmem>>, vector<1024x128xf32>,
    return
  }
  func.func @transform_0(%arg0: i32) -> (i32, i32, i32) {
    %c0_i32 = arith.constant 0 : i32
    %c0_i32_0 = arith.constant 0 : i32
    %c0_i32_1 = arith.constant 0 : i32
    return %c0_i32, %arg0, %c0_i32_0 : i32, i32, i32
  }
  func.func @transform_1(%arg0: i32) -> (i32, i32, i32) {
    %c1_i32 = arith.constant 1 : i32
    %c0_i32 = arith.constant 0 : i32
    %c0_i32_0 = arith.constant 0 : i32
    return %c1_i32, %arg0, %c0_i32 : i32, i32, i32
  }
  func.func @transform_2(%arg0: i32) -> (i32, i32, i32) {
    %c0_i32 = arith.constant 0 : i32
    %c0_i32_0 = arith.constant 0 : i32
    %c0_i32_1 = arith.constant 0 : i32
    return %c0_i32, %arg0, %c0_i32_0 : i32, i32, i32
  }
  func.func @transform_3(%arg0: i32) -> (i32, i32, i32) {
    %c1_i32 = arith.constant 1 : i32
    %c0_i32 = arith.constant 0 : i32
    %c0_i32_0 = arith.constant 0 : i32
    return %c1_i32, %arg0, %c0_i32 : i32, i32, i32
  }
  func.func @transform_4(%arg0: i32) -> (i32, i32) {
    %c0_i32 = arith.constant 0 : i32
    %c0_i32_0 = arith.constant 0 : i32
    %c0_i32_1 = arith.constant 0 : i32
    return %c0_i32, %c0_i32_0 : i32, i32
  }
  func.func @transform_5(%arg0: i32) -> (i32, i32) {
    %c0_i32 = arith.constant 0 : i32
    %c0_i32_0 = arith.constant 0 : i32
    return %arg0, %c0_i32 : i32, i32
  }
}

module attributes {stable_mosaic.version = 14 : i64} {
  func.func @_fin_body(%arg0: i32, %arg1: memref<1x1024x128xf32, #tpu.memory_space<vmem>>, %arg2: memref<1x1024x128xf32, #tpu.memory_space<vmem>>, %arg3: memref<1x1024x1xf32, #tpu.memory_space<vmem>>, %arg4: memref<1x1024x1xf32, #tpu.memory_space<vmem>>, %arg5: memref<1x64xf32, #tpu.memory_space<vmem>>, %arg6: memref<128x64xf32, #tpu.memory_space<vmem>>, %arg7: memref<1024x64xf32, #tpu.memory_space<vmem>>) attributes {dimension_semantics = [#tpu.dimension_semantics<arbitrary>], iteration_bounds = array<i64: 10>, scalar_prefetch = 0 : i64, scratch_operands = 0 : i64, tpu.core_type = #tpu.core_type<tc>, window_params = [{transform_indices = @transform_0, window_bounds = array<i64: 1, 1024, 128>}, {transform_indices = @transform_1, window_bounds = array<i64: 1, 1024, 128>}, {transform_indices = @transform_2, window_bounds = array<i64: 1, 1024, 1>}, {transform_indices = @transform_3, window_bounds = array<i64: 1, 1024, 1>}, {pipeline_mode = #tpu.pipeline_mode<synchronous>, transform_indices = @transform_4, window_bounds = array<i64: 1, 64>}, {pipeline_mode = #tpu.pipeline_mode<synchronous>, transform_indices = @transform_5, window_bounds = array<i64: 128, 64>}, {transform_indices = @transform_6, window_bounds = array<i64: 1024, 64>}]} {
    %get3A = arith.constant 0 : index
    %get3A_0 = arith.constant 0 : index
    %get3A_1 = arith.constant 0 : index
    %get3A_2 = vector.load %arg3[%get3A, %get3A_0, %get3A_1] : memref<1x1024x1xf32, #tpu.memory_space<vmem>>, vector<1x1024x1xf32>
    %get3A_3 = vector.shape_cast %get3A_2 : vector<1x1024x1xf32> to vector<1024x1xf32>
    %get3A_4 = arith.constant 0 : index
    %get3A_5 = arith.constant 0 : index
    %get3A_6 = arith.constant 0 : index
    %get3A_7 = vector.load %arg4[%get3A_4, %get3A_5, %get3A_6] : memref<1x1024x1xf32, #tpu.memory_space<vmem>>, vector<1x1024x1xf32>
    %get3A_8 = vector.shape_cast %get3A_7 : vector<1x1024x1xf32> to vector<1024x1xf32>
    %add3A = arith.addf %get3A_3, %get3A_8 : vector<1024x1xf32>
    %max3A = arith.constant 1.000000e+00 : f32
    %max3A_9 = vector.broadcast %max3A : f32 to vector<1024x1xf32>
    %max3A_10 = arith.maximumf %add3A, %max3A_9 : vector<1024x1xf32>
    %div3A = arith.constant 1.000000e+00 : f32
    %div3A_11 = vector.broadcast %div3A : f32 to vector<1024x1xf32>
    %div3A_12 = arith.divf %div3A_11, %max3A_10 : vector<1024x1xf32>
    %get3A_13 = arith.constant 0 : index
    %get3A_14 = arith.constant 0 : index
    %get3A_15 = arith.constant 0 : index
    %get3A_16 = vector.load %arg1[%get3A_13, %get3A_14, %get3A_15] : memref<1x1024x128xf32, #tpu.memory_space<vmem>>, vector<1x1024x128xf32>
    %get3A_17 = vector.shape_cast %get3A_16 : vector<1x1024x128xf32> to vector<1024x128xf32>
    %get3A_18 = arith.constant 0 : index
    %get3A_19 = arith.constant 0 : index
    %get3A_20 = arith.constant 0 : index
    %get3A_21 = vector.load %arg2[%get3A_18, %get3A_19, %get3A_20] : memref<1x1024x128xf32, #tpu.memory_space<vmem>>, vector<1x1024x128xf32>
    %get3A_22 = vector.shape_cast %get3A_21 : vector<1x1024x128xf32> to vector<1024x128xf32>
    %add3A_23 = arith.addf %get3A_17, %get3A_22 : vector<1024x128xf32>
    %mul3A = vector.broadcast %div3A_12 : vector<1024x1xf32> to vector<1024x128xf32>
    %mul3A_24 = arith.mulf %add3A_23, %mul3A : vector<1024x128xf32>
    %get3A_25 = arith.constant 0 : index
    %get3A_26 = arith.constant 0 : index
    %get3A_27 = vector.load %arg6[%get3A_25, %get3A_26] : memref<128x64xf32, #tpu.memory_space<vmem>>, vector<128x64xf32>
    %dot_general3A = arith.constant dense<0.000000e+00> : vector<1024x64xf32>
    %dot_general3A_28 = tpu.matmul %mul3A_24, %get3A_27, %dot_general3A {dimension_numbers = #tpu.dot_dimension_numbers<[1], [0], [0], [1], [0, 0, 1, 1], [], []>, transpose_lhs_hint = false} : vector<1024x128xf32>, vector<128x64xf32>, vector<1024x64xf32> -> vector<1024x64xf32>
    %get3A_29 = arith.constant 0 : index
    %get3A_30 = arith.constant 0 : index
    %get3A_31 = vector.load %arg5[%get3A_29, %get3A_30] : memref<1x64xf32, #tpu.memory_space<vmem>>, vector<1x64xf32>
    %add3A_32 = vector.broadcast %get3A_31 : vector<1x64xf32> to vector<1024x64xf32>
    %add3A_33 = arith.addf %dot_general3A_28, %add3A_32 : vector<1024x64xf32>
    %swap3A = arith.constant 0 : index
    %swap3A_34 = arith.constant 0 : index
    %swap3A_35 = vector.load %arg7[%swap3A, %swap3A_34] : memref<1024x64xf32, #tpu.memory_space<vmem>>, vector<1024x64xf32>
    tpu.vector_store %arg7[%swap3A, %swap3A_34], %add3A_33 {strides = array<i32>} : memref<1024x64xf32, #tpu.memory_space<vmem>>, vector<1024x64xf32>,
    return
  }
  func.func @transform_0(%arg0: i32) -> (i32, i32, i32) {
    %c0_i32 = arith.constant 0 : i32
    %c0_i32_0 = arith.constant 0 : i32
    %c0_i32_1 = arith.constant 0 : i32
    return %c0_i32, %arg0, %c0_i32_0 : i32, i32, i32
  }
  func.func @transform_1(%arg0: i32) -> (i32, i32, i32) {
    %c1_i32 = arith.constant 1 : i32
    %c0_i32 = arith.constant 0 : i32
    %c0_i32_0 = arith.constant 0 : i32
    return %c1_i32, %arg0, %c0_i32 : i32, i32, i32
  }
  func.func @transform_2(%arg0: i32) -> (i32, i32, i32) {
    %c0_i32 = arith.constant 0 : i32
    %c0_i32_0 = arith.constant 0 : i32
    %c0_i32_1 = arith.constant 0 : i32
    return %c0_i32, %arg0, %c0_i32_0 : i32, i32, i32
  }
  func.func @transform_3(%arg0: i32) -> (i32, i32, i32) {
    %c1_i32 = arith.constant 1 : i32
    %c0_i32 = arith.constant 0 : i32
    %c0_i32_0 = arith.constant 0 : i32
    return %c1_i32, %arg0, %c0_i32 : i32, i32, i32
  }
  func.func @transform_4(%arg0: i32) -> (i32, i32) {
    %c0_i32 = arith.constant 0 : i32
    %c0_i32_0 = arith.constant 0 : i32
    %c0_i32_1 = arith.constant 0 : i32
    return %c0_i32, %c0_i32_0 : i32, i32
  }
  func.func @transform_5(%arg0: i32) -> (i32, i32) {
    %c0_i32 = arith.constant 0 : i32
    %c0_i32_0 = arith.constant 0 : i32
    %c0_i32_1 = arith.constant 0 : i32
    return %c0_i32, %c0_i32_0 : i32, i32
  }
  func.func @transform_6(%arg0: i32) -> (i32, i32) {
    %c0_i32 = arith.constant 0 : i32
    %c0_i32_0 = arith.constant 0 : i32
    return %arg0, %c0_i32 : i32, i32
  }
}

</mosaic_0001>

<sc_bundles>
// kernel: kernel.12.cloned.1.call-start
scs
__scs_entry_jumppad:
0x0: {  	(pc) =	sbr.rel $0x88, $3  }
0x1: {  	(tag) =	ssettag $0x0;
	lr =	simm.s32 $0x1  }
0x2: {  	[smem:$0x3F99] =	sst lr;
	_ =	strace $0xD0000000  }
0x3: {  	_ = 	snop  }
0x4: {  	_ = 	snop  }
0x5: {  	_ = 	snop  }
0x6: {  	_ = 	snop  }
0x7: {  	_ = 	snop  }
__scs_overlays_trampoline_lowered:
0x8: {  	[smem:$0x3FA8] =	sst s0  }
0x9: {  	[smem:$0x3FA9] =	sst s1  }
0xa: {  	[smem:$0x3FAA] =	sst s2  }
0xb: {  	[smem:$0x3FAB] =	sst s3  }
0xc: {  	[smem:$0x3FAC] =	sst s4  }
0xd: {  	[smem:$0x3FAD] =	sst s5  }
0xe: {  	[smem:$0x3FAE] =	sst s6  }
0xf: {  	[smem:$0x3FAF] =	sst s7  }
0x10: {  	[smem:$0x3FB0] =	sst s8  }
0x11: {  	[smem:$0x3FB1] =	sst s9;
	s0 =	simm.s32 @!p0 $0x0  }
0x12: {  	s1 =	sld [smem:$0x3F97];
	s0 =	simm.s32 @p0 $0x1  }
0x13: {  	[smem:$0x3FB2] =	sst s0;
	s0 =	simm.s32 @!p1 $0x0  }
0x14: {  	s2 =	sld [smem:$0x3F96];
	s0 =	simm.s32 @p1 $0x1  }
0x15: {  	[smem:$0x3FB3] =	sst s0;
	s0 =	simm.s32 @!p2 $0x0  }
0x16: {  	s3 =	sld [smem:$0x3FDB];
	s0 =	simm.s32 @p2 $0x1  }
0x17: {  	s4 =	simm.s32 $0x1BF5;
	[smem:$0x3FB5] =	sst s0  }
0x18: {  	s0 =	sld [smem:$0x3F98];
	_ =	swait.ge [sflag:s4], $0x0  }
0x19: {  	s7 =	sld [smem:$0x3F99]  }
0x1a: {  	s8 =	sadd.s32 $0xFFFFE003, lr  }
0x1b: {  	s9 =	sadd.s32 $0xFFFFFEF7, lr;
	s5 =	simm.s32 $0xFFFFFFFF;
	p2 =	slt.u32 s8, $0xFFFFF086  }
0x1c: {  	p1 =	slt.u32 s9, $0xF7A;
	s5 =	simm.s32 @!p2 $0x0  }
0x1d: {  	s5 =	simm.s32 @p1 $0x1;
	p0 =	seq.s32 s7, s2  }
0x1e: {  	s7 =	smul.u32 @!p0 $0xF7A, s2;
	p2 =	seq.s32 @!p0 s5, $0x0  }
0x1f: {  	s9 =	smul.u32 $0xF7A, s1;
	s8 =	simm.s32 @!p0 $0x1BF5;
	p2 =	por !p2, p0  }
0x20: {  	[sflag:s8] =	ssyncset.s32 @!p0 $0xFFFFF086;
	s6 =	sadd.s32 @!p0 s3, s7;
	s7 =	simm.s32 @!p0 $0x108  }
0x21: {  	s3 =	sadd.s32 s3, s9;
	s6 =	sadd.s32 @!p0 $0x88, s6;
	s7 =	simm.s32 @p2 $0x1082  }
0x22: {  	[simem:s7], [sflag:s8] =	dma.local @!p0 [hbm:s6], $0xF7A  }
0x23: {  	s9 =	sor.u32 $0xD0000000, s2;
	s6 =	simm.s32 $0x108;
	_ =	swait.ge @!p0 [sflag:s8], $0x0  }
0x24: {  	s3 =	sadd.s32 $0x88, s3;
	s6 =	simm.s32 @!p1 $0x1082;
	[sflag:s4] =	ssyncset.s32 $0xFFFFF086  }
0x25: {  	[simem:s6], [sflag:s4] =	dma.local [hbm:s3], $0xF7A  }
0x26: {  	[smem:$0x3F99] =	sst s1;
	(tag) =	ssettag s2;
	_ =	strace s9  }
0x27: {  	s1 =	sld [smem:$0x3FA9]  }
0x28: {  	s2 =	sld [smem:$0x3FAA]  }
0x29: {  	s4 =	sld [smem:$0x3FAC]  }
0x2a: {  	p0 =	seq.s32 s5, $0x0;
	s5 =	sld [smem:$0x3FAD]  }
0x2b: {  	s6 =	sld [smem:$0x3FAE]  }
0x2c: {  	s7 =	sld [smem:$0x3FAF]  }
0x2d: {  	s3 =	simm.s32 $0x108;
	s8 =	sld [smem:$0x3FB0]  }
0x2e: {  	s3 =	simm.s32 @!p0 $0x1082;
	s9 =	sld [smem:$0x3FB1]  }
0x2f: {  	lr =	sadd.s32 s0, s3;
	s0 =	sld [smem:$0x3FA8]  }
0x30: {  	s3 =	sld [smem:$0x3FAB]  }
0x31: {  	[smem:$0x3FB4] =	sst s10  }
0x32: {  	s10 =	sld [smem:$0x3FB2];
	_ =	sdelay $0x3  }
0x33: {  	p0 =	seq.s32 s10, $0x1;
	s10 =	sld [smem:$0x3FB4];
	_ =	sdelay $0x3  }
0x34: {  	[smem:$0x3FB4] =	sst s10  }
0x35: {  	s10 =	sld [smem:$0x3FB3];
	_ =	sdelay $0x3  }
0x36: {  	p1 =	seq.s32 s10, $0x1;
	s10 =	sld [smem:$0x3FB4];
	_ =	sdelay $0x3  }
0x37: {  	[smem:$0x3FB4] =	sst s10  }
0x38: {  	s10 =	sld [smem:$0x3FB5]  }
0x39: {  	_ = 	snop;
	(pc) =	sbr.ind lr, $3  }
0x3a: {  	_ = 	snop  }
0x3b: {  	_ = 	snop  }
0x3c: {  	p2 =	seq.s32 s10, $0x1;
	s10 =	sld [smem:$0x3FB4]  }
0x3d: {  	_ =	shalt  }
0x3e: {  	_ =	shalt  }
0x3f: {  	_ =	shalt  }
0x40: {  	_ =	shalt  }
0x41: {  	_ =	shalt  }
0x42: {  	_ =	shalt  }
0x43: {  	_ =	shalt  }
0x44: {  	_ =	shalt  }
0x45: {  	_ =	shalt  }
0x46: {  	_ =	shalt  }
0x47: {  	_ =	shalt  }
0x48: {  	_ =	shalt  }
0x49: {  	_ =	shalt  }
0x4a: {  	_ =	shalt  }
0x4b: {  	_ =	shalt  }
0x4c: {  	_ =	shalt  }
0x4d: {  	_ =	shalt  }
0x4e: {  	_ =	shalt  }
0x4f: {  	_ =	shalt  }
0x50: {  	_ =	shalt  }
0x51: {  	_ =	shalt  }
0x52: {  	_ =	shalt  }
0x53: {  	_ =	shalt  }
0x54: {  	_ =	shalt  }
0x55: {  	_ =	shalt  }
0x56: {  	_ =	shalt  }
0x57: {  	_ =	shalt  }
0x58: {  	_ =	shalt  }
0x59: {  	_ =	shalt  }
0x5a: {  	_ =	shalt  }
0x5b: {  	_ =	shalt  }
0x5c: {  	_ =	shalt  }
0x5d: {  	_ =	shalt  }
0x5e: {  	_ =	shalt  }
0x5f: {  	_ =	shalt  }
0x60: {  	_ =	shalt  }
0x61: {  	_ =	shalt  }
0x62: {  	_ =	shalt  }
0x63: {  	_ =	shalt  }
0x64: {  	_ =	shalt  }
0x65: {  	_ =	shalt  }
0x66: {  	_ =	shalt  }
0x67: {  	_ =	shalt  }
0x68: {  	_ =	shalt  }
0x69: {  	_ =	shalt  }
0x6a: {  	_ =	shalt  }
0x6b: {  	_ =	shalt  }
0x6c: {  	_ =	shalt  }
0x6d: {  	_ =	shalt  }
0x6e: {  	_ =	shalt  }
0x6f: {  	_ =	shalt  }
0x70: {  	_ =	shalt  }
0x71: {  	_ =	shalt  }
0x72: {  	_ =	shalt  }
0x73: {  	_ =	shalt  }
0x74: {  	_ =	shalt  }
0x75: {  	_ =	shalt  }
0x76: {  	_ =	shalt  }
0x77: {  	_ =	shalt  }
0x78: {  	_ =	shalt  }
0x79: {  	_ =	shalt  }
0x7a: {  	_ =	shalt  }
0x7b: {  	_ =	shalt  }
0x7c: {  	_ =	shalt  }
0x7d: {  	_ =	shalt  }
0x7e: {  	_ =	shalt  }
0x7f: {  	_ =	shalt  }
0x80: {  	_ =	shalt  }
0x81: {  	_ =	shalt  }
0x82: {  	_ =	shalt  }
0x83: {  	_ =	shalt  }
0x84: {  	_ =	shalt  }
0x85: {  	_ =	shalt  }
0x86: {  	_ =	shalt  }
0x87: {  	_ =	shalt  }
.Lfunc_end0:
.L_simem_size_0:
called_computation.1_lowered:
.L_overlay_start_0:
0x88: {  	s2 =	sld [smem:$0x3FD9]  }
0x89: {  	s3 =	sld [smem:$0x3FFE];
	_ =	sdelay $0x1  }
0x8a: {  	s1 =	srdreg.scid  }
0x8b: {  	s0 =	sand.u32 $0x1, s1  }
0x8c: {  	s17 =	sshll.u32 s0, $0xA;
	s2 =	sadd.s32 s3, s2  }
0x8d: {  	s2 =	sadd.s32 s2, s17  }
0x8e: {  	[smem:$0x3FC0] =	sst s2  }
0x8f: {  	_ = 	snop  }
0x90: {  	s2 =	sld [smem:$0x3FD0];
	(tm) =	ssettm $0x1  }
0x91: {  	s18 =	sld [smem:$0x3FFB];
	_ =	sdelay $0x3  }
0x92: {  	_ =	strace s18  }
0x93: {  	s3 =	sld [smem:$0x3FFC];
	_ =	sdelay $0x3  }
0x94: {  	_ =	strace s3  }
0x95: {  	s3 =	sld [smem:$0x3FFD];
	_ =	sdelay $0x3  }
0x96: {  	_ =	strace s3  }
0x97: {  	_ =	strace $0x8FFFFFFF  }
0x98: {  	s19 =	sld [smem:$0x3FDB];
	_ =	sdelay $0x1  }
0x99: {  	s4 =	simm.s32 $_scs_section_size  }
0x9a: {  	s5 =	simm.s32 $_size__tile_overlayer_lowered;
	s6 =	simm.s32 $_tile_overlayer_lowered  }
0x9b: {  	s22 =	simm.s32 $0x1BFF;
	s21 =	sshll.u32 s6, $0x1;
	s3 =	sadd.s32 s4, s19  }
0x9c: {  	s7 =	simm.s32 $0x0;
	s20 =	sshll.u32 s5, $0x1;
	s5 =	sadd.s32 s21, s3  }
0x9d: {  	[timem:s7], [sflag:s22] =	dma.local [hbm:s5], s20  }
0x9e: {  	_ =	swait.ge [sflag:s22], s20  }
0x9f: {  	s4 =	ssub.s32 $0x0, s20;
	[sflag:s22] =	ssyncset.done $0x0  }
0xa0: {  	[sflag:s22] =	ssyncadd.s32 s4;
	_ =	sdelay $0x1  }
0xa1: {  	s23 =	simm.s32 $0x1B8B  }
0xa2: {  	_ =	swait.ge [sflag:s23], $0x1  }
0xa3: {  	[sflag:s23] =	ssyncset.done $0x0  }
0xa4: {  	s25 =	simm.s32 $0x1B8E;
	s24 =	sld [smem:$0x3FFE];
	[sflag:s23] =	ssyncadd.s32 $0xFFFFFFFF  }
0xa5: {  	s26 =	simm.s32 $execute0_lowered;
	[smem:$0x3FD2] =	sst s25  }
0xa6: {  	s5 =	sshll.u32 s26, $0x1;
	_ =	strace $0x80000049;
	[dreg:$0x1] =	wrdreg $0xFFFFFFFF  }
0xa7: {  	s28 =	simm.s32 $_size_execute0_lowered;
	s3 =	sadd.s32 s3, s5;
	[dreg:$0x0] =	wrdreg $0x0  }
0xa8: {  	s5 =	sshll.u32 s28, $0x1;
	[dreg:$0x2] =	wrdreg s3  }
0xa9: {  	[dreg:$0x3] =	wrdreg s5  }
0xaa: {  	[dreg:$0x4] =	wrdreg $0xC0  }
0xab: {  	_ =	task [dreg:s7], $0x5FFFF  }
0xac: {  	[dreg:$0x1] =	wrdreg $0xFFFFFFFF  }
0xad: {  	[dreg:$0x0] =	wrdreg $0x60  }
0xae: {  	[dreg:$0x2] =	wrdreg s24  }
0xaf: {  	[dreg:$0x3] =	wrdreg s2  }
0xb0: {  	[dreg:$0x4] =	wrdreg $0xA0000  }
0xb1: {  	[dreg:$0x5] =	wrdreg $0x9  }
0xb2: {  	_ =	task.clear_ibuf [dreg:s7], $0x6FFFF;
	_ =	strace $0x90000049  }
0xb3: {  	s29 =	simm.s32 $0x9;
	_ =	strace $0x8000004B  }
0xb4: {  	_ =	swait.ge [sflag:s29], $0x1  }
0xb5: {  	[sflag:s29] =	ssyncadd.s32 $0xFFFFFFFF  }
0xb6: {  	_ =	strace $0x9000004B  }
0xb7: {  	_ =	sfence  }
0xb8: {  	s30 =	sld [smem:$0x0];
	_ =	sdelay $0x2  }
0xb9: {  	s31 =	sshll.u32 s1, $0xD;
	s1 =	sshrl.u32 s1, $0x2  }
0xba: {  	s3 =	sand.u32 $0x4000, s31;
	s1 =	sadd.s32 s1, s30  }
0xbb: {  	s0 =	sor.u32 s3, s0;
	s1 =	sshll.u32 s1, $0x11  }
0xbc: {  	s0 =	sor.u32 s1, s0  }
0xbd: {  	s0 =	sadd.s32 $0x8F2B, s0  }
0xbe: {  	[sflag:s0] =	ssyncadd.remote.s32 $0x1  }
0xbf: {  	_ =	sfence.sel $0xFFFF  }
0xc0: {  	[dreg:$0x0] =	wrdreg $0xFFFFFFFF;
	(pc) =	sbr.abs _section_cstart, $3  }
0xc1: {  	[dreg:$0x1] =	wrdreg $0xFFFFFFFF  }
0xc2: {  	_ =	task.clear_ibuf [dreg:s7], $0x2FFFF;
	_ =	strace $0x9FFFFFFF  }
0xc3: {  	(tm) =	ssettm $0x7FFFFFFF  }
tec
execute0_lowered:
.L_overlay_start_1:
0x0: {  	(tag) =	ssettag $0x1  }
0x1: {  	s0 =	rddreg [dreg:$0x0]  }
0x2: {  	s2 =	rddreg [dreg:$0x1];
	s1 =	srdreg.scid  }
0x3: {  	s3 =	rddreg [dreg:$0x2];
	s9 =	stileid.u32  }
0x4: {  	s4 =	simm.s32 $0x0;
	s16 =	simm.s32 $0x2000;
	s17 =	simm.s32 $0x5  }
0x5: {  	s19 =	simm.s32 $0x80;
	s20 =	simm.s32 $0x6000;
	s7 =	smul.u32 $0x14000, s9  }
0x6: {  	s1 =	sand.u32 $0x1, s1;
	s8 =	smul.u32 $0x50000, s9;
	s9 =	sshll.u32 s9, $0x1  }
0x7: {  	s6 =	smul.u32 $0x140000, s1;
	s23 =	ssub.s32 $0x2, s1;
	s1 =	sor.u32 s1, s9  }
0x8: {  	s21 =	simm.s32 $0x3;
	s22 =	simm.s32 $0x2;
	s25 =	smul.u32 $0x50, s1  }
0x9: {  	[smem:$0x7FF] =	sst s4;
	s5 =	sadd.s32 $0x2400, s0;
	s1 =	smul.u32 $0x500, s1  }
0xa: {  	_ =	strace $0x8000004A;
	s7 =	sadd.s32 s7, s6;
	s6 =	sadd.s32 $0x2A400, s0  }
0xb: {  	s8 =	sshrl.u32 s8, $0x2;
	s7 =	sshrl.u32 s7, $0x3;
	s31 =	sadd.s32 s6, s1  }
0xc: {  	s30 =	sadd.s32 $0x10, s25;
	s1 =	sadd.s32 s2, s1;
	[dreg:$0x9] =	wrdreg s31  }
0xd: {  	s0 =	sadd.s32 s7, s0;
	s7 =	sadd.s32 s8, s3;
	[dreg:$0xa] =	wrdreg s1  }
0xe: {  	s10 =	sshrl.u32 s23, $0x1;
	[dreg:$0x4] =	wrdreg s30;
	s8 =	sadd.s32 $0x4000, s7  }
0xf: {  	s24 =	ssub.s32 s23, s10;
	s26 =	sadd.s32 $0x8000, s7;
	[dreg:$0x5] =	wrdreg s8  }
0x10: {  	s15 =	smax.u32 s24, $0x1;
	s28 =	sadd.s32 $0xC000, s7;
	[dreg:$0x6] =	wrdreg s26  }
0x11: {  	s24 =	simm.s32 $0x4;
	s29 =	sadd.s32 $0x10000, s7;
	[dreg:$0x7] =	wrdreg s28  }
0x12: {  	v0 =	vimm.f32 $0.0e+00;
	s25 =	simm.s32 $0x0;
	s14 =	sadd.s32 $0x34400, s0;
	[dreg:$0x8] =	wrdreg s29  }
.LBB2_1:
0x13: {  	s0 =	simm.s32 $0x0;
	s1 =	simm.s32 $0x200  }
.LBB2_2:
0x14: {  	p0 =	sne.s32 s1, $0xFE00;
	[tilespmem:s0+$0x2070] =	vst v0  }
0x15: {  	[tilespmem:s0+$0x2000] =	vst v0  }
0x16: {  	[tilespmem:s0+$0x2010] =	vst v0  }
.Ltmp0:
0x17: {  	[tilespmem:s0+$0x2020] =	vst v0;
	(pc) =	sbr.rel @p0 .LBB2_2-.Ltmp0, $4  }
0x18: {  	[tilespmem:s0+$0x2030] =	vst v0  }
0x19: {  	[tilespmem:s0+$0x2040] =	vst v0  }
0x1a: {  	[tilespmem:s0+$0x2050] =	vst v0  }
0x1b: {  	[tilespmem:s0+$0x2060] =	vst v0;
	s0 =	sshra.s32 s1, $0x2;
	s1 =	sadd.s32 $0x200, s1  }
0x1c: {  	[tilespmem:s0+$0x2070] =	vst v0  }
0x1d: {  	[tilespmem:s0+$0x2000] =	vst v0  }
0x1e: {  	[tilespmem:s0+$0x2010] =	vst v0  }
0x1f: {  	[tilespmem:s0+$0x2020] =	vst v0  }
0x20: {  	[tilespmem:s0+$0x2030] =	vst v0  }
0x21: {  	[tilespmem:s0+$0x2040] =	vst v0  }
0x22: {  	[tilespmem:s0+$0x2050] =	vst v0  }
0x23: {  	[tilespmem:s0+$0x2060] =	vst v0  }
0x24: {  	[spmem:s7] =	stream.linear.scatter [tilespmem:s16], [sflag:$0x5], $0x4000, $0x38;
	[tilespmem:$0x1E000] =	vst v63  }
0x25: {  	_ =	swait.ge [sflag:s17], $0x4000  }
0x26: {  	[sflag:s17] =	ssyncset.done $0x0  }
0x27: {  	s26 =	rddreg [dreg:$0x5];
	[sflag:s17] =	ssyncadd.s32 $0xFFFFC000  }
0x28: {  	[spmem:s26] =	stream.linear.scatter [tilespmem:s16], [sflag:$0x5], $0x4000, $0x38;
	[tilespmem:$0x1E000] =	vst v63  }
0x29: {  	_ =	swait.ge [sflag:s17], $0x4000  }
0x2a: {  	[sflag:s17] =	ssyncset.done $0x0  }
0x2b: {  	s1 =	rddreg [dreg:$0x6];
	[sflag:s17] =	ssyncadd.s32 $0xFFFFC000  }
0x2c: {  	[spmem:s1] =	stream.linear.scatter [tilespmem:s16], [sflag:$0x5], $0x4000, $0x38;
	[tilespmem:$0x1E000] =	vst v63  }
0x2d: {  	_ =	swait.ge [sflag:s17], $0x4000  }
0x2e: {  	[sflag:s17] =	ssyncset.done $0x0  }
0x2f: {  	s8 =	rddreg [dreg:$0x7];
	[sflag:s17] =	ssyncadd.s32 $0xFFFFC000  }
0x30: {  	[spmem:s8] =	stream.linear.scatter [tilespmem:s16], [sflag:$0x5], $0x4000, $0x38;
	[tilespmem:$0x1E000] =	vst v63  }
0x31: {  	_ =	swait.ge [sflag:s17], $0x4000  }
0x32: {  	[sflag:s17] =	ssyncset.done $0x0  }
0x33: {  	s9 =	rddreg [dreg:$0x8];
	[sflag:s17] =	ssyncadd.s32 $0xFFFFC000  }
0x34: {  	[spmem:s9] =	stream.linear.scatter [tilespmem:s16], [sflag:$0x5], $0x4000, $0x38;
	[tilespmem:$0x1E000] =	vst v63  }
0x35: {  	_ =	swait.ge [sflag:s17], $0x4000  }
0x36: {  	[sflag:s17] =	ssyncset.done $0x0  }
0x37: {  	[sflag:s17] =	ssyncadd.s32 $0xFFFFC000  }
0x38: {  	[bflag:$0x0] =	sbarrier.arrive $0xFFFF  }
0x39: {  	s10 =	rddreg [dreg:$0x9]  }
0x3a: {  	[tilespmem:s4], [sflag:$0x5] =	stream.linear.gather [hbm4b:s10+s4], $0x800, $0x38;
	[tilespmem:$0x1E000] =	vst v63  }
0x3b: {  	_ =	swait.ge [sflag:s17], $0x800  }
0x3c: {  	[sflag:s17] =	ssyncset.done $0x0  }
0x3d: {  	s1 =	simm.s32 $0x1000;
	s11 =	rddreg [dreg:$0xa];
	[sflag:s17] =	ssyncadd.s32 $0xFFFFF800  }
0x3e: {  	[tilespmem:s1], [sflag:$0x5] =	stream.linear.gather [hbm4b:s11+s4], $0x800, $0x38;
	[tilespmem:$0x1E000] =	vst v63  }
0x3f: {  	_ =	swait.ge [sflag:s17], $0x800  }
0x40: {  	[sflag:s17] =	ssyncset.done $0x0  }
0x41: {  	[sflag:s17] =	ssyncadd.s32 $0xFFFFF800  }
0x42: {  	[tilespmem:s16], [sflag:$0x1] =	stream.indirect.gather [hbm4b:s5+s19], $0x80, s4, s19, $0xb8;
	[tilespmem:$0x1E000] =	vst v63  }
0x43: {  	s0 =	simm.s32 $0x1  }
0x44: {  	[tilespmem:s20], [sflag:$0x2] =	stream.indirect.gather [hbm4b:s5+s19], $0x80, s19, s19, $0xb8;
	[tilespmem:$0x1E000] =	vst v63  }
0x45: {  	_ =	swait.ge [sflag:s0], $0x4000  }
0x46: {  	s8 =	sand.u32 $0xF, s0;
	[sflag:s0] =	ssyncset.done $0x0  }
0x47: {  	p0 =	sne.s32 s8, $0xF;
	[sflag:s0] =	ssyncadd.s32 $0xFFFFC000  }
0x48: {  	[spmem:s3] =	stream.indirect.scatter.add.f32 [tilespmem:s16], [sflag:$0x3], $0x80, s1, s19, $0xb8;
	[tilespmem:$0x1E000] =	vst v63  }
0x49: {  	s9 =	simm.s32 $0x0;
	s10 =	sand.u32 @!p0 $0x70, s0;
	s1 =	rddreg [dreg:$0x4]  }
0x4a: {  	s12 =	simm.s32 $0x400;
	s9 =	sand.u32 $0x1, s9;
	s1 =	sadd.s32 @!p0 s10, s1  }
0x4b: {  	s28 =	simm.s32 @!p0 $0x0;
	s23 =	sshll.u32 @!p0 s9, $0xB;
	s1 =	sshll.u32 @!p0 s1, $0x4  }
0x4c: {  	s29 =	simm.s32 @!p0 $0x5;
	s10 =	sxor.u32 @!p0 $0x800, s23;
	s26 =	sadd.s32 @!p0 s6, s1  }
0x4d: {  	[tilespmem:s10], [sflag:$0x5] =	stream.linear.gather @!p0 [hbm4b:s26+s28], $0x800, $0x38;
	[tilespmem:$0x1E000] =	vst v63  }
0x4e: {  	s30 =	simm.s32 $0x3;
	s13 =	sand.u32 $0x3E00, s12;
	_ =	swait.ge @!p0 [sflag:s29], $0x800  }
0x4f: {  	s12 =	sshrl.u32 s13, $0x2;
	s23 =	sxor.u32 @!p0 $0x1800, s23;
	[sflag:s29] =	ssyncset.done @!p0 $0x0  }
0x50: {  	s1 =	sadd.s32 @!p0 s2, s1;
	s26 =	simm.s32 $0x2;
	[sflag:s29] =	ssyncadd.s32 @!p0 $0xFFFFF800  }
0x51: {  	[tilespmem:s23], [sflag:$0x5] =	stream.linear.gather @!p0 [hbm4b:s1+s28], $0x800, $0x38;
	[tilespmem:$0x1E000] =	vst v63  }
0x52: {  	s10 =	sshll.u32 s8, $0x7;
	s23 =	sand.u32 $0x1, s0;
	_ =	swait.ge @!p0 [sflag:s29], $0x800  }
0x53: {  	s28 =	simm.s32 $0x600;
	s11 =	sxor.u32 $0x1, s23;
	[sflag:s29] =	ssyncset.done @!p0 $0x0  }
0x54: {  	s0 =	sshll.u32 s9, $0xB;
	s18 =	sadd.s32 $0x3, s11;
	[sflag:s29] =	ssyncadd.s32 @!p0 $0xFFFFF800  }
0x55: {  	s13 =	sshll.u32 s23, $0xE;
	s1 =	sadd.s32 $0x3, s23;
	_ =	swait.ge [sflag:s18], $0x4000  }
0x56: {  	s23 =	sadd.s32 $0x1, s23;
	s29 =	sshll.u32 s11, $0xE;
	[sflag:s18] =	ssyncset.done $0x0  }
0x57: {  	s11 =	sadd.s32 $0x1, s11;
	[sflag:s18] =	ssyncadd.s32 $0xFFFFC000;
	s18 =	sor.u32 $0x2000, s29  }
0x58: {  	[tilespmem:s18], [sflag:s11] =	stream.indirect.gather [hbm4b:s5+s19], $0x80, s12, s19, $0xb8;
	[tilespmem:$0x1E000] =	vst v63  }
0x59: {  	s9 =	simm.s32 $0x0;
	s31 =	sor.u32 $0x2000, s13;
	_ =	swait.ge [sflag:s23], $0x4000  }
0x5a: {  	s29 =	sand.u32 $0xF, s26;
	s8 =	rddreg [dreg:$0x4];
	[sflag:s23] =	ssyncset.done $0x0  }
.LBB2_4:
0x5b: {  	s9 =	sand.u32 $0x1, s9;
	p0 =	sne.s32 s29, $0xF  }
0x5c: {  	s0 =	sor.u32 s10, s0;
	s10 =	smov.u32 s26;
	s26 =	smov.u32 s30  }
0x5d: {  	s11 =	smov.u32 s28;
	[sflag:s23] =	ssyncadd.s32 $0xFFFFC000;
	s13 =	sand.u32 @!p0 $0x70, s10  }
0x5e: {  	s12 =	sshll.u32 @!p0 s9, $0xB;
	s0 =	sor.u32 $0x1000, s0;
	s8 =	sadd.s32 @!p0 s13, s8  }
0x5f: {  	[spmem:s3] =	stream.indirect.scatter.add.f32 [tilespmem:s31], [sflag:s1], $0x80, s0, s19, $0xb8;
	[tilespmem:$0x1E000] =	vst v63  }
0x60: {  	s30 =	sadd.s32 $0x1, s30;
	s18 =	sxor.u32 @!p0 $0x800, s12;
	s8 =	sshll.u32 @!p0 s8, $0x4  }
0x61: {  	s1 =	simm.s32 @!p0 $0x0;
	s13 =	simm.s32 @!p0 $0x5;
	s0 =	sadd.s32 @!p0 s6, s8  }
0x62: {  	[tilespmem:s18], [sflag:$0x5] =	stream.linear.gather @!p0 [hbm4b:s0+s1], $0x800, $0x38;
	[tilespmem:$0x1E000] =	vst v63  }
0x63: {  	s28 =	sadd.s32 $0x200, s28;
	p1 =	sne.s32 s30, $0x4F;
	_ =	swait.ge @!p0 [sflag:s13], $0x800  }
0x64: {  	s11 =	sand.u32 $0x3E00, s11;
	s23 =	sand.u32 $0x1, s10;
	[sflag:s13] =	ssyncset.done @!p0 $0x0  }
0x65: {  	s12 =	sxor.u32 @!p0 $0x1800, s12;
	s8 =	sadd.s32 @!p0 s2, s8;
	[sflag:s13] =	ssyncadd.s32 @!p0 $0xFFFFF800  }
0x66: {  	[tilespmem:s12], [sflag:$0x5] =	stream.linear.gather @!p0 [hbm4b:s8+s1], $0x800, $0x38;
	[tilespmem:$0x1E000] =	vst v63  }
0x67: {  	s10 =	sxor.u32 $0x1, s23;
	s0 =	sshll.u32 s9, $0xB;
	_ =	swait.ge @!p0 [sflag:s13], $0x800  }
0x68: {  	s9 =	sshrl.u32 s11, $0x2;
	s11 =	sshll.u32 s23, $0xE;
	[sflag:s13] =	ssyncset.done @!p0 $0x0  }
0x69: {  	s31 =	sor.u32 $0x2000, s11;
	s12 =	sadd.s32 $0x3, s10;
	[sflag:s13] =	ssyncadd.s32 @!p0 $0xFFFFF800  }
0x6a: {  	s1 =	sadd.s32 $0x3, s23;
	s23 =	sadd.s32 $0x1, s23;
	_ =	swait.ge [sflag:s12], $0x4000  }
.Ltmp1:
0x6b: {  	s13 =	sshll.u32 s10, $0xE;
	[sflag:s12] =	ssyncset.done $0x0;
	(pc) =	sbr.rel @p1 .LBB2_4-.Ltmp1, $4  }
0x6c: {  	s10 =	sadd.s32 $0x1, s10;
	s18 =	sor.u32 $0x2000, s13;
	[sflag:s12] =	ssyncadd.s32 $0xFFFFC000  }
0x6d: {  	[tilespmem:s18], [sflag:s10] =	stream.indirect.gather [hbm4b:s5+s19], $0x80, s9, s19, $0xb8;
	[tilespmem:$0x1E000] =	vst v63  }
0x6e: {  	s9 =	sshrl.u32 s26, $0x4;
	s10 =	sshll.u32 s29, $0x7;
	_ =	swait.ge [sflag:s23], $0x4000  }
0x6f: {  	s29 =	sand.u32 $0xF, s26;
	s8 =	rddreg [dreg:$0x4];
	[sflag:s23] =	ssyncset.done $0x0  }
0x70: {  	p0 =	sne.s32 s29, $0xF  }
0x71: {  	s0 =	sor.u32 s10, s0;
	s9 =	sand.u32 $0x1, s9;
	s10 =	sand.u32 @!p0 $0x70, s26  }
0x72: {  	[sflag:s23] =	ssyncadd.s32 $0xFFFFC000;
	s0 =	sor.u32 $0x1000, s0;
	s8 =	sadd.s32 @!p0 s10, s8  }
0x73: {  	[spmem:s3] =	stream.indirect.scatter.add.f32 [tilespmem:s31], [sflag:s1], $0x80, s0, s19, $0xb8;
	[tilespmem:$0x1E000] =	vst v63  }
0x74: {  	s10 =	sshll.u32 @!p0 s9, $0xB;
	s8 =	sshll.u32 @!p0 s8, $0x4  }
0x75: {  	s11 =	simm.s32 @!p0 $0x0;
	s0 =	sxor.u32 @!p0 $0x800, s10;
	s1 =	sadd.s32 @!p0 s6, s8  }
0x76: {  	[tilespmem:s0], [sflag:$0x5] =	stream.linear.gather @!p0 [hbm4b:s1+s11], $0x800, $0x38;
	[tilespmem:$0x1E000] =	vst v63  }
0x77: {  	s0 =	simm.s32 @!p0 $0x5  }
0x78: {  	_ =	swait.ge @!p0 [sflag:s0], $0x800  }
0x79: {  	[sflag:s0] =	ssyncset.done @!p0 $0x0  }
0x7a: {  	s8 =	sadd.s32 @!p0 s2, s8;
	s1 =	sxor.u32 @!p0 $0x1800, s10;
	[sflag:s0] =	ssyncadd.s32 @!p0 $0xFFFFF800  }
0x7b: {  	[tilespmem:s1], [sflag:$0x5] =	stream.linear.gather @!p0 [hbm4b:s8+s11], $0x800, $0x38;
	[tilespmem:$0x1E000] =	vst v63  }
0x7c: {  	s30 =	sand.u32 $0x1, s26;
	_ =	swait.ge @!p0 [sflag:s0], $0x800  }
0x7d: {  	s31 =	sxor.u32 $0x1, s30;
	[sflag:s0] =	ssyncset.done @!p0 $0x0  }
0x7e: {  	s12 =	sand.u32 $0x3E00, s28;
	s11 =	sadd.s32 $0x3, s31;
	[sflag:s0] =	ssyncadd.s32 @!p0 $0xFFFFF800  }
0x7f: {  	s18 =	sadd.s32 $0x1, s30;
	s23 =	sshll.u32 s9, $0xB;
	_ =	swait.ge [sflag:s11], $0x4000  }
0x80: {  	s13 =	sshll.u32 s31, $0xE;
	s10 =	sshrl.u32 s12, $0x2;
	[sflag:s11] =	ssyncset.done $0x0  }
0x81: {  	s8 =	sadd.s32 $0x1, s31;
	s0 =	sor.u32 $0x2000, s13;
	[sflag:s11] =	ssyncadd.s32 $0xFFFFC000  }
0x82: {  	[tilespmem:s0], [sflag:s8] =	stream.indirect.gather [hbm4b:s5+s19], $0x80, s10, s19, $0xb8;
	[tilespmem:$0x1E000] =	vst v63  }
0x83: {  	s26 =	sshll.u32 s29, $0x7;
	s28 =	sshll.u32 s30, $0xE;
	_ =	swait.ge [sflag:s18], $0x4000  }
0x84: {  	s1 =	sadd.s32 $0x3, s30;
	s8 =	sor.u32 s26, s23;
	[sflag:s18] =	ssyncset.done $0x0  }
0x85: {  	s0 =	sor.u32 $0x2000, s28;
	s8 =	sor.u32 $0x1000, s8;
	[sflag:s18] =	ssyncadd.s32 $0xFFFFC000  }
0x86: {  	[spmem:s3] =	stream.indirect.scatter.add.f32 [tilespmem:s0], [sflag:s1], $0x80, s8, s19, $0xb8;
	[tilespmem:$0x1E000] =	vst v63  }
0x87: {  	_ =	swait.ge [sflag:s21], $0x4000  }
0x88: {  	[sflag:s21] =	ssyncset.done $0x0  }
0x89: {  	[sflag:s21] =	ssyncadd.s32 $0xFFFFC000  }
0x8a: {  	_ =	swait.ge [sflag:s22], $0x4000  }
0x8b: {  	[sflag:s22] =	ssyncset.done $0x0  }
0x8c: {  	s29 =	simm.s32 $0x1780;
	[sflag:s22] =	ssyncadd.s32 $0xFFFFC000  }
0x8d: {  	[spmem:s3] =	stream.indirect.scatter.add.f32 [tilespmem:s20], [sflag:$0x4], $0x80, s29, s19, $0xb8;
	[tilespmem:$0x1E000] =	vst v63  }
0x8e: {  	s25 =	sadd.s32 $0x1, s25;
	_ =	swait.ge [sflag:s24], $0x4000  }
0x8f: {  	s30 =	stileid.u32;
	s31 =	sshrl.u32 s7, $0x3;
	[sflag:s24] =	ssyncset.done $0x0  }
0x90: {  	p0 =	sne.s32 s25, s15;
	s0 =	sshll.u32 s30, $0x6;
	[sflag:s24] =	ssyncadd.s32 $0xFFFFC000  }
.Ltmp2:
0x91: {  	s0 =	sor.u32 $0x1C05, s0;
	[bflag:$0x0] =	sbarrier.arrive $0xFFFF;
	(pc) =	sbr.rel @p0 .LBB2_1-.Ltmp2, $4  }
0x92: {  	[hbm:s14], [sflag:s0] =	dma.local [spmem:s31], $0x2800  }
0x93: {  	_ =	swait.ge [sflag:s17], $0x2800  }
0x94: {  	[sflag:s17] =	ssyncset.done $0x0  }
0x95: {  	[sflag:s17] =	ssyncadd.s32 $0xFFFFD800  }
0x96: {  	_ =	sfence.sel $0x180000  }
0x97: {  	[bflag:$0x0] =	sbarrier.arrive $0xFFFF  }
0x98: {  	_ =	strace $0x9000004A  }
0x99: {  	s0 =	stileid.u32;
	[bflag:$0x2] =	sbarrier.arrive $0xFFFF  }
0x9a: {  	p0 =	sne.s32 s0, $0x0;
	s0 =	rddreg [dreg:$0x3]  }
0x9b: {  	s0 =	sadd.s32 @!p0 $0x100000, s0  }
0x9c: {  	[sflag:s0] =	ssyncadd.tile.s32 @!p0 $0x1;
	_ =	shalt  }
.Lfunc_end2:
_tile_overlayer_lowered:
.L_overlay_start_2:
0x9d: {  	(tag) =	ssettag $0x2  }
0x9e: {  	s0 =	rddreg [dreg:$0x0];
	s2 =	stileid.u32  }
0x9f: {  	s1 =	rddreg [dreg:$0x1];
	p0 =	sne.s32 s2, $0x0  }
0xa0: {  	s3 =	rddreg [dreg:$0x2];
	[bflag:$0x3] =	sbarrier.arrive $0xFFFF;
	s2 =	simm.s32 @!p0 $0x1C05  }
0xa1: {  	[timem:s3], [sflag:s2] =	dma.local @!p0 [hbm:s0], s1  }
0xa2: {  	s0 =	simm.s32 @!p0 $0x5  }
0xa3: {  	_ =	swait.ge @!p0 [sflag:s0], s1  }
0xa4: {  	s1 =	ssub.s32 @!p0 $0x0, s1;
	[sflag:s0] =	ssyncset.done @!p0 $0x0  }
0xa5: {  	[sflag:s0] =	ssyncadd.s32 @!p0 s1  }
0xa6: {  	[bflag:$0x3] =	sbarrier.arrive $0xFFFF  }
0xa7: {  	_ =	shalt  }

// kernel: kernel.15.cloned.1.call-start
scs
__scs_entry_jumppad:
0x0: {  	(pc) =	sbr.rel $0x88, $3  }
0x1: {  	(tag) =	ssettag $0x0;
	lr =	simm.s32 $0x1  }
0x2: {  	[smem:$0x3F99] =	sst lr;
	_ =	strace $0xD0000000  }
0x3: {  	_ = 	snop  }
0x4: {  	_ = 	snop  }
0x5: {  	_ = 	snop  }
0x6: {  	_ = 	snop  }
0x7: {  	_ = 	snop  }
__scs_overlays_trampoline_lowered:
0x8: {  	[smem:$0x3FA8] =	sst s0  }
0x9: {  	[smem:$0x3FA9] =	sst s1  }
0xa: {  	[smem:$0x3FAA] =	sst s2  }
0xb: {  	[smem:$0x3FAB] =	sst s3  }
0xc: {  	[smem:$0x3FAC] =	sst s4  }
0xd: {  	[smem:$0x3FAD] =	sst s5  }
0xe: {  	[smem:$0x3FAE] =	sst s6  }
0xf: {  	[smem:$0x3FAF] =	sst s7  }
0x10: {  	[smem:$0x3FB0] =	sst s8  }
0x11: {  	[smem:$0x3FB1] =	sst s9;
	s0 =	simm.s32 @!p0 $0x0  }
0x12: {  	s1 =	sld [smem:$0x3F97];
	s0 =	simm.s32 @p0 $0x1  }
0x13: {  	[smem:$0x3FB2] =	sst s0;
	s0 =	simm.s32 @!p1 $0x0  }
0x14: {  	s2 =	sld [smem:$0x3F96];
	s0 =	simm.s32 @p1 $0x1  }
0x15: {  	[smem:$0x3FB3] =	sst s0;
	s0 =	simm.s32 @!p2 $0x0  }
0x16: {  	s3 =	sld [smem:$0x3FDB];
	s0 =	simm.s32 @p2 $0x1  }
0x17: {  	s4 =	simm.s32 $0x1BF5;
	[smem:$0x3FB5] =	sst s0  }
0x18: {  	s0 =	sld [smem:$0x3F98];
	_ =	swait.ge [sflag:s4], $0x0  }
0x19: {  	s7 =	sld [smem:$0x3F99]  }
0x1a: {  	s8 =	sadd.s32 $0xFFFFE003, lr  }
0x1b: {  	s9 =	sadd.s32 $0xFFFFFEF7, lr;
	s5 =	simm.s32 $0xFFFFFFFF;
	p2 =	slt.u32 s8, $0xFFFFF086  }
0x1c: {  	p1 =	slt.u32 s9, $0xF7A;
	s5 =	simm.s32 @!p2 $0x0  }
0x1d: {  	s5 =	simm.s32 @p1 $0x1;
	p0 =	seq.s32 s7, s2  }
0x1e: {  	s7 =	smul.u32 @!p0 $0xF7A, s2;
	p2 =	seq.s32 @!p0 s5, $0x0  }
0x1f: {  	s9 =	smul.u32 $0xF7A, s1;
	s8 =	simm.s32 @!p0 $0x1BF5;
	p2 =	por !p2, p0  }
0x20: {  	[sflag:s8] =	ssyncset.s32 @!p0 $0xFFFFF086;
	s6 =	sadd.s32 @!p0 s3, s7;
	s7 =	simm.s32 @!p0 $0x108  }
0x21: {  	s3 =	sadd.s32 s3, s9;
	s6 =	sadd.s32 @!p0 $0x88, s6;
	s7 =	simm.s32 @p2 $0x1082  }
0x22: {  	[simem:s7], [sflag:s8] =	dma.local @!p0 [hbm:s6], $0xF7A  }
0x23: {  	s9 =	sor.u32 $0xD0000000, s2;
	s6 =	simm.s32 $0x108;
	_ =	swait.ge @!p0 [sflag:s8], $0x0  }
0x24: {  	s3 =	sadd.s32 $0x88, s3;
	s6 =	simm.s32 @!p1 $0x1082;
	[sflag:s4] =	ssyncset.s32 $0xFFFFF086  }
0x25: {  	[simem:s6], [sflag:s4] =	dma.local [hbm:s3], $0xF7A  }
0x26: {  	[smem:$0x3F99] =	sst s1;
	(tag) =	ssettag s2;
	_ =	strace s9  }
0x27: {  	s1 =	sld [smem:$0x3FA9]  }
0x28: {  	s2 =	sld [smem:$0x3FAA]  }
0x29: {  	s4 =	sld [smem:$0x3FAC]  }
0x2a: {  	p0 =	seq.s32 s5, $0x0;
	s5 =	sld [smem:$0x3FAD]  }
0x2b: {  	s6 =	sld [smem:$0x3FAE]  }
0x2c: {  	s7 =	sld [smem:$0x3FAF]  }
0x2d: {  	s3 =	simm.s32 $0x108;
	s8 =	sld [smem:$0x3FB0]  }
0x2e: {  	s3 =	simm.s32 @!p0 $0x1082;
	s9 =	sld [smem:$0x3FB1]  }
0x2f: {  	lr =	sadd.s32 s0, s3;
	s0 =	sld [smem:$0x3FA8]  }
0x30: {  	s3 =	sld [smem:$0x3FAB]  }
0x31: {  	[smem:$0x3FB4] =	sst s10  }
0x32: {  	s10 =	sld [smem:$0x3FB2];
	_ =	sdelay $0x3  }
0x33: {  	p0 =	seq.s32 s10, $0x1;
	s10 =	sld [smem:$0x3FB4];
	_ =	sdelay $0x3  }
0x34: {  	[smem:$0x3FB4] =	sst s10  }
0x35: {  	s10 =	sld [smem:$0x3FB3];
	_ =	sdelay $0x3  }
0x36: {  	p1 =	seq.s32 s10, $0x1;
	s10 =	sld [smem:$0x3FB4];
	_ =	sdelay $0x3  }
0x37: {  	[smem:$0x3FB4] =	sst s10  }
0x38: {  	s10 =	sld [smem:$0x3FB5]  }
0x39: {  	_ = 	snop;
	(pc) =	sbr.ind lr, $3  }
0x3a: {  	_ = 	snop  }
0x3b: {  	_ = 	snop  }
0x3c: {  	p2 =	seq.s32 s10, $0x1;
	s10 =	sld [smem:$0x3FB4]  }
0x3d: {  	_ =	shalt  }
0x3e: {  	_ =	shalt  }
0x3f: {  	_ =	shalt  }
0x40: {  	_ =	shalt  }
0x41: {  	_ =	shalt  }
0x42: {  	_ =	shalt  }
0x43: {  	_ =	shalt  }
0x44: {  	_ =	shalt  }
0x45: {  	_ =	shalt  }
0x46: {  	_ =	shalt  }
0x47: {  	_ =	shalt  }
0x48: {  	_ =	shalt  }
0x49: {  	_ =	shalt  }
0x4a: {  	_ =	shalt  }
0x4b: {  	_ =	shalt  }
0x4c: {  	_ =	shalt  }
0x4d: {  	_ =	shalt  }
0x4e: {  	_ =	shalt  }
0x4f: {  	_ =	shalt  }
0x50: {  	_ =	shalt  }
0x51: {  	_ =	shalt  }
0x52: {  	_ =	shalt  }
0x53: {  	_ =	shalt  }
0x54: {  	_ =	shalt  }
0x55: {  	_ =	shalt  }
0x56: {  	_ =	shalt  }
0x57: {  	_ =	shalt  }
0x58: {  	_ =	shalt  }
0x59: {  	_ =	shalt  }
0x5a: {  	_ =	shalt  }
0x5b: {  	_ =	shalt  }
0x5c: {  	_ =	shalt  }
0x5d: {  	_ =	shalt  }
0x5e: {  	_ =	shalt  }
0x5f: {  	_ =	shalt  }
0x60: {  	_ =	shalt  }
0x61: {  	_ =	shalt  }
0x62: {  	_ =	shalt  }
0x63: {  	_ =	shalt  }
0x64: {  	_ =	shalt  }
0x65: {  	_ =	shalt  }
0x66: {  	_ =	shalt  }
0x67: {  	_ =	shalt  }
0x68: {  	_ =	shalt  }
0x69: {  	_ =	shalt  }
0x6a: {  	_ =	shalt  }
0x6b: {  	_ =	shalt  }
0x6c: {  	_ =	shalt  }
0x6d: {  	_ =	shalt  }
0x6e: {  	_ =	shalt  }
0x6f: {  	_ =	shalt  }
0x70: {  	_ =	shalt  }
0x71: {  	_ =	shalt  }
0x72: {  	_ =	shalt  }
0x73: {  	_ =	shalt  }
0x74: {  	_ =	shalt  }
0x75: {  	_ =	shalt  }
0x76: {  	_ =	shalt  }
0x77: {  	_ =	shalt  }
0x78: {  	_ =	shalt  }
0x79: {  	_ =	shalt  }
0x7a: {  	_ =	shalt  }
0x7b: {  	_ =	shalt  }
0x7c: {  	_ =	shalt  }
0x7d: {  	_ =	shalt  }
0x7e: {  	_ =	shalt  }
0x7f: {  	_ =	shalt  }
0x80: {  	_ =	shalt  }
0x81: {  	_ =	shalt  }
0x82: {  	_ =	shalt  }
0x83: {  	_ =	shalt  }
0x84: {  	_ =	shalt  }
0x85: {  	_ =	shalt  }
0x86: {  	_ =	shalt  }
0x87: {  	_ =	shalt  }
.Lfunc_end0:
.L_simem_size_0:
called_computation.2_lowered:
.L_overlay_start_0:
0x88: {  	s2 =	sld [smem:$0x3FD9]  }
0x89: {  	s3 =	sld [smem:$0x3FFE];
	_ =	sdelay $0x1  }
0x8a: {  	s1 =	srdreg.scid  }
0x8b: {  	s0 =	sand.u32 $0x1, s1  }
0x8c: {  	s17 =	sshll.u32 s0, $0xA;
	s2 =	sadd.s32 s3, s2  }
0x8d: {  	s2 =	sadd.s32 s2, s17  }
0x8e: {  	[smem:$0x3FC0] =	sst s2  }
0x8f: {  	_ = 	snop  }
0x90: {  	s2 =	sld [smem:$0x3FD0];
	(tm) =	ssettm $0x1  }
0x91: {  	s18 =	sld [smem:$0x3FFB];
	_ =	sdelay $0x3  }
0x92: {  	_ =	strace s18  }
0x93: {  	s3 =	sld [smem:$0x3FFC];
	_ =	sdelay $0x3  }
0x94: {  	_ =	strace s3  }
0x95: {  	s3 =	sld [smem:$0x3FFD];
	_ =	sdelay $0x3  }
0x96: {  	_ =	strace s3  }
0x97: {  	_ =	strace $0x8FFFFFFF  }
0x98: {  	s19 =	sld [smem:$0x3FDB];
	_ =	sdelay $0x1  }
0x99: {  	s4 =	simm.s32 $_scs_section_size  }
0x9a: {  	s5 =	simm.s32 $_size__tile_overlayer_lowered;
	s6 =	simm.s32 $_tile_overlayer_lowered  }
0x9b: {  	s22 =	simm.s32 $0x1BFF;
	s21 =	sshll.u32 s6, $0x1;
	s3 =	sadd.s32 s4, s19  }
0x9c: {  	s7 =	simm.s32 $0x0;
	s20 =	sshll.u32 s5, $0x1;
	s5 =	sadd.s32 s21, s3  }
0x9d: {  	[timem:s7], [sflag:s22] =	dma.local [hbm:s5], s20  }
0x9e: {  	_ =	swait.ge [sflag:s22], s20  }
0x9f: {  	s4 =	ssub.s32 $0x0, s20;
	[sflag:s22] =	ssyncset.done $0x0  }
0xa0: {  	[sflag:s22] =	ssyncadd.s32 s4;
	_ =	sdelay $0x1  }
0xa1: {  	s23 =	simm.s32 $0x1B8B  }
0xa2: {  	_ =	swait.ge [sflag:s23], $0x1  }
0xa3: {  	[sflag:s23] =	ssyncset.done $0x0  }
0xa4: {  	s25 =	simm.s32 $0x1B8E;
	s24 =	sld [smem:$0x3FFE];
	[sflag:s23] =	ssyncadd.s32 $0xFFFFFFFF  }
0xa5: {  	s26 =	simm.s32 $execute0_lowered;
	[smem:$0x3FD2] =	sst s25  }
0xa6: {  	s5 =	sshll.u32 s26, $0x1;
	_ =	strace $0x8000004C;
	[dreg:$0x1] =	wrdreg $0xFFFFFFFF  }
0xa7: {  	s28 =	simm.s32 $_size_execute0_lowered;
	s3 =	sadd.s32 s3, s5;
	[dreg:$0x0] =	wrdreg $0x0  }
0xa8: {  	s5 =	sshll.u32 s28, $0x1;
	[dreg:$0x2] =	wrdreg s3  }
0xa9: {  	[dreg:$0x3] =	wrdreg s5  }
0xaa: {  	[dreg:$0x4] =	wrdreg $0xC0  }
0xab: {  	_ =	task [dreg:s7], $0x5FFFF  }
0xac: {  	[dreg:$0x1] =	wrdreg $0xFFFFFFFF  }
0xad: {  	[dreg:$0x0] =	wrdreg $0x60  }
0xae: {  	[dreg:$0x2] =	wrdreg s24  }
0xaf: {  	[dreg:$0x3] =	wrdreg s2  }
0xb0: {  	[dreg:$0x4] =	wrdreg $0xA0000  }
0xb1: {  	[dreg:$0x5] =	wrdreg $0x9  }
0xb2: {  	_ =	task.clear_ibuf [dreg:s7], $0x6FFFF;
	_ =	strace $0x9000004C  }
0xb3: {  	s29 =	simm.s32 $0x9;
	_ =	strace $0x8000004E  }
0xb4: {  	_ =	swait.ge [sflag:s29], $0x1  }
0xb5: {  	[sflag:s29] =	ssyncadd.s32 $0xFFFFFFFF  }
0xb6: {  	_ =	strace $0x9000004E  }
0xb7: {  	_ =	sfence  }
0xb8: {  	s30 =	sld [smem:$0x0];
	_ =	sdelay $0x2  }
0xb9: {  	s31 =	sshll.u32 s1, $0xD;
	s1 =	sshrl.u32 s1, $0x2  }
0xba: {  	s3 =	sand.u32 $0x4000, s31;
	s1 =	sadd.s32 s1, s30  }
0xbb: {  	s0 =	sor.u32 s3, s0;
	s1 =	sshll.u32 s1, $0x11  }
0xbc: {  	s0 =	sor.u32 s1, s0  }
0xbd: {  	s0 =	sadd.s32 $0x8F2B, s0  }
0xbe: {  	[sflag:s0] =	ssyncadd.remote.s32 $0x1  }
0xbf: {  	_ =	sfence.sel $0xFFFF  }
0xc0: {  	[dreg:$0x0] =	wrdreg $0xFFFFFFFF;
	(pc) =	sbr.abs _section_cstart, $3  }
0xc1: {  	[dreg:$0x1] =	wrdreg $0xFFFFFFFF  }
0xc2: {  	_ =	task.clear_ibuf [dreg:s7], $0x2FFFF;
	_ =	strace $0x9FFFFFFF  }
0xc3: {  	(tm) =	ssettm $0x7FFFFFFF  }
tec
execute0_lowered:
.L_overlay_start_1:
0x0: {  	(tag) =	ssettag $0x1  }
0x1: {  	s0 =	rddreg [dreg:$0x0]  }
0x2: {  	s2 =	rddreg [dreg:$0x1];
	s1 =	srdreg.scid  }
0x3: {  	s3 =	rddreg [dreg:$0x2];
	s9 =	stileid.u32  }
0x4: {  	s4 =	simm.s32 $0x0;
	s16 =	simm.s32 $0x2000;
	s17 =	simm.s32 $0x5  }
0x5: {  	s19 =	simm.s32 $0x80;
	s20 =	simm.s32 $0x6000;
	s7 =	smul.u32 $0x14000, s9  }
0x6: {  	s1 =	sand.u32 $0x1, s1;
	s8 =	smul.u32 $0x50000, s9;
	s9 =	sshll.u32 s9, $0x1  }
0x7: {  	s6 =	smul.u32 $0x140000, s1;
	s23 =	ssub.s32 $0x2, s1;
	s1 =	sor.u32 s1, s9  }
0x8: {  	s21 =	simm.s32 $0x3;
	s22 =	simm.s32 $0x2;
	s25 =	smul.u32 $0x50, s1  }
0x9: {  	[smem:$0x7FF] =	sst s4;
	s5 =	sadd.s32 $0x2400, s0;
	s1 =	smul.u32 $0x500, s1  }
0xa: {  	_ =	strace $0x8000004D;
	s7 =	sadd.s32 s7, s6;
	s6 =	sadd.s32 $0x2A400, s0  }
0xb: {  	s8 =	sshrl.u32 s8, $0x2;
	s7 =	sshrl.u32 s7, $0x3;
	s31 =	sadd.s32 s6, s1  }
0xc: {  	s30 =	sadd.s32 $0x10, s25;
	s1 =	sadd.s32 s2, s1;
	[dreg:$0x9] =	wrdreg s31  }
0xd: {  	s0 =	sadd.s32 s7, s0;
	s7 =	sadd.s32 s8, s3;
	[dreg:$0xa] =	wrdreg s1  }
0xe: {  	s10 =	sshrl.u32 s23, $0x1;
	[dreg:$0x4] =	wrdreg s30;
	s8 =	sadd.s32 $0x4000, s7  }
0xf: {  	s24 =	ssub.s32 s23, s10;
	s26 =	sadd.s32 $0x8000, s7;
	[dreg:$0x5] =	wrdreg s8  }
0x10: {  	s15 =	smax.u32 s24, $0x1;
	s28 =	sadd.s32 $0xC000, s7;
	[dreg:$0x6] =	wrdreg s26  }
0x11: {  	s24 =	simm.s32 $0x4;
	s29 =	sadd.s32 $0x10000, s7;
	[dreg:$0x7] =	wrdreg s28  }
0x12: {  	v0 =	vimm.f32 $0.0e+00;
	s25 =	simm.s32 $0x0;
	s14 =	sadd.s32 $0x34400, s0;
	[dreg:$0x8] =	wrdreg s29  }
.LBB2_1:
0x13: {  	s0 =	simm.s32 $0x0;
	s1 =	simm.s32 $0x200  }
.LBB2_2:
0x14: {  	p0 =	sne.s32 s1, $0xFE00;
	[tilespmem:s0+$0x2070] =	vst v0  }
0x15: {  	[tilespmem:s0+$0x2000] =	vst v0  }
0x16: {  	[tilespmem:s0+$0x2010] =	vst v0  }
.Ltmp0:
0x17: {  	[tilespmem:s0+$0x2020] =	vst v0;
	(pc) =	sbr.rel @p0 .LBB2_2-.Ltmp0, $4  }
0x18: {  	[tilespmem:s0+$0x2030] =	vst v0  }
0x19: {  	[tilespmem:s0+$0x2040] =	vst v0  }
0x1a: {  	[tilespmem:s0+$0x2050] =	vst v0  }
0x1b: {  	[tilespmem:s0+$0x2060] =	vst v0;
	s0 =	sshra.s32 s1, $0x2;
	s1 =	sadd.s32 $0x200, s1  }
0x1c: {  	[tilespmem:s0+$0x2070] =	vst v0  }
0x1d: {  	[tilespmem:s0+$0x2000] =	vst v0  }
0x1e: {  	[tilespmem:s0+$0x2010] =	vst v0  }
0x1f: {  	[tilespmem:s0+$0x2020] =	vst v0  }
0x20: {  	[tilespmem:s0+$0x2030] =	vst v0  }
0x21: {  	[tilespmem:s0+$0x2040] =	vst v0  }
0x22: {  	[tilespmem:s0+$0x2050] =	vst v0  }
0x23: {  	[tilespmem:s0+$0x2060] =	vst v0  }
0x24: {  	[spmem:s7] =	stream.linear.scatter [tilespmem:s16], [sflag:$0x5], $0x4000, $0x38;
	[tilespmem:$0x1E000] =	vst v63  }
0x25: {  	_ =	swait.ge [sflag:s17], $0x4000  }
0x26: {  	[sflag:s17] =	ssyncset.done $0x0  }
0x27: {  	s26 =	rddreg [dreg:$0x5];
	[sflag:s17] =	ssyncadd.s32 $0xFFFFC000  }
0x28: {  	[spmem:s26] =	stream.linear.scatter [tilespmem:s16], [sflag:$0x5], $0x4000, $0x38;
	[tilespmem:$0x1E000] =	vst v63  }
0x29: {  	_ =	swait.ge [sflag:s17], $0x4000  }
0x2a: {  	[sflag:s17] =	ssyncset.done $0x0  }
0x2b: {  	s1 =	rddreg [dreg:$0x6];
	[sflag:s17] =	ssyncadd.s32 $0xFFFFC000  }
0x2c: {  	[spmem:s1] =	stream.linear.scatter [tilespmem:s16], [sflag:$0x5], $0x4000, $0x38;
	[tilespmem:$0x1E000] =	vst v63  }
0x2d: {  	_ =	swait.ge [sflag:s17], $0x4000  }
0x2e: {  	[sflag:s17] =	ssyncset.done $0x0  }
0x2f: {  	s8 =	rddreg [dreg:$0x7];
	[sflag:s17] =	ssyncadd.s32 $0xFFFFC000  }
0x30: {  	[spmem:s8] =	stream.linear.scatter [tilespmem:s16], [sflag:$0x5], $0x4000, $0x38;
	[tilespmem:$0x1E000] =	vst v63  }
0x31: {  	_ =	swait.ge [sflag:s17], $0x4000  }
0x32: {  	[sflag:s17] =	ssyncset.done $0x0  }
0x33: {  	s9 =	rddreg [dreg:$0x8];
	[sflag:s17] =	ssyncadd.s32 $0xFFFFC000  }
0x34: {  	[spmem:s9] =	stream.linear.scatter [tilespmem:s16], [sflag:$0x5], $0x4000, $0x38;
	[tilespmem:$0x1E000] =	vst v63  }
0x35: {  	_ =	swait.ge [sflag:s17], $0x4000  }
0x36: {  	[sflag:s17] =	ssyncset.done $0x0  }
0x37: {  	[sflag:s17] =	ssyncadd.s32 $0xFFFFC000  }
0x38: {  	[bflag:$0x0] =	sbarrier.arrive $0xFFFF  }
0x39: {  	s10 =	rddreg [dreg:$0x9]  }
0x3a: {  	[tilespmem:s4], [sflag:$0x5] =	stream.linear.gather [hbm4b:s10+s4], $0x800, $0x38;
	[tilespmem:$0x1E000] =	vst v63  }
0x3b: {  	_ =	swait.ge [sflag:s17], $0x800  }
0x3c: {  	[sflag:s17] =	ssyncset.done $0x0  }
0x3d: {  	s1 =	simm.s32 $0x1000;
	s11 =	rddreg [dreg:$0xa];
	[sflag:s17] =	ssyncadd.s32 $0xFFFFF800  }
0x3e: {  	[tilespmem:s1], [sflag:$0x5] =	stream.linear.gather [hbm4b:s11+s4], $0x800, $0x38;
	[tilespmem:$0x1E000] =	vst v63  }
0x3f: {  	_ =	swait.ge [sflag:s17], $0x800  }
0x40: {  	[sflag:s17] =	ssyncset.done $0x0  }
0x41: {  	[sflag:s17] =	ssyncadd.s32 $0xFFFFF800  }
0x42: {  	[tilespmem:s16], [sflag:$0x1] =	stream.indirect.gather [hbm4b:s5+s19], $0x80, s4, s19, $0xb8;
	[tilespmem:$0x1E000] =	vst v63  }
0x43: {  	s0 =	simm.s32 $0x1  }
0x44: {  	[tilespmem:s20], [sflag:$0x2] =	stream.indirect.gather [hbm4b:s5+s19], $0x80, s19, s19, $0xb8;
	[tilespmem:$0x1E000] =	vst v63  }
0x45: {  	_ =	swait.ge [sflag:s0], $0x4000  }
0x46: {  	s8 =	sand.u32 $0xF, s0;
	[sflag:s0] =	ssyncset.done $0x0  }
0x47: {  	p0 =	sne.s32 s8, $0xF;
	[sflag:s0] =	ssyncadd.s32 $0xFFFFC000  }
0x48: {  	[spmem:s3] =	stream.indirect.scatter.add.f32 [tilespmem:s16], [sflag:$0x3], $0x80, s1, s19, $0xb8;
	[tilespmem:$0x1E000] =	vst v63  }
0x49: {  	s9 =	simm.s32 $0x0;
	s10 =	sand.u32 @!p0 $0x70, s0;
	s1 =	rddreg [dreg:$0x4]  }
0x4a: {  	s12 =	simm.s32 $0x400;
	s9 =	sand.u32 $0x1, s9;
	s1 =	sadd.s32 @!p0 s10, s1  }
0x4b: {  	s28 =	simm.s32 @!p0 $0x0;
	s23 =	sshll.u32 @!p0 s9, $0xB;
	s1 =	sshll.u32 @!p0 s1, $0x4  }
0x4c: {  	s29 =	simm.s32 @!p0 $0x5;
	s10 =	sxor.u32 @!p0 $0x800, s23;
	s26 =	sadd.s32 @!p0 s6, s1  }
0x4d: {  	[tilespmem:s10], [sflag:$0x5] =	stream.linear.gather @!p0 [hbm4b:s26+s28], $0x800, $0x38;
	[tilespmem:$0x1E000] =	vst v63  }
0x4e: {  	s30 =	simm.s32 $0x3;
	s13 =	sand.u32 $0x3E00, s12;
	_ =	swait.ge @!p0 [sflag:s29], $0x800  }
0x4f: {  	s12 =	sshrl.u32 s13, $0x2;
	s23 =	sxor.u32 @!p0 $0x1800, s23;
	[sflag:s29] =	ssyncset.done @!p0 $0x0  }
0x50: {  	s1 =	sadd.s32 @!p0 s2, s1;
	s26 =	simm.s32 $0x2;
	[sflag:s29] =	ssyncadd.s32 @!p0 $0xFFFFF800  }
0x51: {  	[tilespmem:s23], [sflag:$0x5] =	stream.linear.gather @!p0 [hbm4b:s1+s28], $0x800, $0x38;
	[tilespmem:$0x1E000] =	vst v63  }
0x52: {  	s10 =	sshll.u32 s8, $0x7;
	s23 =	sand.u32 $0x1, s0;
	_ =	swait.ge @!p0 [sflag:s29], $0x800  }
0x53: {  	s28 =	simm.s32 $0x600;
	s11 =	sxor.u32 $0x1, s23;
	[sflag:s29] =	ssyncset.done @!p0 $0x0  }
0x54: {  	s0 =	sshll.u32 s9, $0xB;
	s18 =	sadd.s32 $0x3, s11;
	[sflag:s29] =	ssyncadd.s32 @!p0 $0xFFFFF800  }
0x55: {  	s13 =	sshll.u32 s23, $0xE;
	s1 =	sadd.s32 $0x3, s23;
	_ =	swait.ge [sflag:s18], $0x4000  }
0x56: {  	s23 =	sadd.s32 $0x1, s23;
	s29 =	sshll.u32 s11, $0xE;
	[sflag:s18] =	ssyncset.done $0x0  }
0x57: {  	s11 =	sadd.s32 $0x1, s11;
	[sflag:s18] =	ssyncadd.s32 $0xFFFFC000;
	s18 =	sor.u32 $0x2000, s29  }
0x58: {  	[tilespmem:s18], [sflag:s11] =	stream.indirect.gather [hbm4b:s5+s19], $0x80, s12, s19, $0xb8;
	[tilespmem:$0x1E000] =	vst v63  }
0x59: {  	s9 =	simm.s32 $0x0;
	s31 =	sor.u32 $0x2000, s13;
	_ =	swait.ge [sflag:s23], $0x4000  }
0x5a: {  	s29 =	sand.u32 $0xF, s26;
	s8 =	rddreg [dreg:$0x4];
	[sflag:s23] =	ssyncset.done $0x0  }
.LBB2_4:
0x5b: {  	s9 =	sand.u32 $0x1, s9;
	p0 =	sne.s32 s29, $0xF  }
0x5c: {  	s0 =	sor.u32 s10, s0;
	s10 =	smov.u32 s26;
	s26 =	smov.u32 s30  }
0x5d: {  	s11 =	smov.u32 s28;
	[sflag:s23] =	ssyncadd.s32 $0xFFFFC000;
	s13 =	sand.u32 @!p0 $0x70, s10  }
0x5e: {  	s12 =	sshll.u32 @!p0 s9, $0xB;
	s0 =	sor.u32 $0x1000, s0;
	s8 =	sadd.s32 @!p0 s13, s8  }
0x5f: {  	[spmem:s3] =	stream.indirect.scatter.add.f32 [tilespmem:s31], [sflag:s1], $0x80, s0, s19, $0xb8;
	[tilespmem:$0x1E000] =	vst v63  }
0x60: {  	s30 =	sadd.s32 $0x1, s30;
	s18 =	sxor.u32 @!p0 $0x800, s12;
	s8 =	sshll.u32 @!p0 s8, $0x4  }
0x61: {  	s1 =	simm.s32 @!p0 $0x0;
	s13 =	simm.s32 @!p0 $0x5;
	s0 =	sadd.s32 @!p0 s6, s8  }
0x62: {  	[tilespmem:s18], [sflag:$0x5] =	stream.linear.gather @!p0 [hbm4b:s0+s1], $0x800, $0x38;
	[tilespmem:$0x1E000] =	vst v63  }
0x63: {  	s28 =	sadd.s32 $0x200, s28;
	p1 =	sne.s32 s30, $0x4F;
	_ =	swait.ge @!p0 [sflag:s13], $0x800  }
0x64: {  	s11 =	sand.u32 $0x3E00, s11;
	s23 =	sand.u32 $0x1, s10;
	[sflag:s13] =	ssyncset.done @!p0 $0x0  }
0x65: {  	s12 =	sxor.u32 @!p0 $0x1800, s12;
	s8 =	sadd.s32 @!p0 s2, s8;
	[sflag:s13] =	ssyncadd.s32 @!p0 $0xFFFFF800  }
0x66: {  	[tilespmem:s12], [sflag:$0x5] =	stream.linear.gather @!p0 [hbm4b:s8+s1], $0x800, $0x38;
	[tilespmem:$0x1E000] =	vst v63  }
0x67: {  	s10 =	sxor.u32 $0x1, s23;
	s0 =	sshll.u32 s9, $0xB;
	_ =	swait.ge @!p0 [sflag:s13], $0x800  }
0x68: {  	s9 =	sshrl.u32 s11, $0x2;
	s11 =	sshll.u32 s23, $0xE;
	[sflag:s13] =	ssyncset.done @!p0 $0x0  }
0x69: {  	s31 =	sor.u32 $0x2000, s11;
	s12 =	sadd.s32 $0x3, s10;
	[sflag:s13] =	ssyncadd.s32 @!p0 $0xFFFFF800  }
0x6a: {  	s1 =	sadd.s32 $0x3, s23;
	s23 =	sadd.s32 $0x1, s23;
	_ =	swait.ge [sflag:s12], $0x4000  }
.Ltmp1:
0x6b: {  	s13 =	sshll.u32 s10, $0xE;
	[sflag:s12] =	ssyncset.done $0x0;
	(pc) =	sbr.rel @p1 .LBB2_4-.Ltmp1, $4  }
0x6c: {  	s10 =	sadd.s32 $0x1, s10;
	s18 =	sor.u32 $0x2000, s13;
	[sflag:s12] =	ssyncadd.s32 $0xFFFFC000  }
0x6d: {  	[tilespmem:s18], [sflag:s10] =	stream.indirect.gather [hbm4b:s5+s19], $0x80, s9, s19, $0xb8;
	[tilespmem:$0x1E000] =	vst v63  }
0x6e: {  	s9 =	sshrl.u32 s26, $0x4;
	s10 =	sshll.u32 s29, $0x7;
	_ =	swait.ge [sflag:s23], $0x4000  }
0x6f: {  	s29 =	sand.u32 $0xF, s26;
	s8 =	rddreg [dreg:$0x4];
	[sflag:s23] =	ssyncset.done $0x0  }
0x70: {  	p0 =	sne.s32 s29, $0xF  }
0x71: {  	s0 =	sor.u32 s10, s0;
	s9 =	sand.u32 $0x1, s9;
	s10 =	sand.u32 @!p0 $0x70, s26  }
0x72: {  	[sflag:s23] =	ssyncadd.s32 $0xFFFFC000;
	s0 =	sor.u32 $0x1000, s0;
	s8 =	sadd.s32 @!p0 s10, s8  }
0x73: {  	[spmem:s3] =	stream.indirect.scatter.add.f32 [tilespmem:s31], [sflag:s1], $0x80, s0, s19, $0xb8;
	[tilespmem:$0x1E000] =	vst v63  }
0x74: {  	s10 =	sshll.u32 @!p0 s9, $0xB;
	s8 =	sshll.u32 @!p0 s8, $0x4  }
0x75: {  	s11 =	simm.s32 @!p0 $0x0;
	s0 =	sxor.u32 @!p0 $0x800, s10;
	s1 =	sadd.s32 @!p0 s6, s8  }
0x76: {  	[tilespmem:s0], [sflag:$0x5] =	stream.linear.gather @!p0 [hbm4b:s1+s11], $0x800, $0x38;
	[tilespmem:$0x1E000] =	vst v63  }
0x77: {  	s0 =	simm.s32 @!p0 $0x5  }
0x78: {  	_ =	swait.ge @!p0 [sflag:s0], $0x800  }
0x79: {  	[sflag:s0] =	ssyncset.done @!p0 $0x0  }
0x7a: {  	s8 =	sadd.s32 @!p0 s2, s8;
	s1 =	sxor.u32 @!p0 $0x1800, s10;
	[sflag:s0] =	ssyncadd.s32 @!p0 $0xFFFFF800  }
0x7b: {  	[tilespmem:s1], [sflag:$0x5] =	stream.linear.gather @!p0 [hbm4b:s8+s11], $0x800, $0x38;
	[tilespmem:$0x1E000] =	vst v63  }
0x7c: {  	s30 =	sand.u32 $0x1, s26;
	_ =	swait.ge @!p0 [sflag:s0], $0x800  }
0x7d: {  	s31 =	sxor.u32 $0x1, s30;
	[sflag:s0] =	ssyncset.done @!p0 $0x0  }
0x7e: {  	s12 =	sand.u32 $0x3E00, s28;
	s11 =	sadd.s32 $0x3, s31;
	[sflag:s0] =	ssyncadd.s32 @!p0 $0xFFFFF800  }
0x7f: {  	s18 =	sadd.s32 $0x1, s30;
	s23 =	sshll.u32 s9, $0xB;
	_ =	swait.ge [sflag:s11], $0x4000  }
0x80: {  	s13 =	sshll.u32 s31, $0xE;
	s10 =	sshrl.u32 s12, $0x2;
	[sflag:s11] =	ssyncset.done $0x0  }
0x81: {  	s8 =	sadd.s32 $0x1, s31;
	s0 =	sor.u32 $0x2000, s13;
	[sflag:s11] =	ssyncadd.s32 $0xFFFFC000  }
0x82: {  	[tilespmem:s0], [sflag:s8] =	stream.indirect.gather [hbm4b:s5+s19], $0x80, s10, s19, $0xb8;
	[tilespmem:$0x1E000] =	vst v63  }
0x83: {  	s26 =	sshll.u32 s29, $0x7;
	s28 =	sshll.u32 s30, $0xE;
	_ =	swait.ge [sflag:s18], $0x4000  }
0x84: {  	s1 =	sadd.s32 $0x3, s30;
	s8 =	sor.u32 s26, s23;
	[sflag:s18] =	ssyncset.done $0x0  }
0x85: {  	s0 =	sor.u32 $0x2000, s28;
	s8 =	sor.u32 $0x1000, s8;
	[sflag:s18] =	ssyncadd.s32 $0xFFFFC000  }
0x86: {  	[spmem:s3] =	stream.indirect.scatter.add.f32 [tilespmem:s0], [sflag:s1], $0x80, s8, s19, $0xb8;
	[tilespmem:$0x1E000] =	vst v63  }
0x87: {  	_ =	swait.ge [sflag:s21], $0x4000  }
0x88: {  	[sflag:s21] =	ssyncset.done $0x0  }
0x89: {  	[sflag:s21] =	ssyncadd.s32 $0xFFFFC000  }
0x8a: {  	_ =	swait.ge [sflag:s22], $0x4000  }
0x8b: {  	[sflag:s22] =	ssyncset.done $0x0  }
0x8c: {  	s29 =	simm.s32 $0x1780;
	[sflag:s22] =	ssyncadd.s32 $0xFFFFC000  }
0x8d: {  	[spmem:s3] =	stream.indirect.scatter.add.f32 [tilespmem:s20], [sflag:$0x4], $0x80, s29, s19, $0xb8;
	[tilespmem:$0x1E000] =	vst v63  }
0x8e: {  	s25 =	sadd.s32 $0x1, s25;
	_ =	swait.ge [sflag:s24], $0x4000  }
0x8f: {  	s30 =	stileid.u32;
	s31 =	sshrl.u32 s7, $0x3;
	[sflag:s24] =	ssyncset.done $0x0  }
0x90: {  	p0 =	sne.s32 s25, s15;
	s0 =	sshll.u32 s30, $0x6;
	[sflag:s24] =	ssyncadd.s32 $0xFFFFC000  }
.Ltmp2:
0x91: {  	s0 =	sor.u32 $0x1C05, s0;
	[bflag:$0x0] =	sbarrier.arrive $0xFFFF;
	(pc) =	sbr.rel @p0 .LBB2_1-.Ltmp2, $4  }
0x92: {  	[hbm:s14], [sflag:s0] =	dma.local [spmem:s31], $0x2800  }
0x93: {  	_ =	swait.ge [sflag:s17], $0x2800  }
0x94: {  	[sflag:s17] =	ssyncset.done $0x0  }
0x95: {  	[sflag:s17] =	ssyncadd.s32 $0xFFFFD800  }
0x96: {  	_ =	sfence.sel $0x180000  }
0x97: {  	[bflag:$0x0] =	sbarrier.arrive $0xFFFF  }
0x98: {  	_ =	strace $0x9000004D  }
0x99: {  	s0 =	stileid.u32;
	[bflag:$0x2] =	sbarrier.arrive $0xFFFF  }
0x9a: {  	p0 =	sne.s32 s0, $0x0;
	s0 =	rddreg [dreg:$0x3]  }
0x9b: {  	s0 =	sadd.s32 @!p0 $0x100000, s0  }
0x9c: {  	[sflag:s0] =	ssyncadd.tile.s32 @!p0 $0x1;
	_ =	shalt  }
.Lfunc_end2:
_tile_overlayer_lowered:
.L_overlay_start_2:
0x9d: {  	(tag) =	ssettag $0x2  }
0x9e: {  	s0 =	rddreg [dreg:$0x0];
	s2 =	stileid.u32  }
0x9f: {  	s1 =	rddreg [dreg:$0x1];
	p0 =	sne.s32 s2, $0x0  }
0xa0: {  	s3 =	rddreg [dreg:$0x2];
	[bflag:$0x3] =	sbarrier.arrive $0xFFFF;
	s2 =	simm.s32 @!p0 $0x1C05  }
0xa1: {  	[timem:s3], [sflag:s2] =	dma.local @!p0 [hbm:s0], s1  }
0xa2: {  	s0 =	simm.s32 @!p0 $0x5  }
0xa3: {  	_ =	swait.ge @!p0 [sflag:s0], s1  }
0xa4: {  	s1 =	ssub.s32 @!p0 $0x0, s1;
	[sflag:s0] =	ssyncset.done @!p0 $0x0  }
0xa5: {  	[sflag:s0] =	ssyncadd.s32 @!p0 s1  }
0xa6: {  	[bflag:$0x3] =	sbarrier.arrive $0xFFFF  }
0xa7: {  	_ =	shalt  }

// kernel: kernel.9.cloned.1.call-start
scs
__scs_entry_jumppad:
0x0: {  	(pc) =	sbr.rel $0x88, $3  }
0x1: {  	(tag) =	ssettag $0x0;
	lr =	simm.s32 $0x1  }
0x2: {  	[smem:$0x3F99] =	sst lr;
	_ =	strace $0xD0000000  }
0x3: {  	_ = 	snop  }
0x4: {  	_ = 	snop  }
0x5: {  	_ = 	snop  }
0x6: {  	_ = 	snop  }
0x7: {  	_ = 	snop  }
__scs_overlays_trampoline_lowered:
0x8: {  	[smem:$0x3FA8] =	sst s0  }
0x9: {  	[smem:$0x3FA9] =	sst s1  }
0xa: {  	[smem:$0x3FAA] =	sst s2  }
0xb: {  	[smem:$0x3FAB] =	sst s3  }
0xc: {  	[smem:$0x3FAC] =	sst s4  }
0xd: {  	[smem:$0x3FAD] =	sst s5  }
0xe: {  	[smem:$0x3FAE] =	sst s6  }
0xf: {  	[smem:$0x3FAF] =	sst s7  }
0x10: {  	[smem:$0x3FB0] =	sst s8  }
0x11: {  	[smem:$0x3FB1] =	sst s9;
	s0 =	simm.s32 @!p0 $0x0  }
0x12: {  	s1 =	sld [smem:$0x3F97];
	s0 =	simm.s32 @p0 $0x1  }
0x13: {  	[smem:$0x3FB2] =	sst s0;
	s0 =	simm.s32 @!p1 $0x0  }
0x14: {  	s2 =	sld [smem:$0x3F96];
	s0 =	simm.s32 @p1 $0x1  }
0x15: {  	[smem:$0x3FB3] =	sst s0;
	s0 =	simm.s32 @!p2 $0x0  }
0x16: {  	s3 =	sld [smem:$0x3FDB];
	s0 =	simm.s32 @p2 $0x1  }
0x17: {  	s4 =	simm.s32 $0x1BF5;
	[smem:$0x3FB5] =	sst s0  }
0x18: {  	s0 =	sld [smem:$0x3F98];
	_ =	swait.ge [sflag:s4], $0x0  }
0x19: {  	s7 =	sld [smem:$0x3F99]  }
0x1a: {  	s8 =	sadd.s32 $0xFFFFE003, lr  }
0x1b: {  	s9 =	sadd.s32 $0xFFFFFEF7, lr;
	s5 =	simm.s32 $0xFFFFFFFF;
	p2 =	slt.u32 s8, $0xFFFFF086  }
0x1c: {  	p1 =	slt.u32 s9, $0xF7A;
	s5 =	simm.s32 @!p2 $0x0  }
0x1d: {  	s5 =	simm.s32 @p1 $0x1;
	p0 =	seq.s32 s7, s2  }
0x1e: {  	s7 =	smul.u32 @!p0 $0xF7A, s2;
	p2 =	seq.s32 @!p0 s5, $0x0  }
0x1f: {  	s9 =	smul.u32 $0xF7A, s1;
	s8 =	simm.s32 @!p0 $0x1BF5;
	p2 =	por !p2, p0  }
0x20: {  	[sflag:s8] =	ssyncset.s32 @!p0 $0xFFFFF086;
	s6 =	sadd.s32 @!p0 s3, s7;
	s7 =	simm.s32 @!p0 $0x108  }
0x21: {  	s3 =	sadd.s32 s3, s9;
	s6 =	sadd.s32 @!p0 $0x88, s6;
	s7 =	simm.s32 @p2 $0x1082  }
0x22: {  	[simem:s7], [sflag:s8] =	dma.local @!p0 [hbm:s6], $0xF7A  }
0x23: {  	s9 =	sor.u32 $0xD0000000, s2;
	s6 =	simm.s32 $0x108;
	_ =	swait.ge @!p0 [sflag:s8], $0x0  }
0x24: {  	s3 =	sadd.s32 $0x88, s3;
	s6 =	simm.s32 @!p1 $0x1082;
	[sflag:s4] =	ssyncset.s32 $0xFFFFF086  }
0x25: {  	[simem:s6], [sflag:s4] =	dma.local [hbm:s3], $0xF7A  }
0x26: {  	[smem:$0x3F99] =	sst s1;
	(tag) =	ssettag s2;
	_ =	strace s9  }
0x27: {  	s1 =	sld [smem:$0x3FA9]  }
0x28: {  	s2 =	sld [smem:$0x3FAA]  }
0x29: {  	s4 =	sld [smem:$0x3FAC]  }
0x2a: {  	p0 =	seq.s32 s5, $0x0;
	s5 =	sld [smem:$0x3FAD]  }
0x2b: {  	s6 =	sld [smem:$0x3FAE]  }
0x2c: {  	s7 =	sld [smem:$0x3FAF]  }
0x2d: {  	s3 =	simm.s32 $0x108;
	s8 =	sld [smem:$0x3FB0]  }
0x2e: {  	s3 =	simm.s32 @!p0 $0x1082;
	s9 =	sld [smem:$0x3FB1]  }
0x2f: {  	lr =	sadd.s32 s0, s3;
	s0 =	sld [smem:$0x3FA8]  }
0x30: {  	s3 =	sld [smem:$0x3FAB]  }
0x31: {  	[smem:$0x3FB4] =	sst s10  }
0x32: {  	s10 =	sld [smem:$0x3FB2];
	_ =	sdelay $0x3  }
0x33: {  	p0 =	seq.s32 s10, $0x1;
	s10 =	sld [smem:$0x3FB4];
	_ =	sdelay $0x3  }
0x34: {  	[smem:$0x3FB4] =	sst s10  }
0x35: {  	s10 =	sld [smem:$0x3FB3];
	_ =	sdelay $0x3  }
0x36: {  	p1 =	seq.s32 s10, $0x1;
	s10 =	sld [smem:$0x3FB4];
	_ =	sdelay $0x3  }
0x37: {  	[smem:$0x3FB4] =	sst s10  }
0x38: {  	s10 =	sld [smem:$0x3FB5]  }
0x39: {  	_ = 	snop;
	(pc) =	sbr.ind lr, $3  }
0x3a: {  	_ = 	snop  }
0x3b: {  	_ = 	snop  }
0x3c: {  	p2 =	seq.s32 s10, $0x1;
	s10 =	sld [smem:$0x3FB4]  }
0x3d: {  	_ =	shalt  }
0x3e: {  	_ =	shalt  }
0x3f: {  	_ =	shalt  }
0x40: {  	_ =	shalt  }
0x41: {  	_ =	shalt  }
0x42: {  	_ =	shalt  }
0x43: {  	_ =	shalt  }
0x44: {  	_ =	shalt  }
0x45: {  	_ =	shalt  }
0x46: {  	_ =	shalt  }
0x47: {  	_ =	shalt  }
0x48: {  	_ =	shalt  }
0x49: {  	_ =	shalt  }
0x4a: {  	_ =	shalt  }
0x4b: {  	_ =	shalt  }
0x4c: {  	_ =	shalt  }
0x4d: {  	_ =	shalt  }
0x4e: {  	_ =	shalt  }
0x4f: {  	_ =	shalt  }
0x50: {  	_ =	shalt  }
0x51: {  	_ =	shalt  }
0x52: {  	_ =	shalt  }
0x53: {  	_ =	shalt  }
0x54: {  	_ =	shalt  }
0x55: {  	_ =	shalt  }
0x56: {  	_ =	shalt  }
0x57: {  	_ =	shalt  }
0x58: {  	_ =	shalt  }
0x59: {  	_ =	shalt  }
0x5a: {  	_ =	shalt  }
0x5b: {  	_ =	shalt  }
0x5c: {  	_ =	shalt  }
0x5d: {  	_ =	shalt  }
0x5e: {  	_ =	shalt  }
0x5f: {  	_ =	shalt  }
0x60: {  	_ =	shalt  }
0x61: {  	_ =	shalt  }
0x62: {  	_ =	shalt  }
0x63: {  	_ =	shalt  }
0x64: {  	_ =	shalt  }
0x65: {  	_ =	shalt  }
0x66: {  	_ =	shalt  }
0x67: {  	_ =	shalt  }
0x68: {  	_ =	shalt  }
0x69: {  	_ =	shalt  }
0x6a: {  	_ =	shalt  }
0x6b: {  	_ =	shalt  }
0x6c: {  	_ =	shalt  }
0x6d: {  	_ =	shalt  }
0x6e: {  	_ =	shalt  }
0x6f: {  	_ =	shalt  }
0x70: {  	_ =	shalt  }
0x71: {  	_ =	shalt  }
0x72: {  	_ =	shalt  }
0x73: {  	_ =	shalt  }
0x74: {  	_ =	shalt  }
0x75: {  	_ =	shalt  }
0x76: {  	_ =	shalt  }
0x77: {  	_ =	shalt  }
0x78: {  	_ =	shalt  }
0x79: {  	_ =	shalt  }
0x7a: {  	_ =	shalt  }
0x7b: {  	_ =	shalt  }
0x7c: {  	_ =	shalt  }
0x7d: {  	_ =	shalt  }
0x7e: {  	_ =	shalt  }
0x7f: {  	_ =	shalt  }
0x80: {  	_ =	shalt  }
0x81: {  	_ =	shalt  }
0x82: {  	_ =	shalt  }
0x83: {  	_ =	shalt  }
0x84: {  	_ =	shalt  }
0x85: {  	_ =	shalt  }
0x86: {  	_ =	shalt  }
0x87: {  	_ =	shalt  }
.Lfunc_end0:
.L_simem_size_0:
called_computation_lowered:
.L_overlay_start_0:
0x88: {  	s2 =	sld [smem:$0x3FD9]  }
0x89: {  	s3 =	sld [smem:$0x3FFE];
	_ =	sdelay $0x1  }
0x8a: {  	s1 =	srdreg.scid  }
0x8b: {  	s0 =	sand.u32 $0x1, s1  }
0x8c: {  	s17 =	sshll.u32 s0, $0xA;
	s2 =	sadd.s32 s3, s2  }
0x8d: {  	s2 =	sadd.s32 s2, s17  }
0x8e: {  	[smem:$0x3FC0] =	sst s2  }
0x8f: {  	_ = 	snop  }
0x90: {  	s2 =	sld [smem:$0x3FD0];
	(tm) =	ssettm $0x1  }
0x91: {  	s18 =	sld [smem:$0x3FFB];
	_ =	sdelay $0x3  }
0x92: {  	_ =	strace s18  }
0x93: {  	s3 =	sld [smem:$0x3FFC];
	_ =	sdelay $0x3  }
0x94: {  	_ =	strace s3  }
0x95: {  	s3 =	sld [smem:$0x3FFD];
	_ =	sdelay $0x3  }
0x96: {  	_ =	strace s3  }
0x97: {  	_ =	strace $0x8FFFFFFF  }
0x98: {  	s19 =	sld [smem:$0x3FDB];
	_ =	sdelay $0x1  }
0x99: {  	s4 =	simm.s32 $_scs_section_size  }
0x9a: {  	s5 =	simm.s32 $_size__tile_overlayer_lowered;
	s6 =	simm.s32 $_tile_overlayer_lowered  }
0x9b: {  	s22 =	simm.s32 $0x1BFF;
	s21 =	sshll.u32 s6, $0x1;
	s3 =	sadd.s32 s4, s19  }
0x9c: {  	s7 =	simm.s32 $0x0;
	s20 =	sshll.u32 s5, $0x1;
	s5 =	sadd.s32 s21, s3  }
0x9d: {  	[timem:s7], [sflag:s22] =	dma.local [hbm:s5], s20  }
0x9e: {  	_ =	swait.ge [sflag:s22], s20  }
0x9f: {  	s4 =	ssub.s32 $0x0, s20;
	[sflag:s22] =	ssyncset.done $0x0  }
0xa0: {  	[sflag:s22] =	ssyncadd.s32 s4;
	_ =	sdelay $0x1  }
0xa1: {  	s23 =	simm.s32 $0x1B8B  }
0xa2: {  	_ =	swait.ge [sflag:s23], $0x1  }
0xa3: {  	[sflag:s23] =	ssyncset.done $0x0  }
0xa4: {  	s25 =	simm.s32 $0x1B8E;
	s24 =	sld [smem:$0x3FFE];
	[sflag:s23] =	ssyncadd.s32 $0xFFFFFFFF  }
0xa5: {  	s26 =	simm.s32 $execute0_lowered;
	[smem:$0x3FD2] =	sst s25  }
0xa6: {  	s5 =	sshll.u32 s26, $0x1;
	_ =	strace $0x80000046;
	[dreg:$0x1] =	wrdreg $0xFFFFFFFF  }
0xa7: {  	s28 =	simm.s32 $_size_execute0_lowered;
	s3 =	sadd.s32 s3, s5;
	[dreg:$0x0] =	wrdreg $0x0  }
0xa8: {  	s5 =	sshll.u32 s28, $0x1;
	[dreg:$0x2] =	wrdreg s3  }
0xa9: {  	[dreg:$0x3] =	wrdreg s5  }
0xaa: {  	[dreg:$0x4] =	wrdreg $0xC0  }
0xab: {  	_ =	task [dreg:s7], $0x5FFFF  }
0xac: {  	[dreg:$0x1] =	wrdreg $0xFFFFFFFF  }
0xad: {  	[dreg:$0x0] =	wrdreg $0x60  }
0xae: {  	[dreg:$0x2] =	wrdreg s24  }
0xaf: {  	[dreg:$0x3] =	wrdreg s2  }
0xb0: {  	[dreg:$0x4] =	wrdreg $0xA3000  }
0xb1: {  	[dreg:$0x5] =	wrdreg $0x1E3000  }
0xb2: {  	[dreg:$0x6] =	wrdreg $0x9  }
0xb3: {  	_ =	task.clear_ibuf [dreg:s7], $0x7FFFF;
	_ =	strace $0x90000046  }
0xb4: {  	s29 =	simm.s32 $0x9;
	_ =	strace $0x80000048  }
0xb5: {  	_ =	swait.ge [sflag:s29], $0x1  }
0xb6: {  	[sflag:s29] =	ssyncadd.s32 $0xFFFFFFFF  }
0xb7: {  	_ =	strace $0x90000048  }
0xb8: {  	_ =	sfence  }
0xb9: {  	s30 =	sld [smem:$0x0];
	_ =	sdelay $0x2  }
0xba: {  	s31 =	sshll.u32 s1, $0xD;
	s1 =	sshrl.u32 s1, $0x2  }
0xbb: {  	s3 =	sand.u32 $0x4000, s31;
	s1 =	sadd.s32 s1, s30  }
0xbc: {  	s0 =	sor.u32 s3, s0;
	s1 =	sshll.u32 s1, $0x11  }
0xbd: {  	s0 =	sor.u32 s1, s0  }
0xbe: {  	s0 =	sadd.s32 $0x8F2B, s0  }
0xbf: {  	[sflag:s0] =	ssyncadd.remote.s32 $0x1  }
0xc0: {  	_ =	sfence.sel $0xFFFF  }
0xc1: {  	[dreg:$0x0] =	wrdreg $0xFFFFFFFF;
	(pc) =	sbr.abs _section_cstart, $3  }
0xc2: {  	[dreg:$0x1] =	wrdreg $0xFFFFFFFF  }
0xc3: {  	_ =	task.clear_ibuf [dreg:s7], $0x2FFFF;
	_ =	strace $0x9FFFFFFF  }
0xc4: {  	(tm) =	ssettm $0x7FFFFFFF  }
0xc5: {  	_ =	shalt  }
tec
execute0_lowered:
.L_overlay_start_1:
0x0: {  	(tag) =	ssettag $0x1  }
0x1: {  	s0 =	rddreg [dreg:$0x0]  }
0x2: {  	s1 =	rddreg [dreg:$0x1]  }
0x3: {  	s2 =	rddreg [dreg:$0x2]  }
0x4: {  	s3 =	rddreg [dreg:$0x3];
	s12 =	stileid.u32  }
0x5: {  	s4 =	srdreg.scid;
	s5 =	simm.s32 $0x0;
	s8 =	smul.u32 $0x14000, s12  }
0x6: {  	s28 =	simm.s32 $0x2;
	s29 =	simm.s32 $0x1780;
	s9 =	smul.u32 $0x500, s12  }
0x7: {  	s30 =	simm.s32 $0x4;
	s31 =	simm.s32 $0x0;
	s11 =	smul.u32 $0x50000, s12  }
0x8: {  	s4 =	sand.u32 $0x1, s4;
	[smem:$0x7FF] =	sst s5;
	s19 =	smul.u32 $0xA00, s12  }
0x9: {  	s17 =	sshll.u32 s12, $0x1;
	s7 =	smul.u32 $0x140000, s4;
	s13 =	ssub.s32 $0x2, s4  }
0xa: {  	s10 =	sshll.u32 s4, $0x7;
	s4 =	sor.u32 s4, s17;
	s14 =	sshrl.u32 s13, $0x1  }
0xb: {  	s6 =	sadd.s32 $0x2400, s0;
	s15 =	ssub.s32 s13, s14;
	s14 =	smul.u32 $0x50, s4  }
0xc: {  	_ =	strace $0x80000047;
	s9 =	sor.u32 s10, s9;
	s4 =	smul.u32 $0x500, s4  }
0xd: {  	s18 =	sshrl.u32 s11, $0x2;
	s8 =	sadd.s32 s8, s7;
	s7 =	sadd.s32 $0x2A400, s0  }
0xe: {  	s10 =	sshrl.u32 s19, $0x2;
	s8 =	sshrl.u32 s8, $0x3;
	s25 =	sadd.s32 s7, s4  }
0xf: {  	s16 =	sadd.s32 s8, s0;
	s4 =	sadd.s32 s1, s4;
	[dreg:$0xa] =	wrdreg s25  }
0x10: {  	s8 =	sadd.s32 s18, s2;
	s24 =	sadd.s32 $0x10, s14;
	[dreg:$0xb] =	wrdreg s4  }
0x11: {  	s19 =	simm.s32 $0x2000;
	s20 =	sadd.s32 $0x4000, s8;
	[dreg:$0x5] =	wrdreg s24  }
0x12: {  	s9 =	sshrl.u32 s9, $0x3;
	s21 =	sadd.s32 $0x8000, s8;
	[dreg:$0x6] =	wrdreg s20  }
0x13: {  	s13 =	sadd.s32 s10, s3;
	s22 =	sadd.s32 $0xC000, s8;
	[dreg:$0x7] =	wrdreg s21  }
0x14: {  	s0 =	sadd.s32 s9, s0;
	s23 =	sadd.s32 $0x10000, s8;
	[dreg:$0x8] =	wrdreg s22  }
0x15: {  	s18 =	smax.u32 s15, $0x1;
	s26 =	sadd.s32 $0x34E00, s16;
	[dreg:$0x9] =	wrdreg s23  }
0x16: {  	s0 =	sadd.s32 $0x34400, s0;
	s24 =	simm.s32 $0x6000;
	[dreg:$0xc] =	wrdreg s26  }
0x17: {  	s25 =	simm.s32 $0xA000;
	[dreg:$0xd] =	wrdreg s0;
	s20 =	simm.s32 $0x5  }
0x18: {  	v0 =	vimm.f32 $0.0e+00;
	v1 =	vimm.f32 $1.000000000e+00;
	s22 =	simm.s32 $0x1000;
	s23 =	simm.s32 $0x80;
	s26 =	simm.s32 $0x3  }
.LBB2_1:
0x19: {  	s0 =	simm.s32 $0x0;
	s4 =	simm.s32 $0x200  }
.LBB2_2:
0x1a: {  	p0 =	sne.s32 s4, $0xFE00;
	[tilespmem:s0+$0x2070] =	vst v0  }
0x1b: {  	[tilespmem:s0+$0x2000] =	vst v0  }
0x1c: {  	[tilespmem:s0+$0x2010] =	vst v0  }
.Ltmp0:
0x1d: {  	[tilespmem:s0+$0x2020] =	vst v0;
	(pc) =	sbr.rel @p0 .LBB2_2-.Ltmp0, $4  }
0x1e: {  	[tilespmem:s0+$0x2030] =	vst v0  }
0x1f: {  	[tilespmem:s0+$0x2040] =	vst v0  }
0x20: {  	[tilespmem:s0+$0x2050] =	vst v0  }
0x21: {  	[tilespmem:s0+$0x2060] =	vst v0;
	s0 =	sshra.s32 s4, $0x2;
	s4 =	sadd.s32 $0x200, s4  }
0x22: {  	[tilespmem:s0+$0x2070] =	vst v0  }
0x23: {  	[tilespmem:s0+$0x2000] =	vst v0  }
0x24: {  	[tilespmem:s0+$0x2010] =	vst v0  }
0x25: {  	[tilespmem:s0+$0x2020] =	vst v0  }
0x26: {  	[tilespmem:s0+$0x2030] =	vst v0  }
0x27: {  	[tilespmem:s0+$0x2040] =	vst v0  }
0x28: {  	[tilespmem:s0+$0x2050] =	vst v0  }
0x29: {  	[tilespmem:s0+$0x2060] =	vst v0  }
0x2a: {  	[spmem:s8] =	stream.linear.scatter [tilespmem:s19], [sflag:$0x5], $0x4000, $0x38;
	[tilespmem:$0x1E580] =	vst v63  }
0x2b: {  	_ =	swait.ge [sflag:s20], $0x4000  }
0x2c: {  	[sflag:s20] =	ssyncset.done $0x0  }
0x2d: {  	s10 =	rddreg [dreg:$0x6];
	[sflag:s20] =	ssyncadd.s32 $0xFFFFC000  }
0x2e: {  	[spmem:s10] =	stream.linear.scatter [tilespmem:s19], [sflag:$0x5], $0x4000, $0x38;
	[tilespmem:$0x1E580] =	vst v63  }
0x2f: {  	_ =	swait.ge [sflag:s20], $0x4000  }
0x30: {  	[sflag:s20] =	ssyncset.done $0x0  }
0x31: {  	s11 =	rddreg [dreg:$0x7];
	[sflag:s20] =	ssyncadd.s32 $0xFFFFC000  }
0x32: {  	[spmem:s11] =	stream.linear.scatter [tilespmem:s19], [sflag:$0x5], $0x4000, $0x38;
	[tilespmem:$0x1E580] =	vst v63  }
0x33: {  	_ =	swait.ge [sflag:s20], $0x4000  }
0x34: {  	[sflag:s20] =	ssyncset.done $0x0  }
0x35: {  	s12 =	rddreg [dreg:$0x8];
	[sflag:s20] =	ssyncadd.s32 $0xFFFFC000  }
0x36: {  	[spmem:s12] =	stream.linear.scatter [tilespmem:s19], [sflag:$0x5], $0x4000, $0x38;
	[tilespmem:$0x1E580] =	vst v63  }
0x37: {  	_ =	swait.ge [sflag:s20], $0x4000  }
0x38: {  	[sflag:s20] =	ssyncset.done $0x0  }
0x39: {  	s14 =	rddreg [dreg:$0x9];
	[sflag:s20] =	ssyncadd.s32 $0xFFFFC000  }
0x3a: {  	[spmem:s14] =	stream.linear.scatter [tilespmem:s19], [sflag:$0x5], $0x4000, $0x38;
	[tilespmem:$0x1E580] =	vst v63  }
0x3b: {  	_ =	swait.ge [sflag:s20], $0x4000  }
0x3c: {  	[sflag:s20] =	ssyncset.done $0x0  }
0x3d: {  	[sflag:s20] =	ssyncadd.s32 $0xFFFFC000  }
0x3e: {  	[tilespmem:$0xA080] =	vst v0  }
0x3f: {  	[tilespmem:$0xA090] =	vst v0  }
0x40: {  	[tilespmem:$0xA0A0] =	vst v0  }
0x41: {  	[tilespmem:$0xA0B0] =	vst v0  }
0x42: {  	[tilespmem:$0xA0C0] =	vst v0  }
0x43: {  	[tilespmem:$0xA0D0] =	vst v0  }
0x44: {  	[tilespmem:$0xA0E0] =	vst v0  }
0x45: {  	[tilespmem:$0xA0F0] =	vst v0  }
0x46: {  	[tilespmem:$0xA100] =	vst v0  }
0x47: {  	[tilespmem:$0xA110] =	vst v0  }
0x48: {  	[tilespmem:$0xA120] =	vst v0  }
0x49: {  	[tilespmem:$0xA130] =	vst v0  }
0x4a: {  	[tilespmem:$0xA140] =	vst v0  }
0x4b: {  	[tilespmem:$0xA150] =	vst v0  }
0x4c: {  	[tilespmem:$0xA160] =	vst v0  }
0x4d: {  	[tilespmem:$0xA170] =	vst v0  }
0x4e: {  	[tilespmem:$0xA180] =	vst v0  }
0x4f: {  	[tilespmem:$0xA190] =	vst v0  }
0x50: {  	[tilespmem:$0xA1A0] =	vst v0  }
0x51: {  	[tilespmem:$0xA1B0] =	vst v0  }
0x52: {  	[tilespmem:$0xA1C0] =	vst v0  }
0x53: {  	[tilespmem:$0xA1D0] =	vst v0  }
0x54: {  	[tilespmem:$0xA1E0] =	vst v0  }
0x55: {  	[tilespmem:$0xA1F0] =	vst v0  }
0x56: {  	[tilespmem:$0xA200] =	vst v0  }
0x57: {  	[tilespmem:$0xA210] =	vst v0  }
0x58: {  	[tilespmem:$0xA220] =	vst v0  }
0x59: {  	[tilespmem:$0xA230] =	vst v0  }
0x5a: {  	[tilespmem:$0xA240] =	vst v0  }
0x5b: {  	[tilespmem:$0xA250] =	vst v0  }
0x5c: {  	[tilespmem:$0xA260] =	vst v0  }
0x5d: {  	[tilespmem:$0xA270] =	vst v0  }
0x5e: {  	[tilespmem:$0xA280] =	vst v0  }
0x5f: {  	[tilespmem:$0xA290] =	vst v0  }
0x60: {  	[tilespmem:$0xA2A0] =	vst v0  }
0x61: {  	[tilespmem:$0xA2B0] =	vst v0  }
0x62: {  	[tilespmem:$0xA2C0] =	vst v0  }
0x63: {  	[tilespmem:$0xA2D0] =	vst v0  }
0x64: {  	[tilespmem:$0xA2E0] =	vst v0  }
0x65: {  	s15 =	simm.s32 $0xA080;
	[tilespmem:$0xA2F0] =	vst v0  }
0x66: {  	[spmem:s13] =	stream.linear.scatter [tilespmem:s15], [sflag:$0x5], $0x280, $0x38;
	[tilespmem:$0x1E580] =	vst v63  }
0x67: {  	_ =	swait.ge [sflag:s20], $0x280  }
0x68: {  	[sflag:s20] =	ssyncset.done $0x0  }
0x69: {  	[sflag:s20] =	ssyncadd.s32 $0xFFFFFD80  }
0x6a: {  	[tilespmem:$0xA000] =	vst v1  }
0x6b: {  	[tilespmem:$0xA010] =	vst v1  }
0x6c: {  	[tilespmem:$0xA020] =	vst v1  }
0x6d: {  	[tilespmem:$0xA030] =	vst v1  }
0x6e: {  	[tilespmem:$0xA040] =	vst v1  }
0x6f: {  	[tilespmem:$0xA050] =	vst v1  }
0x70: {  	[tilespmem:$0xA060] =	vst v1  }
0x71: {  	[tilespmem:$0xA070] =	vst v1  }
0x72: {  	[bflag:$0x0] =	sbarrier.arrive $0xFFFF  }
0x73: {  	s16 =	rddreg [dreg:$0xa]  }
0x74: {  	[tilespmem:s5], [sflag:$0x5] =	stream.linear.gather [hbm4b:s16+s5], $0x800, $0x38;
	[tilespmem:$0x1E580] =	vst v63  }
0x75: {  	_ =	swait.ge [sflag:s20], $0x800  }
0x76: {  	[sflag:s20] =	ssyncset.done $0x0  }
0x77: {  	s17 =	rddreg [dreg:$0xb];
	[sflag:s20] =	ssyncadd.s32 $0xFFFFF800  }
0x78: {  	[tilespmem:s22], [sflag:$0x5] =	stream.linear.gather [hbm4b:s17+s5], $0x800, $0x38;
	[tilespmem:$0x1E580] =	vst v63  }
0x79: {  	_ =	swait.ge [sflag:s20], $0x800  }
0x7a: {  	[sflag:s20] =	ssyncset.done $0x0  }
0x7b: {  	[sflag:s20] =	ssyncadd.s32 $0xFFFFF800  }
0x7c: {  	[tilespmem:s19], [sflag:$0x1] =	stream.indirect.gather [hbm4b:s6+s23], $0x80, s5, s23, $0xb8;
	[tilespmem:$0x1E580] =	vst v63  }
0x7d: {  	s0 =	simm.s32 $0x1  }
0x7e: {  	[tilespmem:s24], [sflag:$0x2] =	stream.indirect.gather [hbm4b:s6+s23], $0x80, s23, s23, $0xb8;
	[tilespmem:$0x1E580] =	vst v63  }
0x7f: {  	_ =	swait.ge [sflag:s0], $0x4000  }
0x80: {  	[sflag:s0] =	ssyncset.done $0x0  }
0x81: {  	[sflag:s0] =	ssyncadd.s32 $0xFFFFC000  }
0x82: {  	[spmem:s2] =	stream.indirect.scatter.add.f32 [tilespmem:s19], [sflag:$0x3], $0x80, s22, s23, $0xb8;
	[tilespmem:$0x1E580] =	vst v63  }
0x83: {  	s9 =	sand.u32 $0xF, s0  }
0x84: {  	[spmem:s3] =	stream.indirect.scatter.add.f32 [tilespmem:s25], [sflag:$0x5], $0x1, s22, s23, $0xb8;
	[tilespmem:$0x1E580] =	vst v63  }
0x85: {  	p0 =	sne.s32 s9, $0xF;
	_ =	swait.ge [sflag:s20], $0x80  }
0x86: {  	s21 =	sand.u32 @!p0 $0x70, s0;
	s10 =	simm.s32 $0x0;
	s4 =	rddreg [dreg:$0x5]  }
0x87: {  	s10 =	sand.u32 $0x1, s10;
	s14 =	simm.s32 @!p0 $0x0;
	s4 =	sadd.s32 @!p0 s21, s4  }
0x88: {  	[sflag:s20] =	ssyncset.done $0x0;
	s21 =	sshll.u32 @!p0 s10, $0xB;
	s4 =	sshll.u32 @!p0 s4, $0x4  }
0x89: {  	[sflag:s20] =	ssyncadd.s32 $0xFFFFFF80;
	s11 =	sxor.u32 @!p0 $0x800, s21;
	s12 =	sadd.s32 @!p0 s7, s4  }
0x8a: {  	[tilespmem:s11], [sflag:$0x5] =	stream.linear.gather @!p0 [hbm4b:s12+s14], $0x800, $0x38;
	[tilespmem:$0x1E580] =	vst v63  }
0x8b: {  	s11 =	simm.s32 @!p0 $0x5  }
0x8c: {  	_ =	swait.ge @!p0 [sflag:s11], $0x800  }
0x8d: {  	[sflag:s11] =	ssyncset.done @!p0 $0x0  }
0x8e: {  	s4 =	sadd.s32 @!p0 s1, s4;
	s12 =	sxor.u32 @!p0 $0x1800, s21;
	[sflag:s11] =	ssyncadd.s32 @!p0 $0xFFFFF800  }
0x8f: {  	[tilespmem:s12], [sflag:$0x5] =	stream.linear.gather @!p0 [hbm4b:s4+s14], $0x800, $0x38;
	[tilespmem:$0x1E580] =	vst v63  }
0x90: {  	s0 =	sand.u32 $0x1, s0;
	_ =	swait.ge @!p0 [sflag:s11], $0x800  }
0x91: {  	s21 =	sxor.u32 $0x1, s0;
	[sflag:s11] =	ssyncset.done @!p0 $0x0  }
0x92: {  	s12 =	sadd.s32 $0x3, s21;
	[sflag:s11] =	ssyncadd.s32 @!p0 $0xFFFFF800  }
0x93: {  	s9 =	sshll.u32 s9, $0x7;
	_ =	swait.ge [sflag:s12], $0x4000  }
0x94: {  	s17 =	sadd.s32 $0x1, s0;
	s14 =	simm.s32 $0x400;
	[sflag:s12] =	ssyncset.done $0x0  }
0x95: {  	s15 =	sshll.u32 s21, $0xE;
	[sflag:s12] =	ssyncadd.s32 $0xFFFFC000;
	s12 =	sand.u32 $0x3E00, s14  }
0x96: {  	s4 =	sadd.s32 $0x1, s21;
	s11 =	sor.u32 $0x2000, s15;
	s12 =	sshrl.u32 s12, $0x2  }
0x97: {  	[tilespmem:s11], [sflag:s4] =	stream.indirect.gather [hbm4b:s6+s23], $0x80, s12, s23, $0xb8;
	[tilespmem:$0x1E580] =	vst v63  }
0x98: {  	s16 =	sshll.u32 s10, $0xB;
	s21 =	sshll.u32 s0, $0xE;
	_ =	swait.ge [sflag:s17], $0x4000  }
0x99: {  	s0 =	sadd.s32 $0x3, s0;
	s4 =	sor.u32 s9, s16;
	[sflag:s17] =	ssyncset.done $0x0  }
0x9a: {  	s9 =	sor.u32 $0x2000, s21;
	s4 =	sor.u32 $0x1000, s4;
	[sflag:s17] =	ssyncadd.s32 $0xFFFFC000  }
0x9b: {  	[spmem:s2] =	stream.indirect.scatter.add.f32 [tilespmem:s9], [sflag:s0], $0x80, s4, s23, $0xb8;
	[tilespmem:$0x1E580] =	vst v63  }
0x9c: {  	s10 =	simm.s32 $0x0  }
0x9d: {  	[spmem:s3] =	stream.indirect.scatter.add.f32 [tilespmem:s25], [sflag:$0x5], $0x1, s4, s23, $0xb8;
	[tilespmem:$0x1E580] =	vst v63  }
0x9e: {  	s21 =	simm.s32 $0x2;
	s0 =	simm.s32 $0x600;
	_ =	swait.ge [sflag:s20], $0x80  }
0x9f: {  	s4 =	simm.s32 $0x3;
	s9 =	rddreg [dreg:$0x5];
	[sflag:s20] =	ssyncset.done $0x0  }
.LBB2_4:
0xa0: {  	s11 =	sand.u32 $0xF, s21  }
0xa1: {  	s10 =	sand.u32 $0x1, s10;
	p1 =	sne.s32 s11, $0xF  }
0xa2: {  	[sflag:s20] =	ssyncadd.s32 $0xFFFFFF80;
	s12 =	sshll.u32 s10, $0xB;
	s14 =	sand.u32 @!p1 $0x70, s21  }
0xa3: {  	s11 =	sshll.u32 s11, $0x7;
	s10 =	sshll.u32 @!p1 s10, $0xB;
	s9 =	sadd.s32 @!p1 s14, s9  }
0xa4: {  	s11 =	sor.u32 s11, s12;
	s16 =	simm.s32 @!p1 $0x0;
	s9 =	sshll.u32 @!p1 s9, $0x4  }
0xa5: {  	s17 =	simm.s32 @!p1 $0x5;
	s12 =	sxor.u32 @!p1 $0x800, s10;
	s15 =	sadd.s32 @!p1 s7, s9  }
0xa6: {  	[tilespmem:s12], [sflag:$0x5] =	stream.linear.gather @!p1 [hbm4b:s15+s16], $0x800, $0x38;
	[tilespmem:$0x1E580] =	vst v63  }
0xa7: {  	_ =	swait.ge @!p1 [sflag:s17], $0x800  }
0xa8: {  	[sflag:s17] =	ssyncset.done @!p1 $0x0  }
0xa9: {  	s10 =	sxor.u32 @!p1 $0x1800, s10;
	s9 =	sadd.s32 @!p1 s1, s9;
	[sflag:s17] =	ssyncadd.s32 @!p1 $0xFFFFF800  }
0xaa: {  	[tilespmem:s10], [sflag:$0x5] =	stream.linear.gather @!p1 [hbm4b:s9+s16], $0x800, $0x38;
	[tilespmem:$0x1E580] =	vst v63  }
0xab: {  	s9 =	sand.u32 $0x1, s21;
	_ =	swait.ge @!p1 [sflag:s17], $0x800  }
0xac: {  	s14 =	smov.u32 s4;
	s16 =	sxor.u32 $0x1, s9;
	[sflag:s17] =	ssyncset.done @!p1 $0x0  }
0xad: {  	s21 =	smov.u32 s14;
	s14 =	sadd.s32 $0x3, s16;
	[sflag:s17] =	ssyncadd.s32 @!p1 $0xFFFFF800  }
0xae: {  	s15 =	sshll.u32 s16, $0xE;
	s10 =	sadd.s32 $0x1, s16;
	_ =	swait.ge [sflag:s14], $0x4000  }
0xaf: {  	s16 =	sand.u32 $0x3E00, s0;
	s17 =	sadd.s32 $0x1, s9;
	[sflag:s14] =	ssyncset.done $0x0  }
0xb0: {  	s15 =	sor.u32 $0x2000, s15;
	s16 =	sshrl.u32 s16, $0x2;
	[sflag:s14] =	ssyncadd.s32 $0xFFFFC000  }
0xb1: {  	[tilespmem:s15], [sflag:s10] =	stream.indirect.gather [hbm4b:s6+s23], $0x80, s16, s23, $0xb8;
	[tilespmem:$0x1E580] =	vst v63  }
0xb2: {  	s4 =	sadd.s32 $0x1, s4;
	s11 =	sor.u32 $0x1000, s11;
	_ =	swait.ge [sflag:s17], $0x4000  }
0xb3: {  	p0 =	sne.s32 s4, $0x4F;
	s12 =	sshll.u32 s9, $0xE;
	[sflag:s17] =	ssyncset.done $0x0  }
0xb4: {  	s9 =	sadd.s32 $0x3, s9;
	s16 =	sor.u32 $0x2000, s12;
	[sflag:s17] =	ssyncadd.s32 $0xFFFFC000  }
0xb5: {  	[spmem:s2] =	stream.indirect.scatter.add.f32 [tilespmem:s16], [sflag:s9], $0x80, s11, s23, $0xb8;
	[tilespmem:$0x1E580] =	vst v63  }
.Ltmp1:
0xb6: {  	_ = 	snop;
	(pc) =	sbr.rel @p0 .LBB2_4-.Ltmp1, $4  }
0xb7: {  	_ = 	snop  }
0xb8: {  	[spmem:s3] =	stream.indirect.scatter.add.f32 [tilespmem:s25], [sflag:$0x5], $0x1, s11, s23, $0xb8;
	[tilespmem:$0x1E580] =	vst v63  }
0xb9: {  	s0 =	sadd.s32 $0x200, s0;
	_ =	swait.ge [sflag:s20], $0x80  }
0xba: {  	s10 =	sshrl.u32 s21, $0x4;
	s9 =	rddreg [dreg:$0x5];
	[sflag:s20] =	ssyncset.done $0x0  }
0xbb: {  	s4 =	sand.u32 $0xF, s21  }
0xbc: {  	p0 =	sne.s32 s4, $0xF  }
0xbd: {  	s11 =	sand.u32 @!p0 $0x70, s21  }
0xbe: {  	s10 =	sand.u32 $0x1, s10;
	s9 =	sadd.s32 @!p0 s11, s9  }
0xbf: {  	[sflag:s20] =	ssyncadd.s32 $0xFFFFFF80;
	s11 =	sshll.u32 @!p0 s10, $0xB;
	s9 =	sshll.u32 @!p0 s9, $0x4  }
0xc0: {  	s15 =	simm.s32 @!p0 $0x0;
	s12 =	sxor.u32 @!p0 $0x800, s11;
	s14 =	sadd.s32 @!p0 s7, s9  }
0xc1: {  	[tilespmem:s12], [sflag:$0x5] =	stream.linear.gather @!p0 [hbm4b:s14+s15], $0x800, $0x38;
	[tilespmem:$0x1E580] =	vst v63  }
0xc2: {  	s12 =	simm.s32 @!p0 $0x5  }
0xc3: {  	_ =	swait.ge @!p0 [sflag:s12], $0x800  }
0xc4: {  	[sflag:s12] =	ssyncset.done @!p0 $0x0  }
0xc5: {  	s11 =	sxor.u32 @!p0 $0x1800, s11;
	s9 =	sadd.s32 @!p0 s1, s9;
	[sflag:s12] =	ssyncadd.s32 @!p0 $0xFFFFF800  }
0xc6: {  	[tilespmem:s11], [sflag:$0x5] =	stream.linear.gather @!p0 [hbm4b:s9+s15], $0x800, $0x38;
	[tilespmem:$0x1E580] =	vst v63  }
0xc7: {  	s9 =	sand.u32 $0x1, s21;
	_ =	swait.ge @!p0 [sflag:s12], $0x800  }
0xc8: {  	s0 =	sand.u32 $0x3E00, s0;
	s14 =	sxor.u32 $0x1, s9;
	[sflag:s12] =	ssyncset.done @!p0 $0x0  }
0xc9: {  	s0 =	sshrl.u32 s0, $0x2;
	s15 =	sadd.s32 $0x3, s14;
	[sflag:s12] =	ssyncadd.s32 @!p0 $0xFFFFF800  }
0xca: {  	s4 =	sshll.u32 s4, $0x7;
	s10 =	sshll.u32 s10, $0xB;
	_ =	swait.ge [sflag:s15], $0x4000  }
0xcb: {  	s17 =	sadd.s32 $0x1, s9;
	s16 =	sshll.u32 s14, $0xE;
	[sflag:s15] =	ssyncset.done $0x0  }
0xcc: {  	s11 =	sadd.s32 $0x1, s14;
	s12 =	sor.u32 $0x2000, s16;
	[sflag:s15] =	ssyncadd.s32 $0xFFFFC000  }
0xcd: {  	[tilespmem:s12], [sflag:s11] =	stream.indirect.gather [hbm4b:s6+s23], $0x80, s0, s23, $0xb8;
	[tilespmem:$0x1E580] =	vst v63  }
0xce: {  	s4 =	sor.u32 s4, s10;
	_ =	swait.ge [sflag:s17], $0x4000  }
0xcf: {  	s4 =	sor.u32 $0x1000, s4;
	s21 =	sshll.u32 s9, $0xE;
	[sflag:s17] =	ssyncset.done $0x0  }
0xd0: {  	s9 =	sadd.s32 $0x3, s9;
	s0 =	sor.u32 $0x2000, s21;
	[sflag:s17] =	ssyncadd.s32 $0xFFFFC000  }
0xd1: {  	[spmem:s2] =	stream.indirect.scatter.add.f32 [tilespmem:s0], [sflag:s9], $0x80, s4, s23, $0xb8;
	[tilespmem:$0x1E580] =	vst v63  }
0xd2: {  	_ = 	snop  }
0xd3: {  	[spmem:s3] =	stream.indirect.scatter.add.f32 [tilespmem:s25], [sflag:$0x5], $0x1, s4, s23, $0xb8;
	[tilespmem:$0x1E580] =	vst v63  }
0xd4: {  	_ =	swait.ge [sflag:s20], $0x80  }
0xd5: {  	[sflag:s20] =	ssyncset.done $0x0  }
0xd6: {  	[sflag:s20] =	ssyncadd.s32 $0xFFFFFF80  }
0xd7: {  	_ =	swait.ge [sflag:s26], $0x4000  }
0xd8: {  	[sflag:s26] =	ssyncset.done $0x0  }
0xd9: {  	[sflag:s26] =	ssyncadd.s32 $0xFFFFC000  }
0xda: {  	_ =	swait.ge [sflag:s28], $0x4000  }
0xdb: {  	[sflag:s28] =	ssyncset.done $0x0  }
0xdc: {  	[sflag:s28] =	ssyncadd.s32 $0xFFFFC000  }
0xdd: {  	[spmem:s2] =	stream.indirect.scatter.add.f32 [tilespmem:s24], [sflag:$0x4], $0x80, s29, s23, $0xb8;
	[tilespmem:$0x1E580] =	vst v63  }
0xde: {  	_ = 	snop  }
0xdf: {  	[spmem:s3] =	stream.indirect.scatter.add.f32 [tilespmem:s25], [sflag:$0x5], $0x1, s29, s23, $0xb8;
	[tilespmem:$0x1E580] =	vst v63  }
0xe0: {  	_ =	swait.ge [sflag:s20], $0x80  }
0xe1: {  	[sflag:s20] =	ssyncset.done $0x0  }
0xe2: {  	[sflag:s20] =	ssyncadd.s32 $0xFFFFFF80  }
0xe3: {  	_ =	swait.ge [sflag:s30], $0x4000  }
0xe4: {  	[sflag:s30] =	ssyncset.done $0x0  }
0xe5: {  	s31 =	sadd.s32 $0x1, s31;
	s10 =	stileid.u32;
	[sflag:s30] =	ssyncadd.s32 $0xFFFFC000  }
0xe6: {  	s14 =	sshrl.u32 s13, $0x3;
	s0 =	sshll.u32 s10, $0x6;
	[bflag:$0x0] =	sbarrier.arrive $0xFFFF  }
0xe7: {  	s11 =	sshrl.u32 s8, $0x3;
	s0 =	sor.u32 $0x1C05, s0;
	s12 =	rddreg [dreg:$0xc]  }
0xe8: {  	[hbm:s12], [sflag:s0] =	dma.local [spmem:s11], $0x2800  }
0xe9: {  	s16 =	simm.s32 $0x1;
	p0 =	sne.s32 s31, s18;
	_ =	swait.ge [sflag:s20], $0x2800  }
0xea: {  	s21 =	simm.s32 $0x10;
	s17 =	simm.s32 $0x20;
	[sflag:s20] =	ssyncset.done $0x0  }
.Ltmp2:
0xeb: {  	s15 =	rddreg [dreg:$0xd];
	[sflag:s20] =	ssyncadd.s32 $0xFFFFD800;
	(pc) =	sbr.rel @p0 .LBB2_1-.Ltmp2, $4  }
0xec: {  	[hbm:s15@s17], [sflag:s0] =	dma.strided [spmem:s14@s21], $0x50, s16, $0x10   }
0xed: {  	_ =	swait.ge [sflag:s20], $0x50  }
0xee: {  	[sflag:s20] =	ssyncset.done $0x0  }
0xef: {  	[sflag:s20] =	ssyncadd.s32 $0xFFFFFFB0  }
0xf0: {  	_ =	sfence.sel $0x180000  }
0xf1: {  	[bflag:$0x0] =	sbarrier.arrive $0xFFFF  }
0xf2: {  	_ =	strace $0x90000047  }
0xf3: {  	s0 =	stileid.u32;
	[bflag:$0x2] =	sbarrier.arrive $0xFFFF  }
0xf4: {  	p0 =	sne.s32 s0, $0x0;
	s0 =	rddreg [dreg:$0x4]  }
0xf5: {  	s0 =	sadd.s32 @!p0 $0x100000, s0  }
0xf6: {  	[sflag:s0] =	ssyncadd.tile.s32 @!p0 $0x1;
	_ =	shalt  }
.Lfunc_end2:
_tile_overlayer_lowered:
.L_overlay_start_2:
0xf7: {  	(tag) =	ssettag $0x2  }
0xf8: {  	s0 =	rddreg [dreg:$0x0];
	s2 =	stileid.u32  }
0xf9: {  	s1 =	rddreg [dreg:$0x1];
	p0 =	sne.s32 s2, $0x0  }
0xfa: {  	s3 =	rddreg [dreg:$0x2];
	[bflag:$0x3] =	sbarrier.arrive $0xFFFF;
	s2 =	simm.s32 @!p0 $0x1C05  }
0xfb: {  	[timem:s3], [sflag:s2] =	dma.local @!p0 [hbm:s0], s1  }
0xfc: {  	s0 =	simm.s32 @!p0 $0x5  }
0xfd: {  	_ =	swait.ge @!p0 [sflag:s0], s1  }
0xfe: {  	s1 =	ssub.s32 @!p0 $0x0, s1;
	[sflag:s0] =	ssyncset.done @!p0 $0x0  }
0xff: {  	[sflag:s0] =	ssyncadd.s32 @!p0 s1  }
0x100: {  	[bflag:$0x3] =	sbarrier.arrive $0xFFFF  }
0x101: {  	_ =	shalt  }

</sc_bundles>
